<compile_context>
chip_gen: v7x
topology: tpu7x:2x2x1
jax: 0.10.2.dev20260603
libtpu: 0.0.44.dev20260713+nightly
codegen_flags: <defaults>
</compile_context>

<pallas_src>
import jax
import jax.numpy as jnp
from jax import lax
from jax.experimental import pallas as pl
from jax.experimental.pallas import tpu as pltpu
from jax.experimental.pallas import tpu_sc as plsc

VOCAB = 1_000_000
D = 64
T = 200
B = 4096
FLAT = B * T
NC = 2
NS = 16
NW = NC * NS
PER_W = FLAT // NW
CHUNK = 128
NCHUNK = PER_W // CHUNK
NBUF = 4
NGRP = NCHUNK // NBUF
GROUP = NBUF * CHUNK
LANES = 16
KD = D // LANES


def _body(idx_hbm, tok_hbm, pos_hbm, out_hbm,
          ix0, ix1, rows_v, ob0, ob1, pat_v,
          sgi0, sgi1, sg0, sg1, sg2, sg3, so0, so1):
    cid = lax.axis_index("c")
    sid = lax.axis_index("s")
    wid = sid * NC + cid
    w0 = wid * PER_W
    ixg = [ix0, ix1]
    sgi = [sgi0, sgi1]
    sg = [sg0, sg1, sg2, sg3]
    so = [so0, so1]
    outb = [ob0, ob1]

    pltpu.sync_copy(pos_hbm, pat_v)

    def idx_start(g, p):
        pltpu.async_copy(idx_hbm.at[pl.ds(w0 + g * GROUP, GROUP)], ixg[p], sgi[p])

    def idx_wait(g, p):
        pltpu.make_async_copy(
            idx_hbm.at[pl.ds(w0 + g * GROUP, GROUP)], ixg[p], sgi[p]).wait()

    def gather_start(b, p):
        pltpu.async_copy(tok_hbm.at[ixg[p].at[pl.ds(b * CHUNK, CHUNK)]],
                         rows_v.at[b], sg[b])

    def gather_wait(b):
        pltpu.make_async_copy(tok_hbm.at[pl.ds(0, CHUNK)], rows_v.at[b], sg[b]).wait()

    def out_start(ci, ob):
        pltpu.async_copy(outb[ob], out_hbm.at[pl.ds(w0 + ci * CHUNK, CHUNK)], so[ob])

    def out_wait(ci, ob):
        pltpu.make_async_copy(
            outb[ob], out_hbm.at[pl.ds(w0 + ci * CHUNK, CHUNK)], so[ob]).wait()

    def extract_add(ci, b, ob):
        base = lax.rem(w0 + ci * CHUNK, T)

        @plsc.parallel_loop(0, CHUNK, step=1, unroll=8)
        def _(r):
            tt = lax.rem(base + r, T)
            for k in range(KD):
                sl = pl.ds(k * LANES, LANES)
                outb[ob][r, sl] = rows_v[b, r, sl] + pat_v[tt, sl]

    idx_start(0, 0)
    idx_wait(0, 0)
    for b in range(NBUF):
        gather_start(b, 0)

    def phase(g, pv):
        pn = (pv + 1) % 2

        @pl.when(g < NGRP - 1)
        def _():
            idx_start(g + 1, pn)

        for b in range(NBUF):
            ci = NBUF * g + b
            ob = b % 2
            gather_wait(b)
            if b < 2:
                @pl.when(g > 0)
                def _():
                    out_wait(ci - 2, ob)
            else:
                out_wait(ci - 2, ob)
            extract_add(ci, b, ob)
            out_start(ci, ob)

            @pl.when(g < NGRP - 1)
            def _():
                if b == 0:
                    idx_wait(g + 1, pn)
                gather_start(b, pn)

    def g_body(go, _):
        phase(2 * go, 0)
        phase(2 * go + 1, 1)
        return ()

    lax.fori_loop(0, NGRP // 2, g_body, ())
    out_wait(NCHUNK - 2, 0)
    out_wait(NCHUNK - 1, 1)


@jax.jit
def _embed(idx1d, tokp, posp):
    mesh = plsc.VectorSubcoreMesh(core_axis_name="c", subcore_axis_name="s")
    f = pl.kernel(
        _body,
        mesh=mesh,
        out_type=jax.ShapeDtypeStruct((FLAT, D), jnp.float32),
        scratch_types=[
            pltpu.VMEM((GROUP,), jnp.int32),
            pltpu.VMEM((GROUP,), jnp.int32),
            pltpu.VMEM((NBUF, CHUNK, 2 * D), jnp.float32),
            pltpu.VMEM((CHUNK, D), jnp.float32),
            pltpu.VMEM((CHUNK, D), jnp.float32),
            pltpu.VMEM((T, 2 * D), jnp.float32),
        ] + [pltpu.SemaphoreType.DMA] * 8,
        compiler_params=pltpu.CompilerParams(use_tc_tiling_on_sc=True),
    )
    return f(idx1d, tokp, posp)


def kernel(idx, token_embedding_table, position_embedding_table):
    idx1d = idx.astype(jnp.int32).reshape(FLAT)
    tokp = jnp.pad(token_embedding_table, ((0, 0), (0, D)))
    posp = jnp.pad(position_embedding_table, ((0, 0), (0, D)))
    out = _embed(idx1d, tokp, posp)
    return out.reshape(B, T, D)

# --- scband reference (transcript-rebuilt; emitter-appended) ---
"""Pipeline reference for scband-embedder-17746804867788 (READ-ONLY COPY).

The authoritative reference and input builder live on the scoring server;
editing this copy changes nothing except your own understanding.
"""

import jax, jax.numpy as jnp
import numpy as np

VOCAB_SIZE = 1000000
N_EMBD = 64
BLOCK_SIZE = 200
BATCH = 4096
SEQ = 200


def setup_inputs(seed: int = 0) -> dict:
    key = jax.random.key(seed)
    k_idx, k_tok, k_pos = jax.random.split(key, 3)
    idx = jax.random.randint(k_idx, (BATCH, SEQ), 0, VOCAB_SIZE, dtype=jnp.int64 if jax.config.jax_enable_x64 else jnp.int32)
    token_embedding_table = jax.random.normal(k_tok, (VOCAB_SIZE, N_EMBD), dtype=jnp.float32)
    position_embedding_table = jax.random.normal(k_pos, (BLOCK_SIZE, N_EMBD), dtype=jnp.float32)
    return {
        "idx": idx,
        "token_embedding_table": token_embedding_table,
        "position_embedding_table": position_embedding_table,
    }


def reference(idx, token_embedding_table, position_embedding_table):
    B, T = idx.shape
    tok_emb = jnp.take(token_embedding_table, idx, axis=0)          # [B, T, n_embd]
    pos_emb = jnp.take(position_embedding_table, jnp.arange(T), axis=0)  # [T, n_embd]
    return tok_emb + pos_emb[None, :, :]

if __name__ == "__main__":
    import jax
    _d = setup_inputs()
    print(jax.jit(kernel)(*tuple(_d.values())))

</pallas_src>

<mosaic_0001>
#map = affine_map<(d0, d1) -> (0)>
#map1 = affine_map<(d0, d1) -> (0, 0)>
module attributes {stable_mosaic.version = 14 : i64} {
  func.func @_body(%arg0: i32, %arg1: i32, %arg2: memref<819200xi32, #tpu.memory_space<hbm>>, %arg3: memref<1000000x128xf32, #tpu.memory_space<hbm>>, %arg4: memref<200x128xf32, #tpu.memory_space<hbm>>, %arg5: memref<819200x64xf32, #tpu.memory_space<hbm>>, %arg6: memref<512xi32, #tpu.memory_space<vmem>>, %arg7: memref<512xi32, #tpu.memory_space<vmem>>, %arg8: memref<4x128x128xf32, #tpu.memory_space<vmem>>, %arg9: memref<128x64xf32, #tpu.memory_space<vmem>>, %arg10: memref<128x64xf32, #tpu.memory_space<vmem>>, %arg11: memref<200x128xf32, #tpu.memory_space<vmem>>, %arg12: memref<!tpu.dma_semaphore, #tpu.memory_space<semaphore_mem>>, %arg13: memref<!tpu.dma_semaphore, #tpu.memory_space<semaphore_mem>>, %arg14: memref<!tpu.dma_semaphore, #tpu.memory_space<semaphore_mem>>, %arg15: memref<!tpu.dma_semaphore, #tpu.memory_space<semaphore_mem>>, %arg16: memref<!tpu.dma_semaphore, #tpu.memory_space<semaphore_mem>>, %arg17: memref<!tpu.dma_semaphore, #tpu.memory_space<semaphore_mem>>, %arg18: memref<!tpu.dma_semaphore, #tpu.memory_space<semaphore_mem>>, %arg19: memref<!tpu.dma_semaphore, #tpu.memory_space<semaphore_mem>>) attributes {dimension_semantics = [#tpu.dimension_semantics<core_parallel>, #tpu.dimension_semantics<subcore_parallel>], iteration_bounds = array<i64: 2, 16>, scalar_prefetch = 0 : i64, scratch_operands = 14 : i64, tpu.core_type = #tpu.core_type<sc_vector_subcore>, window_params = [{transform_indices = #map}, {transform_indices = #map1}, {transform_indices = #map1}, {transform_indices = #map1}]} {
    %mul3A = arith.constant 2 : i32
    %mul3A_0 = arith.muli %arg1, %mul3A : i32
    %add3A = arith.addi %mul3A_0, %arg0 : i32
    %mul3A_1 = arith.constant 25600 : i32
    %mul3A_2 = arith.muli %add3A, %mul3A_1 : i32
    "tpu.region"() ({
      %run_scoped3A = tpu.sem_alloc : memref<!tpu.dma_semaphore, #tpu.memory_space<semaphore_mem>>
      tpu.enqueue_dma source(%arg4 : memref<200x128xf32, #tpu.memory_space<hbm>>) target(%arg11 : memref<200x128xf32, #tpu.memory_space<vmem>>) target_semaphore(%run_scoped3A : memref<!tpu.dma_semaphore, #tpu.memory_space<semaphore_mem>>)
      tpu.wait_dma2 semaphore(%run_scoped3A : memref<!tpu.dma_semaphore, #tpu.memory_space<semaphore_mem>>) src(%arg4 : memref<200x128xf32, #tpu.memory_space<hbm>>) dst(%arg11 : memref<200x128xf32, #tpu.memory_space<vmem>>)
      tpu.yield
    }) : () -> ()
    %add3A_3 = arith.constant 0 : i32
    %add3A_4 = arith.addi %mul3A_2, %add3A_3 : i32
    %dma_start3A = tpu.memref_slice %arg2[%add3A_4] : memref<819200xi32, #tpu.memory_space<hbm>> -> memref<512xi32, #tpu.memory_space<hbm>>
    %dma_start3A_5 = tpu.memref_slice %arg2[%add3A_4] : memref<819200xi32, #tpu.memory_space<hbm>> -> memref<512xi32, #tpu.memory_space<hbm>>
    tpu.enqueue_dma source(%dma_start3A_5 : memref<512xi32, #tpu.memory_space<hbm>>) target(%arg6 : memref<512xi32, #tpu.memory_space<vmem>>) target_semaphore(%arg12 : memref<!tpu.dma_semaphore, #tpu.memory_space<semaphore_mem>>)
    %add3A_6 = arith.constant 0 : i32
    %add3A_7 = arith.addi %mul3A_2, %add3A_6 : i32
    %dma_wait3A = tpu.memref_slice %arg2[%add3A_7] : memref<819200xi32, #tpu.memory_space<hbm>> -> memref<512xi32, #tpu.memory_space<hbm>>
    %dma_wait3A_8 = tpu.memref_slice %arg2[%add3A_7] : memref<819200xi32, #tpu.memory_space<hbm>> -> memref<512xi32, #tpu.memory_space<hbm>>
    tpu.wait_dma2 semaphore(%arg12 : memref<!tpu.dma_semaphore, #tpu.memory_space<semaphore_mem>>) src(%dma_wait3A_8 : memref<512xi32, #tpu.memory_space<hbm>>) dst(%arg6 : memref<512xi32, #tpu.memory_space<vmem>>)
    %dma_start3A_9 = arith.constant 0 : i32
    %dma_start3A_10 = arith.constant 0 : i32
    %dma_start3A_11 = arith.constant 0 : i32
    %dma_start3A_12 = tpu.memref_slice %arg8[%dma_start3A_9, %dma_start3A_10, %dma_start3A_11] : memref<4x128x128xf32, #tpu.memory_space<vmem>> -> memref<1x128x128xf32, #tpu.memory_space<vmem>>
    %dma_start3A_13 = tpu.memref_squeeze %dma_start3A_12 : memref<1x128x128xf32, #tpu.memory_space<vmem>> -> memref<128x128xf32, #tpu.memory_space<vmem>>
    %dma_start3A_14 = arith.constant 0 : i32
    %dma_start3A_15 = tpu.memref_slice %arg6[%dma_start3A_14] : memref<512xi32, #tpu.memory_space<vmem>> -> memref<128xi32, #tpu.memory_space<vmem>>
    %dma_start3A_16 = arith.constant 0 : i32
    %dma_start3A_17 = arith.constant 0 : i32
    %dma_start3A_18 = tpu.memref_slice %arg3[%dma_start3A_16, %dma_start3A_17] : memref<1000000x128xf32, #tpu.memory_space<hbm>> -> memref<1000000x128xf32, #tpu.memory_space<hbm>>
    tpu.enqueue_indirect_dma source(%dma_start3A_18 : memref<1000000x128xf32, #tpu.memory_space<hbm>>) target(%dma_start3A_13 : memref<128x128xf32, #tpu.memory_space<vmem>>) offsets(%dma_start3A_15 : memref<128xi32, #tpu.memory_space<vmem>>) semaphore(%arg14 : memref<!tpu.dma_semaphore, #tpu.memory_space<semaphore_mem>>)
    %dma_start3A_19 = arith.constant 1 : i32
    %dma_start3A_20 = arith.constant 0 : i32
    %dma_start3A_21 = arith.constant 0 : i32
    %dma_start3A_22 = tpu.memref_slice %arg8[%dma_start3A_19, %dma_start3A_20, %dma_start3A_21] : memref<4x128x128xf32, #tpu.memory_space<vmem>> -> memref<1x128x128xf32, #tpu.memory_space<vmem>>
    %dma_start3A_23 = tpu.memref_squeeze %dma_start3A_22 : memref<1x128x128xf32, #tpu.memory_space<vmem>> -> memref<128x128xf32, #tpu.memory_space<vmem>>
    %dma_start3A_24 = arith.constant 128 : i32
    %dma_start3A_25 = tpu.memref_slice %arg6[%dma_start3A_24] : memref<512xi32, #tpu.memory_space<vmem>> -> memref<128xi32, #tpu.memory_space<vmem>>
    %dma_start3A_26 = arith.constant 0 : i32
    %dma_start3A_27 = arith.constant 0 : i32
    %dma_start3A_28 = tpu.memref_slice %arg3[%dma_start3A_26, %dma_start3A_27] : memref<1000000x128xf32, #tpu.memory_space<hbm>> -> memref<1000000x128xf32, #tpu.memory_space<hbm>>
    tpu.enqueue_indirect_dma source(%dma_start3A_28 : memref<1000000x128xf32, #tpu.memory_space<hbm>>) target(%dma_start3A_23 : memref<128x128xf32, #tpu.memory_space<vmem>>) offsets(%dma_start3A_25 : memref<128xi32, #tpu.memory_space<vmem>>) semaphore(%arg15 : memref<!tpu.dma_semaphore, #tpu.memory_space<semaphore_mem>>)
    %dma_start3A_29 = arith.constant 2 : i32
    %dma_start3A_30 = arith.constant 0 : i32
    %dma_start3A_31 = arith.constant 0 : i32
    %dma_start3A_32 = tpu.memref_slice %arg8[%dma_start3A_29, %dma_start3A_30, %dma_start3A_31] : memref<4x128x128xf32, #tpu.memory_space<vmem>> -> memref<1x128x128xf32, #tpu.memory_space<vmem>>
    %dma_start3A_33 = tpu.memref_squeeze %dma_start3A_32 : memref<1x128x128xf32, #tpu.memory_space<vmem>> -> memref<128x128xf32, #tpu.memory_space<vmem>>
    %dma_start3A_34 = arith.constant 256 : i32
    %dma_start3A_35 = tpu.memref_slice %arg6[%dma_start3A_34] : memref<512xi32, #tpu.memory_space<vmem>> -> memref<128xi32, #tpu.memory_space<vmem>>
    %dma_start3A_36 = arith.constant 0 : i32
    %dma_start3A_37 = arith.constant 0 : i32
    %dma_start3A_38 = tpu.memref_slice %arg3[%dma_start3A_36, %dma_start3A_37] : memref<1000000x128xf32, #tpu.memory_space<hbm>> -> memref<1000000x128xf32, #tpu.memory_space<hbm>>
    tpu.enqueue_indirect_dma source(%dma_start3A_38 : memref<1000000x128xf32, #tpu.memory_space<hbm>>) target(%dma_start3A_33 : memref<128x128xf32, #tpu.memory_space<vmem>>) offsets(%dma_start3A_35 : memref<128xi32, #tpu.memory_space<vmem>>) semaphore(%arg16 : memref<!tpu.dma_semaphore, #tpu.memory_space<semaphore_mem>>)
    %dma_start3A_39 = arith.constant 3 : i32
    %dma_start3A_40 = arith.constant 0 : i32
    %dma_start3A_41 = arith.constant 0 : i32
    %dma_start3A_42 = tpu.memref_slice %arg8[%dma_start3A_39, %dma_start3A_40, %dma_start3A_41] : memref<4x128x128xf32, #tpu.memory_space<vmem>> -> memref<1x128x128xf32, #tpu.memory_space<vmem>>
    %dma_start3A_43 = tpu.memref_squeeze %dma_start3A_42 : memref<1x128x128xf32, #tpu.memory_space<vmem>> -> memref<128x128xf32, #tpu.memory_space<vmem>>
    %dma_start3A_44 = arith.constant 384 : i32
    %dma_start3A_45 = tpu.memref_slice %arg6[%dma_start3A_44] : memref<512xi32, #tpu.memory_space<vmem>> -> memref<128xi32, #tpu.memory_space<vmem>>
    %dma_start3A_46 = arith.constant 0 : i32
    %dma_start3A_47 = arith.constant 0 : i32
    %dma_start3A_48 = tpu.memref_slice %arg3[%dma_start3A_46, %dma_start3A_47] : memref<1000000x128xf32, #tpu.memory_space<hbm>> -> memref<1000000x128xf32, #tpu.memory_space<hbm>>
    tpu.enqueue_indirect_dma source(%dma_start3A_48 : memref<1000000x128xf32, #tpu.memory_space<hbm>>) target(%dma_start3A_43 : memref<128x128xf32, #tpu.memory_space<vmem>>) offsets(%dma_start3A_45 : memref<128xi32, #tpu.memory_space<vmem>>) semaphore(%arg17 : memref<!tpu.dma_semaphore, #tpu.memory_space<semaphore_mem>>)
    %scan3A = arith.constant 0 : i32
    %scan3A_49 = arith.constant 25 : i32
    %scan3A_50 = arith.addi %scan3A, %scan3A_49 : i32
    %scan3A_51 = arith.constant 1 : i32
    scf.for %scan3A_65 = %scan3A to %scan3A_50 step %scan3A_51  : i32 {
      %mul3A_66 = arith.constant 2 : i32
      %mul3A_67 = arith.muli %mul3A_66, %scan3A_65 : i32
      %lt3A = arith.constant 49 : i32
      %lt3A_68 = arith.cmpi slt, %mul3A_67, %lt3A : i32
      %convert_element_type3A = arith.extui %lt3A_68 : i1 to i32
      %cond3A = arith.constant 0 : i32
      %cond3A_69 = arith.cmpi ne, %convert_element_type3A, %cond3A : i32
      scf.if %cond3A_69 {
        %add3A_443 = arith.constant 1 : i32
        %add3A_444 = arith.addi %mul3A_67, %add3A_443 : i32
        %mul3A_445 = arith.constant 512 : i32
        %mul3A_446 = arith.muli %add3A_444, %mul3A_445 : i32
        %add3A_447 = arith.addi %mul3A_2, %mul3A_446 : i32
        %dma_start3A_448 = tpu.memref_slice %arg2[%add3A_447] : memref<819200xi32, #tpu.memory_space<hbm>> -> memref<512xi32, #tpu.memory_space<hbm>>
        %dma_start3A_449 = tpu.memref_slice %arg2[%add3A_447] : memref<819200xi32, #tpu.memory_space<hbm>> -> memref<512xi32, #tpu.memory_space<hbm>>
        tpu.enqueue_dma source(%dma_start3A_449 : memref<512xi32, #tpu.memory_space<hbm>>) target(%arg7 : memref<512xi32, #tpu.memory_space<vmem>>) target_semaphore(%arg13 : memref<!tpu.dma_semaphore, #tpu.memory_space<semaphore_mem>>)
      } else {
      }
      %mul3A_70 = arith.constant 4 : i32
      %mul3A_71 = arith.muli %mul3A_70, %mul3A_67 : i32
      %add3A_72 = arith.constant 0 : i32
      %add3A_73 = arith.addi %mul3A_71, %add3A_72 : i32
      %dma_wait3A_74 = arith.constant 0 : i32
      %dma_wait3A_75 = arith.constant 0 : i32
      %dma_wait3A_76 = arith.constant 0 : i32
      %dma_wait3A_77 = tpu.memref_slice %arg8[%dma_wait3A_74, %dma_wait3A_75, %dma_wait3A_76] : memref<4x128x128xf32, #tpu.memory_space<vmem>> -> memref<1x128x128xf32, #tpu.memory_space<vmem>>
      %dma_wait3A_78 = tpu.memref_squeeze %dma_wait3A_77 : memref<1x128x128xf32, #tpu.memory_space<vmem>> -> memref<128x128xf32, #tpu.memory_space<vmem>>
      %dma_wait3A_79 = arith.constant 0 : i32
      %dma_wait3A_80 = arith.constant 0 : i32
      %dma_wait3A_81 = tpu.memref_slice %arg3[%dma_wait3A_79, %dma_wait3A_80] : memref<1000000x128xf32, #tpu.memory_space<hbm>> -> memref<128x128xf32, #tpu.memory_space<hbm>>
      %dma_wait3A_82 = arith.constant 0 : i32
      %dma_wait3A_83 = arith.constant 0 : i32
      %dma_wait3A_84 = tpu.memref_slice %arg8[%dma_wait3A_74, %dma_wait3A_82, %dma_wait3A_83] : memref<4x128x128xf32, #tpu.memory_space<vmem>> -> memref<1x128x128xf32, #tpu.memory_space<vmem>>
      %dma_wait3A_85 = tpu.memref_squeeze %dma_wait3A_84 : memref<1x128x128xf32, #tpu.memory_space<vmem>> -> memref<128x128xf32, #tpu.memory_space<vmem>>
      %dma_wait3A_86 = arith.constant 0 : i32
      %dma_wait3A_87 = arith.constant 0 : i32
      %dma_wait3A_88 = tpu.memref_slice %arg3[%dma_wait3A_86, %dma_wait3A_87] : memref<1000000x128xf32, #tpu.memory_space<hbm>> -> memref<128x128xf32, #tpu.memory_space<hbm>>
      tpu.wait_dma2 semaphore(%arg14 : memref<!tpu.dma_semaphore, #tpu.memory_space<semaphore_mem>>) src(%dma_wait3A_88 : memref<128x128xf32, #tpu.memory_space<hbm>>) dst(%dma_wait3A_85 : memref<128x128xf32, #tpu.memory_space<vmem>>)
      %gt3A = arith.constant 0 : i32
      %gt3A_89 = arith.cmpi sgt, %mul3A_67, %gt3A : i32
      %convert_element_type3A_90 = arith.extui %gt3A_89 : i1 to i32
      %cond3A_91 = arith.constant 0 : i32
      %cond3A_92 = arith.cmpi ne, %convert_element_type3A_90, %cond3A_91 : i32
      scf.if %cond3A_92 {
        %sub3A_443 = arith.constant 2 : i32
        %sub3A_444 = arith.subi %add3A_73, %sub3A_443 : i32
        %mul3A_445 = arith.constant 128 : i32
        %mul3A_446 = arith.muli %sub3A_444, %mul3A_445 : i32
        %add3A_447 = arith.addi %mul3A_2, %mul3A_446 : i32
        %dma_wait3A_448 = arith.constant 0 : i32
        %dma_wait3A_449 = tpu.memref_slice %arg5[%add3A_447, %dma_wait3A_448] : memref<819200x64xf32, #tpu.memory_space<hbm>> -> memref<128x64xf32, #tpu.memory_space<hbm>>
        %dma_wait3A_450 = arith.constant 0 : i32
        %dma_wait3A_451 = tpu.memref_slice %arg5[%add3A_447, %dma_wait3A_450] : memref<819200x64xf32, #tpu.memory_space<hbm>> -> memref<128x64xf32, #tpu.memory_space<hbm>>
        tpu.wait_dma2 semaphore(%arg18 : memref<!tpu.dma_semaphore, #tpu.memory_space<semaphore_mem>>) src(%arg9 : memref<128x64xf32, #tpu.memory_space<vmem>>) dst(%dma_wait3A_451 : memref<128x64xf32, #tpu.memory_space<hbm>>)
      } else {
      }
      %mul3A_93 = arith.constant 128 : i32
      %mul3A_94 = arith.muli %add3A_73, %mul3A_93 : i32
      %add3A_95 = arith.addi %mul3A_2, %mul3A_94 : i32
      %rem3A = arith.constant 200 : i32
      %rem3A_96 = arith.remsi %add3A_95, %rem3A : i32
      %parallel_loop3A = arith.constant 0 : i32
      %parallel_loop3A_97 = arith.constant 128 : i32
      %parallel_loop3A_98 = arith.constant 1 : i32
      scf.for %parallel_loop3A_443 = %parallel_loop3A to %parallel_loop3A_97 step %parallel_loop3A_98  : i32 {
        %parallel_loop3A_444 = arith.addi %rem3A_96, %parallel_loop3A_443 : i32
        %parallel_loop3A_445 = arith.constant 200 : i32
        %parallel_loop3A_446 = arith.remsi %parallel_loop3A_444, %parallel_loop3A_445 : i32
        %parallel_loop3A_447 = arith.constant 0 : i32
        %parallel_loop3A_448 = arith.index_cast %parallel_loop3A_447 : i32 to index
        %parallel_loop3A_449 = arith.index_cast %parallel_loop3A_443 : i32 to index
        %parallel_loop3A_450 = arith.constant 0 : index
        %parallel_loop3A_451 = tpu.vector_load %arg8[%parallel_loop3A_448, %parallel_loop3A_449, %parallel_loop3A_450] {strides = array<i32>} : memref<4x128x128xf32, #tpu.memory_space<vmem>>, vector<1x1x16xf32>,
        %parallel_loop3A_452 = vector.shape_cast %parallel_loop3A_451 : vector<1x1x16xf32> to vector<16xf32>
        %parallel_loop3A_453 = arith.index_cast %parallel_loop3A_446 : i32 to index
        %parallel_loop3A_454 = arith.constant 0 : index
        %parallel_loop3A_455 = tpu.vector_load %arg11[%parallel_loop3A_453, %parallel_loop3A_454] {strides = array<i32>} : memref<200x128xf32, #tpu.memory_space<vmem>>, vector<1x16xf32>,
        %parallel_loop3A_456 = vector.shape_cast %parallel_loop3A_455 : vector<1x16xf32> to vector<16xf32>
        %parallel_loop3A_457 = arith.addf %parallel_loop3A_452, %parallel_loop3A_456 : vector<16xf32>
        %parallel_loop3A_458 = arith.index_cast %parallel_loop3A_443 : i32 to index
        %parallel_loop3A_459 = arith.constant 0 : index
        %parallel_loop3A_460 = tpu.vector_load %arg9[%parallel_loop3A_458, %parallel_loop3A_459] {strides = array<i32>} : memref<128x64xf32, #tpu.memory_space<vmem>>, vector<1x16xf32>,
        %parallel_loop3A_461 = vector.shape_cast %parallel_loop3A_460 : vector<1x16xf32> to vector<16xf32>
        %parallel_loop3A_462 = vector.shape_cast %parallel_loop3A_457 : vector<16xf32> to vector<1x16xf32>
        tpu.vector_store %arg9[%parallel_loop3A_458, %parallel_loop3A_459], %parallel_loop3A_462 {strides = array<i32>} : memref<128x64xf32, #tpu.memory_space<vmem>>, vector<1x16xf32>,
        %parallel_loop3A_463 = arith.constant 0 : i32
        %parallel_loop3A_464 = arith.index_cast %parallel_loop3A_463 : i32 to index
        %parallel_loop3A_465 = arith.index_cast %parallel_loop3A_443 : i32 to index
        %parallel_loop3A_466 = arith.constant 16 : index
        %parallel_loop3A_467 = tpu.vector_load %arg8[%parallel_loop3A_464, %parallel_loop3A_465, %parallel_loop3A_466] {strides = array<i32>} : memref<4x128x128xf32, #tpu.memory_space<vmem>>, vector<1x1x16xf32>,
        %parallel_loop3A_468 = vector.shape_cast %parallel_loop3A_467 : vector<1x1x16xf32> to vector<16xf32>
        %parallel_loop3A_469 = arith.index_cast %parallel_loop3A_446 : i32 to index
        %parallel_loop3A_470 = arith.constant 16 : index
        %parallel_loop3A_471 = tpu.vector_load %arg11[%parallel_loop3A_469, %parallel_loop3A_470] {strides = array<i32>} : memref<200x128xf32, #tpu.memory_space<vmem>>, vector<1x16xf32>,
        %parallel_loop3A_472 = vector.shape_cast %parallel_loop3A_471 : vector<1x16xf32> to vector<16xf32>
        %parallel_loop3A_473 = arith.addf %parallel_loop3A_468, %parallel_loop3A_472 : vector<16xf32>
        %parallel_loop3A_474 = arith.index_cast %parallel_loop3A_443 : i32 to index
        %parallel_loop3A_475 = arith.constant 16 : index
        %parallel_loop3A_476 = tpu.vector_load %arg9[%parallel_loop3A_474, %parallel_loop3A_475] {strides = array<i32>} : memref<128x64xf32, #tpu.memory_space<vmem>>, vector<1x16xf32>,
        %parallel_loop3A_477 = vector.shape_cast %parallel_loop3A_476 : vector<1x16xf32> to vector<16xf32>
        %parallel_loop3A_478 = vector.shape_cast %parallel_loop3A_473 : vector<16xf32> to vector<1x16xf32>
        tpu.vector_store %arg9[%parallel_loop3A_474, %parallel_loop3A_475], %parallel_loop3A_478 {strides = array<i32>} : memref<128x64xf32, #tpu.memory_space<vmem>>, vector<1x16xf32>,
        %parallel_loop3A_479 = arith.constant 0 : i32
        %parallel_loop3A_480 = arith.index_cast %parallel_loop3A_479 : i32 to index
        %parallel_loop3A_481 = arith.index_cast %parallel_loop3A_443 : i32 to index
        %parallel_loop3A_482 = arith.constant 32 : index
        %parallel_loop3A_483 = tpu.vector_load %arg8[%parallel_loop3A_480, %parallel_loop3A_481, %parallel_loop3A_482] {strides = array<i32>} : memref<4x128x128xf32, #tpu.memory_space<vmem>>, vector<1x1x16xf32>,
        %parallel_loop3A_484 = vector.shape_cast %parallel_loop3A_483 : vector<1x1x16xf32> to vector<16xf32>
        %parallel_loop3A_485 = arith.index_cast %parallel_loop3A_446 : i32 to index
        %parallel_loop3A_486 = arith.constant 32 : index
        %parallel_loop3A_487 = tpu.vector_load %arg11[%parallel_loop3A_485, %parallel_loop3A_486] {strides = array<i32>} : memref<200x128xf32, #tpu.memory_space<vmem>>, vector<1x16xf32>,
        %parallel_loop3A_488 = vector.shape_cast %parallel_loop3A_487 : vector<1x16xf32> to vector<16xf32>
        %parallel_loop3A_489 = arith.addf %parallel_loop3A_484, %parallel_loop3A_488 : vector<16xf32>
        %parallel_loop3A_490 = arith.index_cast %parallel_loop3A_443 : i32 to index
        %parallel_loop3A_491 = arith.constant 32 : index
        %parallel_loop3A_492 = tpu.vector_load %arg9[%parallel_loop3A_490, %parallel_loop3A_491] {strides = array<i32>} : memref<128x64xf32, #tpu.memory_space<vmem>>, vector<1x16xf32>,
        %parallel_loop3A_493 = vector.shape_cast %parallel_loop3A_492 : vector<1x16xf32> to vector<16xf32>
        %parallel_loop3A_494 = vector.shape_cast %parallel_loop3A_489 : vector<16xf32> to vector<1x16xf32>
        tpu.vector_store %arg9[%parallel_loop3A_490, %parallel_loop3A_491], %parallel_loop3A_494 {strides = array<i32>} : memref<128x64xf32, #tpu.memory_space<vmem>>, vector<1x16xf32>,
        %parallel_loop3A_495 = arith.constant 0 : i32
        %parallel_loop3A_496 = arith.index_cast %parallel_loop3A_495 : i32 to index
        %parallel_loop3A_497 = arith.index_cast %parallel_loop3A_443 : i32 to index
        %parallel_loop3A_498 = arith.constant 48 : index
        %parallel_loop3A_499 = tpu.vector_load %arg8[%parallel_loop3A_496, %parallel_loop3A_497, %parallel_loop3A_498] {strides = array<i32>} : memref<4x128x128xf32, #tpu.memory_space<vmem>>, vector<1x1x16xf32>,
        %parallel_loop3A_500 = vector.shape_cast %parallel_loop3A_499 : vector<1x1x16xf32> to vector<16xf32>
        %parallel_loop3A_501 = arith.index_cast %parallel_loop3A_446 : i32 to index
        %parallel_loop3A_502 = arith.constant 48 : index
        %parallel_loop3A_503 = tpu.vector_load %arg11[%parallel_loop3A_501, %parallel_loop3A_502] {strides = array<i32>} : memref<200x128xf32, #tpu.memory_space<vmem>>, vector<1x16xf32>,
        %parallel_loop3A_504 = vector.shape_cast %parallel_loop3A_503 : vector<1x16xf32> to vector<16xf32>
        %parallel_loop3A_505 = arith.addf %parallel_loop3A_500, %parallel_loop3A_504 : vector<16xf32>
        %parallel_loop3A_506 = arith.index_cast %parallel_loop3A_443 : i32 to index
        %parallel_loop3A_507 = arith.constant 48 : index
        %parallel_loop3A_508 = tpu.vector_load %arg9[%parallel_loop3A_506, %parallel_loop3A_507] {strides = array<i32>} : memref<128x64xf32, #tpu.memory_space<vmem>>, vector<1x16xf32>,
        %parallel_loop3A_509 = vector.shape_cast %parallel_loop3A_508 : vector<1x16xf32> to vector<16xf32>
        %parallel_loop3A_510 = vector.shape_cast %parallel_loop3A_505 : vector<16xf32> to vector<1x16xf32>
        tpu.vector_store %arg9[%parallel_loop3A_506, %parallel_loop3A_507], %parallel_loop3A_510 {strides = array<i32>} : memref<128x64xf32, #tpu.memory_space<vmem>>, vector<1x16xf32>,
      } {sc.loop_unroll_factor = 8 : i64, sc.parallel_access}
      %mul3A_99 = arith.constant 128 : i32
      %mul3A_100 = arith.muli %add3A_73, %mul3A_99 : i32
      %add3A_101 = arith.addi %mul3A_2, %mul3A_100 : i32
      %dma_start3A_102 = arith.constant 0 : i32
      %dma_start3A_103 = tpu.memref_slice %arg5[%add3A_101, %dma_start3A_102] : memref<819200x64xf32, #tpu.memory_space<hbm>> -> memref<128x64xf32, #tpu.memory_space<hbm>>
      %dma_start3A_104 = arith.constant 0 : i32
      %dma_start3A_105 = tpu.memref_slice %arg5[%add3A_101, %dma_start3A_104] : memref<819200x64xf32, #tpu.memory_space<hbm>> -> memref<128x64xf32, #tpu.memory_space<hbm>>
      tpu.enqueue_dma source(%arg9 : memref<128x64xf32, #tpu.memory_space<vmem>>) target(%dma_start3A_105 : memref<128x64xf32, #tpu.memory_space<hbm>>) target_semaphore(%arg18 : memref<!tpu.dma_semaphore, #tpu.memory_space<semaphore_mem>>)
      %lt3A_106 = arith.constant 49 : i32
      %lt3A_107 = arith.cmpi slt, %mul3A_67, %lt3A_106 : i32
      %convert_element_type3A_108 = arith.extui %lt3A_107 : i1 to i32
      %cond3A_109 = arith.constant 0 : i32
      %cond3A_110 = arith.cmpi ne, %convert_element_type3A_108, %cond3A_109 : i32
      scf.if %cond3A_110 {
        %add3A_443 = arith.constant 1 : i32
        %add3A_444 = arith.addi %mul3A_67, %add3A_443 : i32
        %mul3A_445 = arith.constant 512 : i32
        %mul3A_446 = arith.muli %add3A_444, %mul3A_445 : i32
        %add3A_447 = arith.addi %mul3A_2, %mul3A_446 : i32
        %dma_wait3A_448 = tpu.memref_slice %arg2[%add3A_447] : memref<819200xi32, #tpu.memory_space<hbm>> -> memref<512xi32, #tpu.memory_space<hbm>>
        %dma_wait3A_449 = tpu.memref_slice %arg2[%add3A_447] : memref<819200xi32, #tpu.memory_space<hbm>> -> memref<512xi32, #tpu.memory_space<hbm>>
        tpu.wait_dma2 semaphore(%arg13 : memref<!tpu.dma_semaphore, #tpu.memory_space<semaphore_mem>>) src(%dma_wait3A_449 : memref<512xi32, #tpu.memory_space<hbm>>) dst(%arg7 : memref<512xi32, #tpu.memory_space<vmem>>)
        %dma_start3A_450 = arith.constant 0 : i32
        %dma_start3A_451 = arith.constant 0 : i32
        %dma_start3A_452 = arith.constant 0 : i32
        %dma_start3A_453 = tpu.memref_slice %arg8[%dma_start3A_450, %dma_start3A_451, %dma_start3A_452] : memref<4x128x128xf32, #tpu.memory_space<vmem>> -> memref<1x128x128xf32, #tpu.memory_space<vmem>>
        %dma_start3A_454 = tpu.memref_squeeze %dma_start3A_453 : memref<1x128x128xf32, #tpu.memory_space<vmem>> -> memref<128x128xf32, #tpu.memory_space<vmem>>
        %dma_start3A_455 = arith.constant 0 : i32
        %dma_start3A_456 = tpu.memref_slice %arg7[%dma_start3A_455] : memref<512xi32, #tpu.memory_space<vmem>> -> memref<128xi32, #tpu.memory_space<vmem>>
        %dma_start3A_457 = arith.constant 0 : i32
        %dma_start3A_458 = arith.constant 0 : i32
        %dma_start3A_459 = tpu.memref_slice %arg3[%dma_start3A_457, %dma_start3A_458] : memref<1000000x128xf32, #tpu.memory_space<hbm>> -> memref<1000000x128xf32, #tpu.memory_space<hbm>>
        tpu.enqueue_indirect_dma source(%dma_start3A_459 : memref<1000000x128xf32, #tpu.memory_space<hbm>>) target(%dma_start3A_454 : memref<128x128xf32, #tpu.memory_space<vmem>>) offsets(%dma_start3A_456 : memref<128xi32, #tpu.memory_space<vmem>>) semaphore(%arg14 : memref<!tpu.dma_semaphore, #tpu.memory_space<semaphore_mem>>)
      } else {
      }
      %mul3A_111 = arith.constant 4 : i32
      %mul3A_112 = arith.muli %mul3A_111, %mul3A_67 : i32
      %add3A_113 = arith.constant 1 : i32
      %add3A_114 = arith.addi %mul3A_112, %add3A_113 : i32
      %dma_wait3A_115 = arith.constant 1 : i32
      %dma_wait3A_116 = arith.constant 0 : i32
      %dma_wait3A_117 = arith.constant 0 : i32
      %dma_wait3A_118 = tpu.memref_slice %arg8[%dma_wait3A_115, %dma_wait3A_116, %dma_wait3A_117] : memref<4x128x128xf32, #tpu.memory_space<vmem>> -> memref<1x128x128xf32, #tpu.memory_space<vmem>>
      %dma_wait3A_119 = tpu.memref_squeeze %dma_wait3A_118 : memref<1x128x128xf32, #tpu.memory_space<vmem>> -> memref<128x128xf32, #tpu.memory_space<vmem>>
      %dma_wait3A_120 = arith.constant 0 : i32
      %dma_wait3A_121 = arith.constant 0 : i32
      %dma_wait3A_122 = tpu.memref_slice %arg3[%dma_wait3A_120, %dma_wait3A_121] : memref<1000000x128xf32, #tpu.memory_space<hbm>> -> memref<128x128xf32, #tpu.memory_space<hbm>>
      %dma_wait3A_123 = arith.constant 0 : i32
      %dma_wait3A_124 = arith.constant 0 : i32
      %dma_wait3A_125 = tpu.memref_slice %arg8[%dma_wait3A_115, %dma_wait3A_123, %dma_wait3A_124] : memref<4x128x128xf32, #tpu.memory_space<vmem>> -> memref<1x128x128xf32, #tpu.memory_space<vmem>>
      %dma_wait3A_126 = tpu.memref_squeeze %dma_wait3A_125 : memref<1x128x128xf32, #tpu.memory_space<vmem>> -> memref<128x128xf32, #tpu.memory_space<vmem>>
      %dma_wait3A_127 = arith.constant 0 : i32
      %dma_wait3A_128 = arith.constant 0 : i32
      %dma_wait3A_129 = tpu.memref_slice %arg3[%dma_wait3A_127, %dma_wait3A_128] : memref<1000000x128xf32, #tpu.memory_space<hbm>> -> memref<128x128xf32, #tpu.memory_space<hbm>>
      tpu.wait_dma2 semaphore(%arg15 : memref<!tpu.dma_semaphore, #tpu.memory_space<semaphore_mem>>) src(%dma_wait3A_129 : memref<128x128xf32, #tpu.memory_space<hbm>>) dst(%dma_wait3A_126 : memref<128x128xf32, #tpu.memory_space<vmem>>)
      %gt3A_130 = arith.constant 0 : i32
      %gt3A_131 = arith.cmpi sgt, %mul3A_67, %gt3A_130 : i32
      %convert_element_type3A_132 = arith.extui %gt3A_131 : i1 to i32
      %cond3A_133 = arith.constant 0 : i32
      %cond3A_134 = arith.cmpi ne, %convert_element_type3A_132, %cond3A_133 : i32
      scf.if %cond3A_134 {
        %sub3A_443 = arith.constant 2 : i32
        %sub3A_444 = arith.subi %add3A_114, %sub3A_443 : i32
        %mul3A_445 = arith.constant 128 : i32
        %mul3A_446 = arith.muli %sub3A_444, %mul3A_445 : i32
        %add3A_447 = arith.addi %mul3A_2, %mul3A_446 : i32
        %dma_wait3A_448 = arith.constant 0 : i32
        %dma_wait3A_449 = tpu.memref_slice %arg5[%add3A_447, %dma_wait3A_448] : memref<819200x64xf32, #tpu.memory_space<hbm>> -> memref<128x64xf32, #tpu.memory_space<hbm>>
        %dma_wait3A_450 = arith.constant 0 : i32
        %dma_wait3A_451 = tpu.memref_slice %arg5[%add3A_447, %dma_wait3A_450] : memref<819200x64xf32, #tpu.memory_space<hbm>> -> memref<128x64xf32, #tpu.memory_space<hbm>>
        tpu.wait_dma2 semaphore(%arg19 : memref<!tpu.dma_semaphore, #tpu.memory_space<semaphore_mem>>) src(%arg10 : memref<128x64xf32, #tpu.memory_space<vmem>>) dst(%dma_wait3A_451 : memref<128x64xf32, #tpu.memory_space<hbm>>)
      } else {
      }
      %mul3A_135 = arith.constant 128 : i32
      %mul3A_136 = arith.muli %add3A_114, %mul3A_135 : i32
      %add3A_137 = arith.addi %mul3A_2, %mul3A_136 : i32
      %rem3A_138 = arith.constant 200 : i32
      %rem3A_139 = arith.remsi %add3A_137, %rem3A_138 : i32
      %parallel_loop3A_140 = arith.constant 0 : i32
      %parallel_loop3A_141 = arith.constant 128 : i32
      %parallel_loop3A_142 = arith.constant 1 : i32
      scf.for %parallel_loop3A_443 = %parallel_loop3A_140 to %parallel_loop3A_141 step %parallel_loop3A_142  : i32 {
        %parallel_loop3A_444 = arith.addi %rem3A_139, %parallel_loop3A_443 : i32
        %parallel_loop3A_445 = arith.constant 200 : i32
        %parallel_loop3A_446 = arith.remsi %parallel_loop3A_444, %parallel_loop3A_445 : i32
        %parallel_loop3A_447 = arith.constant 1 : i32
        %parallel_loop3A_448 = arith.index_cast %parallel_loop3A_447 : i32 to index
        %parallel_loop3A_449 = arith.index_cast %parallel_loop3A_443 : i32 to index
        %parallel_loop3A_450 = arith.constant 0 : index
        %parallel_loop3A_451 = tpu.vector_load %arg8[%parallel_loop3A_448, %parallel_loop3A_449, %parallel_loop3A_450] {strides = array<i32>} : memref<4x128x128xf32, #tpu.memory_space<vmem>>, vector<1x1x16xf32>,
        %parallel_loop3A_452 = vector.shape_cast %parallel_loop3A_451 : vector<1x1x16xf32> to vector<16xf32>
        %parallel_loop3A_453 = arith.index_cast %parallel_loop3A_446 : i32 to index
        %parallel_loop3A_454 = arith.constant 0 : index
        %parallel_loop3A_455 = tpu.vector_load %arg11[%parallel_loop3A_453, %parallel_loop3A_454] {strides = array<i32>} : memref<200x128xf32, #tpu.memory_space<vmem>>, vector<1x16xf32>,
        %parallel_loop3A_456 = vector.shape_cast %parallel_loop3A_455 : vector<1x16xf32> to vector<16xf32>
        %parallel_loop3A_457 = arith.addf %parallel_loop3A_452, %parallel_loop3A_456 : vector<16xf32>
        %parallel_loop3A_458 = arith.index_cast %parallel_loop3A_443 : i32 to index
        %parallel_loop3A_459 = arith.constant 0 : index
        %parallel_loop3A_460 = tpu.vector_load %arg10[%parallel_loop3A_458, %parallel_loop3A_459] {strides = array<i32>} : memref<128x64xf32, #tpu.memory_space<vmem>>, vector<1x16xf32>,
        %parallel_loop3A_461 = vector.shape_cast %parallel_loop3A_460 : vector<1x16xf32> to vector<16xf32>
        %parallel_loop3A_462 = vector.shape_cast %parallel_loop3A_457 : vector<16xf32> to vector<1x16xf32>
        tpu.vector_store %arg10[%parallel_loop3A_458, %parallel_loop3A_459], %parallel_loop3A_462 {strides = array<i32>} : memref<128x64xf32, #tpu.memory_space<vmem>>, vector<1x16xf32>,
        %parallel_loop3A_463 = arith.constant 1 : i32
        %parallel_loop3A_464 = arith.index_cast %parallel_loop3A_463 : i32 to index
        %parallel_loop3A_465 = arith.index_cast %parallel_loop3A_443 : i32 to index
        %parallel_loop3A_466 = arith.constant 16 : index
        %parallel_loop3A_467 = tpu.vector_load %arg8[%parallel_loop3A_464, %parallel_loop3A_465, %parallel_loop3A_466] {strides = array<i32>} : memref<4x128x128xf32, #tpu.memory_space<vmem>>, vector<1x1x16xf32>,
        %parallel_loop3A_468 = vector.shape_cast %parallel_loop3A_467 : vector<1x1x16xf32> to vector<16xf32>
        %parallel_loop3A_469 = arith.index_cast %parallel_loop3A_446 : i32 to index
        %parallel_loop3A_470 = arith.constant 16 : index
        %parallel_loop3A_471 = tpu.vector_load %arg11[%parallel_loop3A_469, %parallel_loop3A_470] {strides = array<i32>} : memref<200x128xf32, #tpu.memory_space<vmem>>, vector<1x16xf32>,
        %parallel_loop3A_472 = vector.shape_cast %parallel_loop3A_471 : vector<1x16xf32> to vector<16xf32>
        %parallel_loop3A_473 = arith.addf %parallel_loop3A_468, %parallel_loop3A_472 : vector<16xf32>
        %parallel_loop3A_474 = arith.index_cast %parallel_loop3A_443 : i32 to index
        %parallel_loop3A_475 = arith.constant 16 : index
        %parallel_loop3A_476 = tpu.vector_load %arg10[%parallel_loop3A_474, %parallel_loop3A_475] {strides = array<i32>} : memref<128x64xf32, #tpu.memory_space<vmem>>, vector<1x16xf32>,
        %parallel_loop3A_477 = vector.shape_cast %parallel_loop3A_476 : vector<1x16xf32> to vector<16xf32>
        %parallel_loop3A_478 = vector.shape_cast %parallel_loop3A_473 : vector<16xf32> to vector<1x16xf32>
        tpu.vector_store %arg10[%parallel_loop3A_474, %parallel_loop3A_475], %parallel_loop3A_478 {strides = array<i32>} : memref<128x64xf32, #tpu.memory_space<vmem>>, vector<1x16xf32>,
        %parallel_loop3A_479 = arith.constant 1 : i32
        %parallel_loop3A_480 = arith.index_cast %parallel_loop3A_479 : i32 to index
        %parallel_loop3A_481 = arith.index_cast %parallel_loop3A_443 : i32 to index
        %parallel_loop3A_482 = arith.constant 32 : index
        %parallel_loop3A_483 = tpu.vector_load %arg8[%parallel_loop3A_480, %parallel_loop3A_481, %parallel_loop3A_482] {strides = array<i32>} : memref<4x128x128xf32, #tpu.memory_space<vmem>>, vector<1x1x16xf32>,
        %parallel_loop3A_484 = vector.shape_cast %parallel_loop3A_483 : vector<1x1x16xf32> to vector<16xf32>
        %parallel_loop3A_485 = arith.index_cast %parallel_loop3A_446 : i32 to index
        %parallel_loop3A_486 = arith.constant 32 : index
        %parallel_loop3A_487 = tpu.vector_load %arg11[%parallel_loop3A_485, %parallel_loop3A_486] {strides = array<i32>} : memref<200x128xf32, #tpu.memory_space<vmem>>, vector<1x16xf32>,
        %parallel_loop3A_488 = vector.shape_cast %parallel_loop3A_487 : vector<1x16xf32> to vector<16xf32>
        %parallel_loop3A_489 = arith.addf %parallel_loop3A_484, %parallel_loop3A_488 : vector<16xf32>
        %parallel_loop3A_490 = arith.index_cast %parallel_loop3A_443 : i32 to index
        %parallel_loop3A_491 = arith.constant 32 : index
        %parallel_loop3A_492 = tpu.vector_load %arg10[%parallel_loop3A_490, %parallel_loop3A_491] {strides = array<i32>} : memref<128x64xf32, #tpu.memory_space<vmem>>, vector<1x16xf32>,
        %parallel_loop3A_493 = vector.shape_cast %parallel_loop3A_492 : vector<1x16xf32> to vector<16xf32>
        %parallel_loop3A_494 = vector.shape_cast %parallel_loop3A_489 : vector<16xf32> to vector<1x16xf32>
        tpu.vector_store %arg10[%parallel_loop3A_490, %parallel_loop3A_491], %parallel_loop3A_494 {strides = array<i32>} : memref<128x64xf32, #tpu.memory_space<vmem>>, vector<1x16xf32>,
        %parallel_loop3A_495 = arith.constant 1 : i32
        %parallel_loop3A_496 = arith.index_cast %parallel_loop3A_495 : i32 to index
        %parallel_loop3A_497 = arith.index_cast %parallel_loop3A_443 : i32 to index
        %parallel_loop3A_498 = arith.constant 48 : index
        %parallel_loop3A_499 = tpu.vector_load %arg8[%parallel_loop3A_496, %parallel_loop3A_497, %parallel_loop3A_498] {strides = array<i32>} : memref<4x128x128xf32, #tpu.memory_space<vmem>>, vector<1x1x16xf32>,
        %parallel_loop3A_500 = vector.shape_cast %parallel_loop3A_499 : vector<1x1x16xf32> to vector<16xf32>
        %parallel_loop3A_501 = arith.index_cast %parallel_loop3A_446 : i32 to index
        %parallel_loop3A_502 = arith.constant 48 : index
        %parallel_loop3A_503 = tpu.vector_load %arg11[%parallel_loop3A_501, %parallel_loop3A_502] {strides = array<i32>} : memref<200x128xf32, #tpu.memory_space<vmem>>, vector<1x16xf32>,
        %parallel_loop3A_504 = vector.shape_cast %parallel_loop3A_503 : vector<1x16xf32> to vector<16xf32>
        %parallel_loop3A_505 = arith.addf %parallel_loop3A_500, %parallel_loop3A_504 : vector<16xf32>
        %parallel_loop3A_506 = arith.index_cast %parallel_loop3A_443 : i32 to index
        %parallel_loop3A_507 = arith.constant 48 : index
        %parallel_loop3A_508 = tpu.vector_load %arg10[%parallel_loop3A_506, %parallel_loop3A_507] {strides = array<i32>} : memref<128x64xf32, #tpu.memory_space<vmem>>, vector<1x16xf32>,
        %parallel_loop3A_509 = vector.shape_cast %parallel_loop3A_508 : vector<1x16xf32> to vector<16xf32>
        %parallel_loop3A_510 = vector.shape_cast %parallel_loop3A_505 : vector<16xf32> to vector<1x16xf32>
        tpu.vector_store %arg10[%parallel_loop3A_506, %parallel_loop3A_507], %parallel_loop3A_510 {strides = array<i32>} : memref<128x64xf32, #tpu.memory_space<vmem>>, vector<1x16xf32>,
      } {sc.loop_unroll_factor = 8 : i64, sc.parallel_access}
      %mul3A_143 = arith.constant 128 : i32
      %mul3A_144 = arith.muli %add3A_114, %mul3A_143 : i32
      %add3A_145 = arith.addi %mul3A_2, %mul3A_144 : i32
      %dma_start3A_146 = arith.constant 0 : i32
      %dma_start3A_147 = tpu.memref_slice %arg5[%add3A_145, %dma_start3A_146] : memref<819200x64xf32, #tpu.memory_space<hbm>> -> memref<128x64xf32, #tpu.memory_space<hbm>>
      %dma_start3A_148 = arith.constant 0 : i32
      %dma_start3A_149 = tpu.memref_slice %arg5[%add3A_145, %dma_start3A_148] : memref<819200x64xf32, #tpu.memory_space<hbm>> -> memref<128x64xf32, #tpu.memory_space<hbm>>
      tpu.enqueue_dma source(%arg10 : memref<128x64xf32, #tpu.memory_space<vmem>>) target(%dma_start3A_149 : memref<128x64xf32, #tpu.memory_space<hbm>>) target_semaphore(%arg19 : memref<!tpu.dma_semaphore, #tpu.memory_space<semaphore_mem>>)
      %lt3A_150 = arith.constant 49 : i32
      %lt3A_151 = arith.cmpi slt, %mul3A_67, %lt3A_150 : i32
      %convert_element_type3A_152 = arith.extui %lt3A_151 : i1 to i32
      %cond3A_153 = arith.constant 0 : i32
      %cond3A_154 = arith.cmpi ne, %convert_element_type3A_152, %cond3A_153 : i32
      scf.if %cond3A_154 {
        %dma_start3A_443 = arith.constant 1 : i32
        %dma_start3A_444 = arith.constant 0 : i32
        %dma_start3A_445 = arith.constant 0 : i32
        %dma_start3A_446 = tpu.memref_slice %arg8[%dma_start3A_443, %dma_start3A_444, %dma_start3A_445] : memref<4x128x128xf32, #tpu.memory_space<vmem>> -> memref<1x128x128xf32, #tpu.memory_space<vmem>>
        %dma_start3A_447 = tpu.memref_squeeze %dma_start3A_446 : memref<1x128x128xf32, #tpu.memory_space<vmem>> -> memref<128x128xf32, #tpu.memory_space<vmem>>
        %dma_start3A_448 = arith.constant 128 : i32
        %dma_start3A_449 = tpu.memref_slice %arg7[%dma_start3A_448] : memref<512xi32, #tpu.memory_space<vmem>> -> memref<128xi32, #tpu.memory_space<vmem>>
        %dma_start3A_450 = arith.constant 0 : i32
        %dma_start3A_451 = arith.constant 0 : i32
        %dma_start3A_452 = tpu.memref_slice %arg3[%dma_start3A_450, %dma_start3A_451] : memref<1000000x128xf32, #tpu.memory_space<hbm>> -> memref<1000000x128xf32, #tpu.memory_space<hbm>>
        tpu.enqueue_indirect_dma source(%dma_start3A_452 : memref<1000000x128xf32, #tpu.memory_space<hbm>>) target(%dma_start3A_447 : memref<128x128xf32, #tpu.memory_space<vmem>>) offsets(%dma_start3A_449 : memref<128xi32, #tpu.memory_space<vmem>>) semaphore(%arg15 : memref<!tpu.dma_semaphore, #tpu.memory_space<semaphore_mem>>)
      } else {
      }
      %mul3A_155 = arith.constant 4 : i32
      %mul3A_156 = arith.muli %mul3A_155, %mul3A_67 : i32
      %add3A_157 = arith.constant 2 : i32
      %add3A_158 = arith.addi %mul3A_156, %add3A_157 : i32
      %dma_wait3A_159 = arith.constant 2 : i32
      %dma_wait3A_160 = arith.constant 0 : i32
      %dma_wait3A_161 = arith.constant 0 : i32
      %dma_wait3A_162 = tpu.memref_slice %arg8[%dma_wait3A_159, %dma_wait3A_160, %dma_wait3A_161] : memref<4x128x128xf32, #tpu.memory_space<vmem>> -> memref<1x128x128xf32, #tpu.memory_space<vmem>>
      %dma_wait3A_163 = tpu.memref_squeeze %dma_wait3A_162 : memref<1x128x128xf32, #tpu.memory_space<vmem>> -> memref<128x128xf32, #tpu.memory_space<vmem>>
      %dma_wait3A_164 = arith.constant 0 : i32
      %dma_wait3A_165 = arith.constant 0 : i32
      %dma_wait3A_166 = tpu.memref_slice %arg3[%dma_wait3A_164, %dma_wait3A_165] : memref<1000000x128xf32, #tpu.memory_space<hbm>> -> memref<128x128xf32, #tpu.memory_space<hbm>>
      %dma_wait3A_167 = arith.constant 0 : i32
      %dma_wait3A_168 = arith.constant 0 : i32
      %dma_wait3A_169 = tpu.memref_slice %arg8[%dma_wait3A_159, %dma_wait3A_167, %dma_wait3A_168] : memref<4x128x128xf32, #tpu.memory_space<vmem>> -> memref<1x128x128xf32, #tpu.memory_space<vmem>>
      %dma_wait3A_170 = tpu.memref_squeeze %dma_wait3A_169 : memref<1x128x128xf32, #tpu.memory_space<vmem>> -> memref<128x128xf32, #tpu.memory_space<vmem>>
      %dma_wait3A_171 = arith.constant 0 : i32
      %dma_wait3A_172 = arith.constant 0 : i32
      %dma_wait3A_173 = tpu.memref_slice %arg3[%dma_wait3A_171, %dma_wait3A_172] : memref<1000000x128xf32, #tpu.memory_space<hbm>> -> memref<128x128xf32, #tpu.memory_space<hbm>>
      tpu.wait_dma2 semaphore(%arg16 : memref<!tpu.dma_semaphore, #tpu.memory_space<semaphore_mem>>) src(%dma_wait3A_173 : memref<128x128xf32, #tpu.memory_space<hbm>>) dst(%dma_wait3A_170 : memref<128x128xf32, #tpu.memory_space<vmem>>)
      %sub3A = arith.constant 2 : i32
      %sub3A_174 = arith.subi %add3A_158, %sub3A : i32
      %mul3A_175 = arith.constant 128 : i32
      %mul3A_176 = arith.muli %sub3A_174, %mul3A_175 : i32
      %add3A_177 = arith.addi %mul3A_2, %mul3A_176 : i32
      %dma_wait3A_178 = arith.constant 0 : i32
      %dma_wait3A_179 = tpu.memref_slice %arg5[%add3A_177, %dma_wait3A_178] : memref<819200x64xf32, #tpu.memory_space<hbm>> -> memref<128x64xf32, #tpu.memory_space<hbm>>
      %dma_wait3A_180 = arith.constant 0 : i32
      %dma_wait3A_181 = tpu.memref_slice %arg5[%add3A_177, %dma_wait3A_180] : memref<819200x64xf32, #tpu.memory_space<hbm>> -> memref<128x64xf32, #tpu.memory_space<hbm>>
      tpu.wait_dma2 semaphore(%arg18 : memref<!tpu.dma_semaphore, #tpu.memory_space<semaphore_mem>>) src(%arg9 : memref<128x64xf32, #tpu.memory_space<vmem>>) dst(%dma_wait3A_181 : memref<128x64xf32, #tpu.memory_space<hbm>>)
      %mul3A_182 = arith.constant 128 : i32
      %mul3A_183 = arith.muli %add3A_158, %mul3A_182 : i32
      %add3A_184 = arith.addi %mul3A_2, %mul3A_183 : i32
      %rem3A_185 = arith.constant 200 : i32
      %rem3A_186 = arith.remsi %add3A_184, %rem3A_185 : i32
      %parallel_loop3A_187 = arith.constant 0 : i32
      %parallel_loop3A_188 = arith.constant 128 : i32
      %parallel_loop3A_189 = arith.constant 1 : i32
      scf.for %parallel_loop3A_443 = %parallel_loop3A_187 to %parallel_loop3A_188 step %parallel_loop3A_189  : i32 {
        %parallel_loop3A_444 = arith.addi %rem3A_186, %parallel_loop3A_443 : i32
        %parallel_loop3A_445 = arith.constant 200 : i32
        %parallel_loop3A_446 = arith.remsi %parallel_loop3A_444, %parallel_loop3A_445 : i32
        %parallel_loop3A_447 = arith.constant 2 : i32
        %parallel_loop3A_448 = arith.index_cast %parallel_loop3A_447 : i32 to index
        %parallel_loop3A_449 = arith.index_cast %parallel_loop3A_443 : i32 to index
        %parallel_loop3A_450 = arith.constant 0 : index
        %parallel_loop3A_451 = tpu.vector_load %arg8[%parallel_loop3A_448, %parallel_loop3A_449, %parallel_loop3A_450] {strides = array<i32>} : memref<4x128x128xf32, #tpu.memory_space<vmem>>, vector<1x1x16xf32>,
        %parallel_loop3A_452 = vector.shape_cast %parallel_loop3A_451 : vector<1x1x16xf32> to vector<16xf32>
        %parallel_loop3A_453 = arith.index_cast %parallel_loop3A_446 : i32 to index
        %parallel_loop3A_454 = arith.constant 0 : index
        %parallel_loop3A_455 = tpu.vector_load %arg11[%parallel_loop3A_453, %parallel_loop3A_454] {strides = array<i32>} : memref<200x128xf32, #tpu.memory_space<vmem>>, vector<1x16xf32>,
        %parallel_loop3A_456 = vector.shape_cast %parallel_loop3A_455 : vector<1x16xf32> to vector<16xf32>
        %parallel_loop3A_457 = arith.addf %parallel_loop3A_452, %parallel_loop3A_456 : vector<16xf32>
        %parallel_loop3A_458 = arith.index_cast %parallel_loop3A_443 : i32 to index
        %parallel_loop3A_459 = arith.constant 0 : index
        %parallel_loop3A_460 = tpu.vector_load %arg9[%parallel_loop3A_458, %parallel_loop3A_459] {strides = array<i32>} : memref<128x64xf32, #tpu.memory_space<vmem>>, vector<1x16xf32>,
        %parallel_loop3A_461 = vector.shape_cast %parallel_loop3A_460 : vector<1x16xf32> to vector<16xf32>
        %parallel_loop3A_462 = vector.shape_cast %parallel_loop3A_457 : vector<16xf32> to vector<1x16xf32>
        tpu.vector_store %arg9[%parallel_loop3A_458, %parallel_loop3A_459], %parallel_loop3A_462 {strides = array<i32>} : memref<128x64xf32, #tpu.memory_space<vmem>>, vector<1x16xf32>,
        %parallel_loop3A_463 = arith.constant 2 : i32
        %parallel_loop3A_464 = arith.index_cast %parallel_loop3A_463 : i32 to index
        %parallel_loop3A_465 = arith.index_cast %parallel_loop3A_443 : i32 to index
        %parallel_loop3A_466 = arith.constant 16 : index
        %parallel_loop3A_467 = tpu.vector_load %arg8[%parallel_loop3A_464, %parallel_loop3A_465, %parallel_loop3A_466] {strides = array<i32>} : memref<4x128x128xf32, #tpu.memory_space<vmem>>, vector<1x1x16xf32>,
        %parallel_loop3A_468 = vector.shape_cast %parallel_loop3A_467 : vector<1x1x16xf32> to vector<16xf32>
        %parallel_loop3A_469 = arith.index_cast %parallel_loop3A_446 : i32 to index
        %parallel_loop3A_470 = arith.constant 16 : index
        %parallel_loop3A_471 = tpu.vector_load %arg11[%parallel_loop3A_469, %parallel_loop3A_470] {strides = array<i32>} : memref<200x128xf32, #tpu.memory_space<vmem>>, vector<1x16xf32>,
        %parallel_loop3A_472 = vector.shape_cast %parallel_loop3A_471 : vector<1x16xf32> to vector<16xf32>
        %parallel_loop3A_473 = arith.addf %parallel_loop3A_468, %parallel_loop3A_472 : vector<16xf32>
        %parallel_loop3A_474 = arith.index_cast %parallel_loop3A_443 : i32 to index
        %parallel_loop3A_475 = arith.constant 16 : index
        %parallel_loop3A_476 = tpu.vector_load %arg9[%parallel_loop3A_474, %parallel_loop3A_475] {strides = array<i32>} : memref<128x64xf32, #tpu.memory_space<vmem>>, vector<1x16xf32>,
        %parallel_loop3A_477 = vector.shape_cast %parallel_loop3A_476 : vector<1x16xf32> to vector<16xf32>
        %parallel_loop3A_478 = vector.shape_cast %parallel_loop3A_473 : vector<16xf32> to vector<1x16xf32>
        tpu.vector_store %arg9[%parallel_loop3A_474, %parallel_loop3A_475], %parallel_loop3A_478 {strides = array<i32>} : memref<128x64xf32, #tpu.memory_space<vmem>>, vector<1x16xf32>,
        %parallel_loop3A_479 = arith.constant 2 : i32
        %parallel_loop3A_480 = arith.index_cast %parallel_loop3A_479 : i32 to index
        %parallel_loop3A_481 = arith.index_cast %parallel_loop3A_443 : i32 to index
        %parallel_loop3A_482 = arith.constant 32 : index
        %parallel_loop3A_483 = tpu.vector_load %arg8[%parallel_loop3A_480, %parallel_loop3A_481, %parallel_loop3A_482] {strides = array<i32>} : memref<4x128x128xf32, #tpu.memory_space<vmem>>, vector<1x1x16xf32>,
        %parallel_loop3A_484 = vector.shape_cast %parallel_loop3A_483 : vector<1x1x16xf32> to vector<16xf32>
        %parallel_loop3A_485 = arith.index_cast %parallel_loop3A_446 : i32 to index
        %parallel_loop3A_486 = arith.constant 32 : index
        %parallel_loop3A_487 = tpu.vector_load %arg11[%parallel_loop3A_485, %parallel_loop3A_486] {strides = array<i32>} : memref<200x128xf32, #tpu.memory_space<vmem>>, vector<1x16xf32>,
        %parallel_loop3A_488 = vector.shape_cast %parallel_loop3A_487 : vector<1x16xf32> to vector<16xf32>
        %parallel_loop3A_489 = arith.addf %parallel_loop3A_484, %parallel_loop3A_488 : vector<16xf32>
        %parallel_loop3A_490 = arith.index_cast %parallel_loop3A_443 : i32 to index
        %parallel_loop3A_491 = arith.constant 32 : index
        %parallel_loop3A_492 = tpu.vector_load %arg9[%parallel_loop3A_490, %parallel_loop3A_491] {strides = array<i32>} : memref<128x64xf32, #tpu.memory_space<vmem>>, vector<1x16xf32>,
        %parallel_loop3A_493 = vector.shape_cast %parallel_loop3A_492 : vector<1x16xf32> to vector<16xf32>
        %parallel_loop3A_494 = vector.shape_cast %parallel_loop3A_489 : vector<16xf32> to vector<1x16xf32>
        tpu.vector_store %arg9[%parallel_loop3A_490, %parallel_loop3A_491], %parallel_loop3A_494 {strides = array<i32>} : memref<128x64xf32, #tpu.memory_space<vmem>>, vector<1x16xf32>,
        %parallel_loop3A_495 = arith.constant 2 : i32
        %parallel_loop3A_496 = arith.index_cast %parallel_loop3A_495 : i32 to index
        %parallel_loop3A_497 = arith.index_cast %parallel_loop3A_443 : i32 to index
        %parallel_loop3A_498 = arith.constant 48 : index
        %parallel_loop3A_499 = tpu.vector_load %arg8[%parallel_loop3A_496, %parallel_loop3A_497, %parallel_loop3A_498] {strides = array<i32>} : memref<4x128x128xf32, #tpu.memory_space<vmem>>, vector<1x1x16xf32>,
        %parallel_loop3A_500 = vector.shape_cast %parallel_loop3A_499 : vector<1x1x16xf32> to vector<16xf32>
        %parallel_loop3A_501 = arith.index_cast %parallel_loop3A_446 : i32 to index
        %parallel_loop3A_502 = arith.constant 48 : index
        %parallel_loop3A_503 = tpu.vector_load %arg11[%parallel_loop3A_501, %parallel_loop3A_502] {strides = array<i32>} : memref<200x128xf32, #tpu.memory_space<vmem>>, vector<1x16xf32>,
        %parallel_loop3A_504 = vector.shape_cast %parallel_loop3A_503 : vector<1x16xf32> to vector<16xf32>
        %parallel_loop3A_505 = arith.addf %parallel_loop3A_500, %parallel_loop3A_504 : vector<16xf32>
        %parallel_loop3A_506 = arith.index_cast %parallel_loop3A_443 : i32 to index
        %parallel_loop3A_507 = arith.constant 48 : index
        %parallel_loop3A_508 = tpu.vector_load %arg9[%parallel_loop3A_506, %parallel_loop3A_507] {strides = array<i32>} : memref<128x64xf32, #tpu.memory_space<vmem>>, vector<1x16xf32>,
        %parallel_loop3A_509 = vector.shape_cast %parallel_loop3A_508 : vector<1x16xf32> to vector<16xf32>
        %parallel_loop3A_510 = vector.shape_cast %parallel_loop3A_505 : vector<16xf32> to vector<1x16xf32>
        tpu.vector_store %arg9[%parallel_loop3A_506, %parallel_loop3A_507], %parallel_loop3A_510 {strides = array<i32>} : memref<128x64xf32, #tpu.memory_space<vmem>>, vector<1x16xf32>,
      } {sc.loop_unroll_factor = 8 : i64, sc.parallel_access}
      %mul3A_190 = arith.constant 128 : i32
      %mul3A_191 = arith.muli %add3A_158, %mul3A_190 : i32
      %add3A_192 = arith.addi %mul3A_2, %mul3A_191 : i32
      %dma_start3A_193 = arith.constant 0 : i32
      %dma_start3A_194 = tpu.memref_slice %arg5[%add3A_192, %dma_start3A_193] : memref<819200x64xf32, #tpu.memory_space<hbm>> -> memref<128x64xf32, #tpu.memory_space<hbm>>
      %dma_start3A_195 = arith.constant 0 : i32
      %dma_start3A_196 = tpu.memref_slice %arg5[%add3A_192, %dma_start3A_195] : memref<819200x64xf32, #tpu.memory_space<hbm>> -> memref<128x64xf32, #tpu.memory_space<hbm>>
      tpu.enqueue_dma source(%arg9 : memref<128x64xf32, #tpu.memory_space<vmem>>) target(%dma_start3A_196 : memref<128x64xf32, #tpu.memory_space<hbm>>) target_semaphore(%arg18 : memref<!tpu.dma_semaphore, #tpu.memory_space<semaphore_mem>>)
      %lt3A_197 = arith.constant 49 : i32
      %lt3A_198 = arith.cmpi slt, %mul3A_67, %lt3A_197 : i32
      %convert_element_type3A_199 = arith.extui %lt3A_198 : i1 to i32
      %cond3A_200 = arith.constant 0 : i32
      %cond3A_201 = arith.cmpi ne, %convert_element_type3A_199, %cond3A_200 : i32
      scf.if %cond3A_201 {
        %dma_start3A_443 = arith.constant 2 : i32
        %dma_start3A_444 = arith.constant 0 : i32
        %dma_start3A_445 = arith.constant 0 : i32
        %dma_start3A_446 = tpu.memref_slice %arg8[%dma_start3A_443, %dma_start3A_444, %dma_start3A_445] : memref<4x128x128xf32, #tpu.memory_space<vmem>> -> memref<1x128x128xf32, #tpu.memory_space<vmem>>
        %dma_start3A_447 = tpu.memref_squeeze %dma_start3A_446 : memref<1x128x128xf32, #tpu.memory_space<vmem>> -> memref<128x128xf32, #tpu.memory_space<vmem>>
        %dma_start3A_448 = arith.constant 256 : i32
        %dma_start3A_449 = tpu.memref_slice %arg7[%dma_start3A_448] : memref<512xi32, #tpu.memory_space<vmem>> -> memref<128xi32, #tpu.memory_space<vmem>>
        %dma_start3A_450 = arith.constant 0 : i32
        %dma_start3A_451 = arith.constant 0 : i32
        %dma_start3A_452 = tpu.memref_slice %arg3[%dma_start3A_450, %dma_start3A_451] : memref<1000000x128xf32, #tpu.memory_space<hbm>> -> memref<1000000x128xf32, #tpu.memory_space<hbm>>
        tpu.enqueue_indirect_dma source(%dma_start3A_452 : memref<1000000x128xf32, #tpu.memory_space<hbm>>) target(%dma_start3A_447 : memref<128x128xf32, #tpu.memory_space<vmem>>) offsets(%dma_start3A_449 : memref<128xi32, #tpu.memory_space<vmem>>) semaphore(%arg16 : memref<!tpu.dma_semaphore, #tpu.memory_space<semaphore_mem>>)
      } else {
      }
      %mul3A_202 = arith.constant 4 : i32
      %mul3A_203 = arith.muli %mul3A_202, %mul3A_67 : i32
      %add3A_204 = arith.constant 3 : i32
      %add3A_205 = arith.addi %mul3A_203, %add3A_204 : i32
      %dma_wait3A_206 = arith.constant 3 : i32
      %dma_wait3A_207 = arith.constant 0 : i32
      %dma_wait3A_208 = arith.constant 0 : i32
      %dma_wait3A_209 = tpu.memref_slice %arg8[%dma_wait3A_206, %dma_wait3A_207, %dma_wait3A_208] : memref<4x128x128xf32, #tpu.memory_space<vmem>> -> memref<1x128x128xf32, #tpu.memory_space<vmem>>
      %dma_wait3A_210 = tpu.memref_squeeze %dma_wait3A_209 : memref<1x128x128xf32, #tpu.memory_space<vmem>> -> memref<128x128xf32, #tpu.memory_space<vmem>>
      %dma_wait3A_211 = arith.constant 0 : i32
      %dma_wait3A_212 = arith.constant 0 : i32
      %dma_wait3A_213 = tpu.memref_slice %arg3[%dma_wait3A_211, %dma_wait3A_212] : memref<1000000x128xf32, #tpu.memory_space<hbm>> -> memref<128x128xf32, #tpu.memory_space<hbm>>
      %dma_wait3A_214 = arith.constant 0 : i32
      %dma_wait3A_215 = arith.constant 0 : i32
      %dma_wait3A_216 = tpu.memref_slice %arg8[%dma_wait3A_206, %dma_wait3A_214, %dma_wait3A_215] : memref<4x128x128xf32, #tpu.memory_space<vmem>> -> memref<1x128x128xf32, #tpu.memory_space<vmem>>
      %dma_wait3A_217 = tpu.memref_squeeze %dma_wait3A_216 : memref<1x128x128xf32, #tpu.memory_space<vmem>> -> memref<128x128xf32, #tpu.memory_space<vmem>>
      %dma_wait3A_218 = arith.constant 0 : i32
      %dma_wait3A_219 = arith.constant 0 : i32
      %dma_wait3A_220 = tpu.memref_slice %arg3[%dma_wait3A_218, %dma_wait3A_219] : memref<1000000x128xf32, #tpu.memory_space<hbm>> -> memref<128x128xf32, #tpu.memory_space<hbm>>
      tpu.wait_dma2 semaphore(%arg17 : memref<!tpu.dma_semaphore, #tpu.memory_space<semaphore_mem>>) src(%dma_wait3A_220 : memref<128x128xf32, #tpu.memory_space<hbm>>) dst(%dma_wait3A_217 : memref<128x128xf32, #tpu.memory_space<vmem>>)
      %sub3A_221 = arith.constant 2 : i32
      %sub3A_222 = arith.subi %add3A_205, %sub3A_221 : i32
      %mul3A_223 = arith.constant 128 : i32
      %mul3A_224 = arith.muli %sub3A_222, %mul3A_223 : i32
      %add3A_225 = arith.addi %mul3A_2, %mul3A_224 : i32
      %dma_wait3A_226 = arith.constant 0 : i32
      %dma_wait3A_227 = tpu.memref_slice %arg5[%add3A_225, %dma_wait3A_226] : memref<819200x64xf32, #tpu.memory_space<hbm>> -> memref<128x64xf32, #tpu.memory_space<hbm>>
      %dma_wait3A_228 = arith.constant 0 : i32
      %dma_wait3A_229 = tpu.memref_slice %arg5[%add3A_225, %dma_wait3A_228] : memref<819200x64xf32, #tpu.memory_space<hbm>> -> memref<128x64xf32, #tpu.memory_space<hbm>>
      tpu.wait_dma2 semaphore(%arg19 : memref<!tpu.dma_semaphore, #tpu.memory_space<semaphore_mem>>) src(%arg10 : memref<128x64xf32, #tpu.memory_space<vmem>>) dst(%dma_wait3A_229 : memref<128x64xf32, #tpu.memory_space<hbm>>)
      %mul3A_230 = arith.constant 128 : i32
      %mul3A_231 = arith.muli %add3A_205, %mul3A_230 : i32
      %add3A_232 = arith.addi %mul3A_2, %mul3A_231 : i32
      %rem3A_233 = arith.constant 200 : i32
      %rem3A_234 = arith.remsi %add3A_232, %rem3A_233 : i32
      %parallel_loop3A_235 = arith.constant 0 : i32
      %parallel_loop3A_236 = arith.constant 128 : i32
      %parallel_loop3A_237 = arith.constant 1 : i32
      scf.for %parallel_loop3A_443 = %parallel_loop3A_235 to %parallel_loop3A_236 step %parallel_loop3A_237  : i32 {
        %parallel_loop3A_444 = arith.addi %rem3A_234, %parallel_loop3A_443 : i32
        %parallel_loop3A_445 = arith.constant 200 : i32
        %parallel_loop3A_446 = arith.remsi %parallel_loop3A_444, %parallel_loop3A_445 : i32
        %parallel_loop3A_447 = arith.constant 3 : i32
        %parallel_loop3A_448 = arith.index_cast %parallel_loop3A_447 : i32 to index
        %parallel_loop3A_449 = arith.index_cast %parallel_loop3A_443 : i32 to index
        %parallel_loop3A_450 = arith.constant 0 : index
        %parallel_loop3A_451 = tpu.vector_load %arg8[%parallel_loop3A_448, %parallel_loop3A_449, %parallel_loop3A_450] {strides = array<i32>} : memref<4x128x128xf32, #tpu.memory_space<vmem>>, vector<1x1x16xf32>,
        %parallel_loop3A_452 = vector.shape_cast %parallel_loop3A_451 : vector<1x1x16xf32> to vector<16xf32>
        %parallel_loop3A_453 = arith.index_cast %parallel_loop3A_446 : i32 to index
        %parallel_loop3A_454 = arith.constant 0 : index
        %parallel_loop3A_455 = tpu.vector_load %arg11[%parallel_loop3A_453, %parallel_loop3A_454] {strides = array<i32>} : memref<200x128xf32, #tpu.memory_space<vmem>>, vector<1x16xf32>,
        %parallel_loop3A_456 = vector.shape_cast %parallel_loop3A_455 : vector<1x16xf32> to vector<16xf32>
        %parallel_loop3A_457 = arith.addf %parallel_loop3A_452, %parallel_loop3A_456 : vector<16xf32>
        %parallel_loop3A_458 = arith.index_cast %parallel_loop3A_443 : i32 to index
        %parallel_loop3A_459 = arith.constant 0 : index
        %parallel_loop3A_460 = tpu.vector_load %arg10[%parallel_loop3A_458, %parallel_loop3A_459] {strides = array<i32>} : memref<128x64xf32, #tpu.memory_space<vmem>>, vector<1x16xf32>,
        %parallel_loop3A_461 = vector.shape_cast %parallel_loop3A_460 : vector<1x16xf32> to vector<16xf32>
        %parallel_loop3A_462 = vector.shape_cast %parallel_loop3A_457 : vector<16xf32> to vector<1x16xf32>
        tpu.vector_store %arg10[%parallel_loop3A_458, %parallel_loop3A_459], %parallel_loop3A_462 {strides = array<i32>} : memref<128x64xf32, #tpu.memory_space<vmem>>, vector<1x16xf32>,
        %parallel_loop3A_463 = arith.constant 3 : i32
        %parallel_loop3A_464 = arith.index_cast %parallel_loop3A_463 : i32 to index
        %parallel_loop3A_465 = arith.index_cast %parallel_loop3A_443 : i32 to index
        %parallel_loop3A_466 = arith.constant 16 : index
        %parallel_loop3A_467 = tpu.vector_load %arg8[%parallel_loop3A_464, %parallel_loop3A_465, %parallel_loop3A_466] {strides = array<i32>} : memref<4x128x128xf32, #tpu.memory_space<vmem>>, vector<1x1x16xf32>,
        %parallel_loop3A_468 = vector.shape_cast %parallel_loop3A_467 : vector<1x1x16xf32> to vector<16xf32>
        %parallel_loop3A_469 = arith.index_cast %parallel_loop3A_446 : i32 to index
        %parallel_loop3A_470 = arith.constant 16 : index
        %parallel_loop3A_471 = tpu.vector_load %arg11[%parallel_loop3A_469, %parallel_loop3A_470] {strides = array<i32>} : memref<200x128xf32, #tpu.memory_space<vmem>>, vector<1x16xf32>,
        %parallel_loop3A_472 = vector.shape_cast %parallel_loop3A_471 : vector<1x16xf32> to vector<16xf32>
        %parallel_loop3A_473 = arith.addf %parallel_loop3A_468, %parallel_loop3A_472 : vector<16xf32>
        %parallel_loop3A_474 = arith.index_cast %parallel_loop3A_443 : i32 to index
        %parallel_loop3A_475 = arith.constant 16 : index
        %parallel_loop3A_476 = tpu.vector_load %arg10[%parallel_loop3A_474, %parallel_loop3A_475] {strides = array<i32>} : memref<128x64xf32, #tpu.memory_space<vmem>>, vector<1x16xf32>,
        %parallel_loop3A_477 = vector.shape_cast %parallel_loop3A_476 : vector<1x16xf32> to vector<16xf32>
        %parallel_loop3A_478 = vector.shape_cast %parallel_loop3A_473 : vector<16xf32> to vector<1x16xf32>
        tpu.vector_store %arg10[%parallel_loop3A_474, %parallel_loop3A_475], %parallel_loop3A_478 {strides = array<i32>} : memref<128x64xf32, #tpu.memory_space<vmem>>, vector<1x16xf32>,
        %parallel_loop3A_479 = arith.constant 3 : i32
        %parallel_loop3A_480 = arith.index_cast %parallel_loop3A_479 : i32 to index
        %parallel_loop3A_481 = arith.index_cast %parallel_loop3A_443 : i32 to index
        %parallel_loop3A_482 = arith.constant 32 : index
        %parallel_loop3A_483 = tpu.vector_load %arg8[%parallel_loop3A_480, %parallel_loop3A_481, %parallel_loop3A_482] {strides = array<i32>} : memref<4x128x128xf32, #tpu.memory_space<vmem>>, vector<1x1x16xf32>,
        %parallel_loop3A_484 = vector.shape_cast %parallel_loop3A_483 : vector<1x1x16xf32> to vector<16xf32>
        %parallel_loop3A_485 = arith.index_cast %parallel_loop3A_446 : i32 to index
        %parallel_loop3A_486 = arith.constant 32 : index
        %parallel_loop3A_487 = tpu.vector_load %arg11[%parallel_loop3A_485, %parallel_loop3A_486] {strides = array<i32>} : memref<200x128xf32, #tpu.memory_space<vmem>>, vector<1x16xf32>,
        %parallel_loop3A_488 = vector.shape_cast %parallel_loop3A_487 : vector<1x16xf32> to vector<16xf32>
        %parallel_loop3A_489 = arith.addf %parallel_loop3A_484, %parallel_loop3A_488 : vector<16xf32>
        %parallel_loop3A_490 = arith.index_cast %parallel_loop3A_443 : i32 to index
        %parallel_loop3A_491 = arith.constant 32 : index
        %parallel_loop3A_492 = tpu.vector_load %arg10[%parallel_loop3A_490, %parallel_loop3A_491] {strides = array<i32>} : memref<128x64xf32, #tpu.memory_space<vmem>>, vector<1x16xf32>,
        %parallel_loop3A_493 = vector.shape_cast %parallel_loop3A_492 : vector<1x16xf32> to vector<16xf32>
        %parallel_loop3A_494 = vector.shape_cast %parallel_loop3A_489 : vector<16xf32> to vector<1x16xf32>
        tpu.vector_store %arg10[%parallel_loop3A_490, %parallel_loop3A_491], %parallel_loop3A_494 {strides = array<i32>} : memref<128x64xf32, #tpu.memory_space<vmem>>, vector<1x16xf32>,
        %parallel_loop3A_495 = arith.constant 3 : i32
        %parallel_loop3A_496 = arith.index_cast %parallel_loop3A_495 : i32 to index
        %parallel_loop3A_497 = arith.index_cast %parallel_loop3A_443 : i32 to index
        %parallel_loop3A_498 = arith.constant 48 : index
        %parallel_loop3A_499 = tpu.vector_load %arg8[%parallel_loop3A_496, %parallel_loop3A_497, %parallel_loop3A_498] {strides = array<i32>} : memref<4x128x128xf32, #tpu.memory_space<vmem>>, vector<1x1x16xf32>,
        %parallel_loop3A_500 = vector.shape_cast %parallel_loop3A_499 : vector<1x1x16xf32> to vector<16xf32>
        %parallel_loop3A_501 = arith.index_cast %parallel_loop3A_446 : i32 to index
        %parallel_loop3A_502 = arith.constant 48 : index
        %parallel_loop3A_503 = tpu.vector_load %arg11[%parallel_loop3A_501, %parallel_loop3A_502] {strides = array<i32>} : memref<200x128xf32, #tpu.memory_space<vmem>>, vector<1x16xf32>,
        %parallel_loop3A_504 = vector.shape_cast %parallel_loop3A_503 : vector<1x16xf32> to vector<16xf32>
        %parallel_loop3A_505 = arith.addf %parallel_loop3A_500, %parallel_loop3A_504 : vector<16xf32>
        %parallel_loop3A_506 = arith.index_cast %parallel_loop3A_443 : i32 to index
        %parallel_loop3A_507 = arith.constant 48 : index
        %parallel_loop3A_508 = tpu.vector_load %arg10[%parallel_loop3A_506, %parallel_loop3A_507] {strides = array<i32>} : memref<128x64xf32, #tpu.memory_space<vmem>>, vector<1x16xf32>,
        %parallel_loop3A_509 = vector.shape_cast %parallel_loop3A_508 : vector<1x16xf32> to vector<16xf32>
        %parallel_loop3A_510 = vector.shape_cast %parallel_loop3A_505 : vector<16xf32> to vector<1x16xf32>
        tpu.vector_store %arg10[%parallel_loop3A_506, %parallel_loop3A_507], %parallel_loop3A_510 {strides = array<i32>} : memref<128x64xf32, #tpu.memory_space<vmem>>, vector<1x16xf32>,
      } {sc.loop_unroll_factor = 8 : i64, sc.parallel_access}
      %mul3A_238 = arith.constant 128 : i32
      %mul3A_239 = arith.muli %add3A_205, %mul3A_238 : i32
      %add3A_240 = arith.addi %mul3A_2, %mul3A_239 : i32
      %dma_start3A_241 = arith.constant 0 : i32
      %dma_start3A_242 = tpu.memref_slice %arg5[%add3A_240, %dma_start3A_241] : memref<819200x64xf32, #tpu.memory_space<hbm>> -> memref<128x64xf32, #tpu.memory_space<hbm>>
      %dma_start3A_243 = arith.constant 0 : i32
      %dma_start3A_244 = tpu.memref_slice %arg5[%add3A_240, %dma_start3A_243] : memref<819200x64xf32, #tpu.memory_space<hbm>> -> memref<128x64xf32, #tpu.memory_space<hbm>>
      tpu.enqueue_dma source(%arg10 : memref<128x64xf32, #tpu.memory_space<vmem>>) target(%dma_start3A_244 : memref<128x64xf32, #tpu.memory_space<hbm>>) target_semaphore(%arg19 : memref<!tpu.dma_semaphore, #tpu.memory_space<semaphore_mem>>)
      %lt3A_245 = arith.constant 49 : i32
      %lt3A_246 = arith.cmpi slt, %mul3A_67, %lt3A_245 : i32
      %convert_element_type3A_247 = arith.extui %lt3A_246 : i1 to i32
      %cond3A_248 = arith.constant 0 : i32
      %cond3A_249 = arith.cmpi ne, %convert_element_type3A_247, %cond3A_248 : i32
      scf.if %cond3A_249 {
        %dma_start3A_443 = arith.constant 3 : i32
        %dma_start3A_444 = arith.constant 0 : i32
        %dma_start3A_445 = arith.constant 0 : i32
        %dma_start3A_446 = tpu.memref_slice %arg8[%dma_start3A_443, %dma_start3A_444, %dma_start3A_445] : memref<4x128x128xf32, #tpu.memory_space<vmem>> -> memref<1x128x128xf32, #tpu.memory_space<vmem>>
        %dma_start3A_447 = tpu.memref_squeeze %dma_start3A_446 : memref<1x128x128xf32, #tpu.memory_space<vmem>> -> memref<128x128xf32, #tpu.memory_space<vmem>>
        %dma_start3A_448 = arith.constant 384 : i32
        %dma_start3A_449 = tpu.memref_slice %arg7[%dma_start3A_448] : memref<512xi32, #tpu.memory_space<vmem>> -> memref<128xi32, #tpu.memory_space<vmem>>
        %dma_start3A_450 = arith.constant 0 : i32
        %dma_start3A_451 = arith.constant 0 : i32
        %dma_start3A_452 = tpu.memref_slice %arg3[%dma_start3A_450, %dma_start3A_451] : memref<1000000x128xf32, #tpu.memory_space<hbm>> -> memref<1000000x128xf32, #tpu.memory_space<hbm>>
        tpu.enqueue_indirect_dma source(%dma_start3A_452 : memref<1000000x128xf32, #tpu.memory_space<hbm>>) target(%dma_start3A_447 : memref<128x128xf32, #tpu.memory_space<vmem>>) offsets(%dma_start3A_449 : memref<128xi32, #tpu.memory_space<vmem>>) semaphore(%arg17 : memref<!tpu.dma_semaphore, #tpu.memory_space<semaphore_mem>>)
      } else {
      }
      %mul3A_250 = arith.constant 2 : i32
      %mul3A_251 = arith.muli %mul3A_250, %scan3A_65 : i32
      %add3A_252 = arith.constant 1 : i32
      %add3A_253 = arith.addi %mul3A_251, %add3A_252 : i32
      %lt3A_254 = arith.constant 49 : i32
      %lt3A_255 = arith.cmpi slt, %add3A_253, %lt3A_254 : i32
      %convert_element_type3A_256 = arith.extui %lt3A_255 : i1 to i32
      %cond3A_257 = arith.constant 0 : i32
      %cond3A_258 = arith.cmpi ne, %convert_element_type3A_256, %cond3A_257 : i32
      scf.if %cond3A_258 {
        %add3A_443 = arith.constant 1 : i32
        %add3A_444 = arith.addi %add3A_253, %add3A_443 : i32
        %mul3A_445 = arith.constant 512 : i32
        %mul3A_446 = arith.muli %add3A_444, %mul3A_445 : i32
        %add3A_447 = arith.addi %mul3A_2, %mul3A_446 : i32
        %dma_start3A_448 = tpu.memref_slice %arg2[%add3A_447] : memref<819200xi32, #tpu.memory_space<hbm>> -> memref<512xi32, #tpu.memory_space<hbm>>
        %dma_start3A_449 = tpu.memref_slice %arg2[%add3A_447] : memref<819200xi32, #tpu.memory_space<hbm>> -> memref<512xi32, #tpu.memory_space<hbm>>
        tpu.enqueue_dma source(%dma_start3A_449 : memref<512xi32, #tpu.memory_space<hbm>>) target(%arg6 : memref<512xi32, #tpu.memory_space<vmem>>) target_semaphore(%arg12 : memref<!tpu.dma_semaphore, #tpu.memory_space<semaphore_mem>>)
      } else {
      }
      %mul3A_259 = arith.constant 4 : i32
      %mul3A_260 = arith.muli %mul3A_259, %add3A_253 : i32
      %add3A_261 = arith.constant 0 : i32
      %add3A_262 = arith.addi %mul3A_260, %add3A_261 : i32
      %dma_wait3A_263 = arith.constant 0 : i32
      %dma_wait3A_264 = arith.constant 0 : i32
      %dma_wait3A_265 = arith.constant 0 : i32
      %dma_wait3A_266 = tpu.memref_slice %arg8[%dma_wait3A_263, %dma_wait3A_264, %dma_wait3A_265] : memref<4x128x128xf32, #tpu.memory_space<vmem>> -> memref<1x128x128xf32, #tpu.memory_space<vmem>>
      %dma_wait3A_267 = tpu.memref_squeeze %dma_wait3A_266 : memref<1x128x128xf32, #tpu.memory_space<vmem>> -> memref<128x128xf32, #tpu.memory_space<vmem>>
      %dma_wait3A_268 = arith.constant 0 : i32
      %dma_wait3A_269 = arith.constant 0 : i32
      %dma_wait3A_270 = tpu.memref_slice %arg3[%dma_wait3A_268, %dma_wait3A_269] : memref<1000000x128xf32, #tpu.memory_space<hbm>> -> memref<128x128xf32, #tpu.memory_space<hbm>>
      %dma_wait3A_271 = arith.constant 0 : i32
      %dma_wait3A_272 = arith.constant 0 : i32
      %dma_wait3A_273 = tpu.memref_slice %arg8[%dma_wait3A_263, %dma_wait3A_271, %dma_wait3A_272] : memref<4x128x128xf32, #tpu.memory_space<vmem>> -> memref<1x128x128xf32, #tpu.memory_space<vmem>>
      %dma_wait3A_274 = tpu.memref_squeeze %dma_wait3A_273 : memref<1x128x128xf32, #tpu.memory_space<vmem>> -> memref<128x128xf32, #tpu.memory_space<vmem>>
      %dma_wait3A_275 = arith.constant 0 : i32
      %dma_wait3A_276 = arith.constant 0 : i32
      %dma_wait3A_277 = tpu.memref_slice %arg3[%dma_wait3A_275, %dma_wait3A_276] : memref<1000000x128xf32, #tpu.memory_space<hbm>> -> memref<128x128xf32, #tpu.memory_space<hbm>>
      tpu.wait_dma2 semaphore(%arg14 : memref<!tpu.dma_semaphore, #tpu.memory_space<semaphore_mem>>) src(%dma_wait3A_277 : memref<128x128xf32, #tpu.memory_space<hbm>>) dst(%dma_wait3A_274 : memref<128x128xf32, #tpu.memory_space<vmem>>)
      %gt3A_278 = arith.constant 0 : i32
      %gt3A_279 = arith.cmpi sgt, %add3A_253, %gt3A_278 : i32
      %convert_element_type3A_280 = arith.extui %gt3A_279 : i1 to i32
      %cond3A_281 = arith.constant 0 : i32
      %cond3A_282 = arith.cmpi ne, %convert_element_type3A_280, %cond3A_281 : i32
      scf.if %cond3A_282 {
        %sub3A_443 = arith.constant 2 : i32
        %sub3A_444 = arith.subi %add3A_262, %sub3A_443 : i32
        %mul3A_445 = arith.constant 128 : i32
        %mul3A_446 = arith.muli %sub3A_444, %mul3A_445 : i32
        %add3A_447 = arith.addi %mul3A_2, %mul3A_446 : i32
        %dma_wait3A_448 = arith.constant 0 : i32
        %dma_wait3A_449 = tpu.memref_slice %arg5[%add3A_447, %dma_wait3A_448] : memref<819200x64xf32, #tpu.memory_space<hbm>> -> memref<128x64xf32, #tpu.memory_space<hbm>>
        %dma_wait3A_450 = arith.constant 0 : i32
        %dma_wait3A_451 = tpu.memref_slice %arg5[%add3A_447, %dma_wait3A_450] : memref<819200x64xf32, #tpu.memory_space<hbm>> -> memref<128x64xf32, #tpu.memory_space<hbm>>
        tpu.wait_dma2 semaphore(%arg18 : memref<!tpu.dma_semaphore, #tpu.memory_space<semaphore_mem>>) src(%arg9 : memref<128x64xf32, #tpu.memory_space<vmem>>) dst(%dma_wait3A_451 : memref<128x64xf32, #tpu.memory_space<hbm>>)
      } else {
      }
      %mul3A_283 = arith.constant 128 : i32
      %mul3A_284 = arith.muli %add3A_262, %mul3A_283 : i32
      %add3A_285 = arith.addi %mul3A_2, %mul3A_284 : i32
      %rem3A_286 = arith.constant 200 : i32
      %rem3A_287 = arith.remsi %add3A_285, %rem3A_286 : i32
      %parallel_loop3A_288 = arith.constant 0 : i32
      %parallel_loop3A_289 = arith.constant 128 : i32
      %parallel_loop3A_290 = arith.constant 1 : i32
      scf.for %parallel_loop3A_443 = %parallel_loop3A_288 to %parallel_loop3A_289 step %parallel_loop3A_290  : i32 {
        %parallel_loop3A_444 = arith.addi %rem3A_287, %parallel_loop3A_443 : i32
        %parallel_loop3A_445 = arith.constant 200 : i32
        %parallel_loop3A_446 = arith.remsi %parallel_loop3A_444, %parallel_loop3A_445 : i32
        %parallel_loop3A_447 = arith.constant 0 : i32
        %parallel_loop3A_448 = arith.index_cast %parallel_loop3A_447 : i32 to index
        %parallel_loop3A_449 = arith.index_cast %parallel_loop3A_443 : i32 to index
        %parallel_loop3A_450 = arith.constant 0 : index
        %parallel_loop3A_451 = tpu.vector_load %arg8[%parallel_loop3A_448, %parallel_loop3A_449, %parallel_loop3A_450] {strides = array<i32>} : memref<4x128x128xf32, #tpu.memory_space<vmem>>, vector<1x1x16xf32>,
        %parallel_loop3A_452 = vector.shape_cast %parallel_loop3A_451 : vector<1x1x16xf32> to vector<16xf32>
        %parallel_loop3A_453 = arith.index_cast %parallel_loop3A_446 : i32 to index
        %parallel_loop3A_454 = arith.constant 0 : index
        %parallel_loop3A_455 = tpu.vector_load %arg11[%parallel_loop3A_453, %parallel_loop3A_454] {strides = array<i32>} : memref<200x128xf32, #tpu.memory_space<vmem>>, vector<1x16xf32>,
        %parallel_loop3A_456 = vector.shape_cast %parallel_loop3A_455 : vector<1x16xf32> to vector<16xf32>
        %parallel_loop3A_457 = arith.addf %parallel_loop3A_452, %parallel_loop3A_456 : vector<16xf32>
        %parallel_loop3A_458 = arith.index_cast %parallel_loop3A_443 : i32 to index
        %parallel_loop3A_459 = arith.constant 0 : index
        %parallel_loop3A_460 = tpu.vector_load %arg9[%parallel_loop3A_458, %parallel_loop3A_459] {strides = array<i32>} : memref<128x64xf32, #tpu.memory_space<vmem>>, vector<1x16xf32>,
        %parallel_loop3A_461 = vector.shape_cast %parallel_loop3A_460 : vector<1x16xf32> to vector<16xf32>
        %parallel_loop3A_462 = vector.shape_cast %parallel_loop3A_457 : vector<16xf32> to vector<1x16xf32>
        tpu.vector_store %arg9[%parallel_loop3A_458, %parallel_loop3A_459], %parallel_loop3A_462 {strides = array<i32>} : memref<128x64xf32, #tpu.memory_space<vmem>>, vector<1x16xf32>,
        %parallel_loop3A_463 = arith.constant 0 : i32
        %parallel_loop3A_464 = arith.index_cast %parallel_loop3A_463 : i32 to index
        %parallel_loop3A_465 = arith.index_cast %parallel_loop3A_443 : i32 to index
        %parallel_loop3A_466 = arith.constant 16 : index
        %parallel_loop3A_467 = tpu.vector_load %arg8[%parallel_loop3A_464, %parallel_loop3A_465, %parallel_loop3A_466] {strides = array<i32>} : memref<4x128x128xf32, #tpu.memory_space<vmem>>, vector<1x1x16xf32>,
        %parallel_loop3A_468 = vector.shape_cast %parallel_loop3A_467 : vector<1x1x16xf32> to vector<16xf32>
        %parallel_loop3A_469 = arith.index_cast %parallel_loop3A_446 : i32 to index
        %parallel_loop3A_470 = arith.constant 16 : index
        %parallel_loop3A_471 = tpu.vector_load %arg11[%parallel_loop3A_469, %parallel_loop3A_470] {strides = array<i32>} : memref<200x128xf32, #tpu.memory_space<vmem>>, vector<1x16xf32>,
        %parallel_loop3A_472 = vector.shape_cast %parallel_loop3A_471 : vector<1x16xf32> to vector<16xf32>
        %parallel_loop3A_473 = arith.addf %parallel_loop3A_468, %parallel_loop3A_472 : vector<16xf32>
        %parallel_loop3A_474 = arith.index_cast %parallel_loop3A_443 : i32 to index
        %parallel_loop3A_475 = arith.constant 16 : index
        %parallel_loop3A_476 = tpu.vector_load %arg9[%parallel_loop3A_474, %parallel_loop3A_475] {strides = array<i32>} : memref<128x64xf32, #tpu.memory_space<vmem>>, vector<1x16xf32>,
        %parallel_loop3A_477 = vector.shape_cast %parallel_loop3A_476 : vector<1x16xf32> to vector<16xf32>
        %parallel_loop3A_478 = vector.shape_cast %parallel_loop3A_473 : vector<16xf32> to vector<1x16xf32>
        tpu.vector_store %arg9[%parallel_loop3A_474, %parallel_loop3A_475], %parallel_loop3A_478 {strides = array<i32>} : memref<128x64xf32, #tpu.memory_space<vmem>>, vector<1x16xf32>,
        %parallel_loop3A_479 = arith.constant 0 : i32
        %parallel_loop3A_480 = arith.index_cast %parallel_loop3A_479 : i32 to index
        %parallel_loop3A_481 = arith.index_cast %parallel_loop3A_443 : i32 to index
        %parallel_loop3A_482 = arith.constant 32 : index
        %parallel_loop3A_483 = tpu.vector_load %arg8[%parallel_loop3A_480, %parallel_loop3A_481, %parallel_loop3A_482] {strides = array<i32>} : memref<4x128x128xf32, #tpu.memory_space<vmem>>, vector<1x1x16xf32>,
        %parallel_loop3A_484 = vector.shape_cast %parallel_loop3A_483 : vector<1x1x16xf32> to vector<16xf32>
        %parallel_loop3A_485 = arith.index_cast %parallel_loop3A_446 : i32 to index
        %parallel_loop3A_486 = arith.constant 32 : index
        %parallel_loop3A_487 = tpu.vector_load %arg11[%parallel_loop3A_485, %parallel_loop3A_486] {strides = array<i32>} : memref<200x128xf32, #tpu.memory_space<vmem>>, vector<1x16xf32>,
        %parallel_loop3A_488 = vector.shape_cast %parallel_loop3A_487 : vector<1x16xf32> to vector<16xf32>
        %parallel_loop3A_489 = arith.addf %parallel_loop3A_484, %parallel_loop3A_488 : vector<16xf32>
        %parallel_loop3A_490 = arith.index_cast %parallel_loop3A_443 : i32 to index
        %parallel_loop3A_491 = arith.constant 32 : index
        %parallel_loop3A_492 = tpu.vector_load %arg9[%parallel_loop3A_490, %parallel_loop3A_491] {strides = array<i32>} : memref<128x64xf32, #tpu.memory_space<vmem>>, vector<1x16xf32>,
        %parallel_loop3A_493 = vector.shape_cast %parallel_loop3A_492 : vector<1x16xf32> to vector<16xf32>
        %parallel_loop3A_494 = vector.shape_cast %parallel_loop3A_489 : vector<16xf32> to vector<1x16xf32>
        tpu.vector_store %arg9[%parallel_loop3A_490, %parallel_loop3A_491], %parallel_loop3A_494 {strides = array<i32>} : memref<128x64xf32, #tpu.memory_space<vmem>>, vector<1x16xf32>,
        %parallel_loop3A_495 = arith.constant 0 : i32
        %parallel_loop3A_496 = arith.index_cast %parallel_loop3A_495 : i32 to index
        %parallel_loop3A_497 = arith.index_cast %parallel_loop3A_443 : i32 to index
        %parallel_loop3A_498 = arith.constant 48 : index
        %parallel_loop3A_499 = tpu.vector_load %arg8[%parallel_loop3A_496, %parallel_loop3A_497, %parallel_loop3A_498] {strides = array<i32>} : memref<4x128x128xf32, #tpu.memory_space<vmem>>, vector<1x1x16xf32>,
        %parallel_loop3A_500 = vector.shape_cast %parallel_loop3A_499 : vector<1x1x16xf32> to vector<16xf32>
        %parallel_loop3A_501 = arith.index_cast %parallel_loop3A_446 : i32 to index
        %parallel_loop3A_502 = arith.constant 48 : index
        %parallel_loop3A_503 = tpu.vector_load %arg11[%parallel_loop3A_501, %parallel_loop3A_502] {strides = array<i32>} : memref<200x128xf32, #tpu.memory_space<vmem>>, vector<1x16xf32>,
        %parallel_loop3A_504 = vector.shape_cast %parallel_loop3A_503 : vector<1x16xf32> to vector<16xf32>
        %parallel_loop3A_505 = arith.addf %parallel_loop3A_500, %parallel_loop3A_504 : vector<16xf32>
        %parallel_loop3A_506 = arith.index_cast %parallel_loop3A_443 : i32 to index
        %parallel_loop3A_507 = arith.constant 48 : index
        %parallel_loop3A_508 = tpu.vector_load %arg9[%parallel_loop3A_506, %parallel_loop3A_507] {strides = array<i32>} : memref<128x64xf32, #tpu.memory_space<vmem>>, vector<1x16xf32>,
        %parallel_loop3A_509 = vector.shape_cast %parallel_loop3A_508 : vector<1x16xf32> to vector<16xf32>
        %parallel_loop3A_510 = vector.shape_cast %parallel_loop3A_505 : vector<16xf32> to vector<1x16xf32>
        tpu.vector_store %arg9[%parallel_loop3A_506, %parallel_loop3A_507], %parallel_loop3A_510 {strides = array<i32>} : memref<128x64xf32, #tpu.memory_space<vmem>>, vector<1x16xf32>,
      } {sc.loop_unroll_factor = 8 : i64, sc.parallel_access}
      %mul3A_291 = arith.constant 128 : i32
      %mul3A_292 = arith.muli %add3A_262, %mul3A_291 : i32
      %add3A_293 = arith.addi %mul3A_2, %mul3A_292 : i32
      %dma_start3A_294 = arith.constant 0 : i32
      %dma_start3A_295 = tpu.memref_slice %arg5[%add3A_293, %dma_start3A_294] : memref<819200x64xf32, #tpu.memory_space<hbm>> -> memref<128x64xf32, #tpu.memory_space<hbm>>
      %dma_start3A_296 = arith.constant 0 : i32
      %dma_start3A_297 = tpu.memref_slice %arg5[%add3A_293, %dma_start3A_296] : memref<819200x64xf32, #tpu.memory_space<hbm>> -> memref<128x64xf32, #tpu.memory_space<hbm>>
      tpu.enqueue_dma source(%arg9 : memref<128x64xf32, #tpu.memory_space<vmem>>) target(%dma_start3A_297 : memref<128x64xf32, #tpu.memory_space<hbm>>) target_semaphore(%arg18 : memref<!tpu.dma_semaphore, #tpu.memory_space<semaphore_mem>>)
      %lt3A_298 = arith.constant 49 : i32
      %lt3A_299 = arith.cmpi slt, %add3A_253, %lt3A_298 : i32
      %convert_element_type3A_300 = arith.extui %lt3A_299 : i1 to i32
      %cond3A_301 = arith.constant 0 : i32
      %cond3A_302 = arith.cmpi ne, %convert_element_type3A_300, %cond3A_301 : i32
      scf.if %cond3A_302 {
        %add3A_443 = arith.constant 1 : i32
        %add3A_444 = arith.addi %add3A_253, %add3A_443 : i32
        %mul3A_445 = arith.constant 512 : i32
        %mul3A_446 = arith.muli %add3A_444, %mul3A_445 : i32
        %add3A_447 = arith.addi %mul3A_2, %mul3A_446 : i32
        %dma_wait3A_448 = tpu.memref_slice %arg2[%add3A_447] : memref<819200xi32, #tpu.memory_space<hbm>> -> memref<512xi32, #tpu.memory_space<hbm>>
        %dma_wait3A_449 = tpu.memref_slice %arg2[%add3A_447] : memref<819200xi32, #tpu.memory_space<hbm>> -> memref<512xi32, #tpu.memory_space<hbm>>
        tpu.wait_dma2 semaphore(%arg12 : memref<!tpu.dma_semaphore, #tpu.memory_space<semaphore_mem>>) src(%dma_wait3A_449 : memref<512xi32, #tpu.memory_space<hbm>>) dst(%arg6 : memref<512xi32, #tpu.memory_space<vmem>>)
        %dma_start3A_450 = arith.constant 0 : i32
        %dma_start3A_451 = arith.constant 0 : i32
        %dma_start3A_452 = arith.constant 0 : i32
        %dma_start3A_453 = tpu.memref_slice %arg8[%dma_start3A_450, %dma_start3A_451, %dma_start3A_452] : memref<4x128x128xf32, #tpu.memory_space<vmem>> -> memref<1x128x128xf32, #tpu.memory_space<vmem>>
        %dma_start3A_454 = tpu.memref_squeeze %dma_start3A_453 : memref<1x128x128xf32, #tpu.memory_space<vmem>> -> memref<128x128xf32, #tpu.memory_space<vmem>>
        %dma_start3A_455 = arith.constant 0 : i32
        %dma_start3A_456 = tpu.memref_slice %arg6[%dma_start3A_455] : memref<512xi32, #tpu.memory_space<vmem>> -> memref<128xi32, #tpu.memory_space<vmem>>
        %dma_start3A_457 = arith.constant 0 : i32
        %dma_start3A_458 = arith.constant 0 : i32
        %dma_start3A_459 = tpu.memref_slice %arg3[%dma_start3A_457, %dma_start3A_458] : memref<1000000x128xf32, #tpu.memory_space<hbm>> -> memref<1000000x128xf32, #tpu.memory_space<hbm>>
        tpu.enqueue_indirect_dma source(%dma_start3A_459 : memref<1000000x128xf32, #tpu.memory_space<hbm>>) target(%dma_start3A_454 : memref<128x128xf32, #tpu.memory_space<vmem>>) offsets(%dma_start3A_456 : memref<128xi32, #tpu.memory_space<vmem>>) semaphore(%arg14 : memref<!tpu.dma_semaphore, #tpu.memory_space<semaphore_mem>>)
      } else {
      }
      %mul3A_303 = arith.constant 4 : i32
      %mul3A_304 = arith.muli %mul3A_303, %add3A_253 : i32
      %add3A_305 = arith.constant 1 : i32
      %add3A_306 = arith.addi %mul3A_304, %add3A_305 : i32
      %dma_wait3A_307 = arith.constant 1 : i32
      %dma_wait3A_308 = arith.constant 0 : i32
      %dma_wait3A_309 = arith.constant 0 : i32
      %dma_wait3A_310 = tpu.memref_slice %arg8[%dma_wait3A_307, %dma_wait3A_308, %dma_wait3A_309] : memref<4x128x128xf32, #tpu.memory_space<vmem>> -> memref<1x128x128xf32, #tpu.memory_space<vmem>>
      %dma_wait3A_311 = tpu.memref_squeeze %dma_wait3A_310 : memref<1x128x128xf32, #tpu.memory_space<vmem>> -> memref<128x128xf32, #tpu.memory_space<vmem>>
      %dma_wait3A_312 = arith.constant 0 : i32
      %dma_wait3A_313 = arith.constant 0 : i32
      %dma_wait3A_314 = tpu.memref_slice %arg3[%dma_wait3A_312, %dma_wait3A_313] : memref<1000000x128xf32, #tpu.memory_space<hbm>> -> memref<128x128xf32, #tpu.memory_space<hbm>>
      %dma_wait3A_315 = arith.constant 0 : i32
      %dma_wait3A_316 = arith.constant 0 : i32
      %dma_wait3A_317 = tpu.memref_slice %arg8[%dma_wait3A_307, %dma_wait3A_315, %dma_wait3A_316] : memref<4x128x128xf32, #tpu.memory_space<vmem>> -> memref<1x128x128xf32, #tpu.memory_space<vmem>>
      %dma_wait3A_318 = tpu.memref_squeeze %dma_wait3A_317 : memref<1x128x128xf32, #tpu.memory_space<vmem>> -> memref<128x128xf32, #tpu.memory_space<vmem>>
      %dma_wait3A_319 = arith.constant 0 : i32
      %dma_wait3A_320 = arith.constant 0 : i32
      %dma_wait3A_321 = tpu.memref_slice %arg3[%dma_wait3A_319, %dma_wait3A_320] : memref<1000000x128xf32, #tpu.memory_space<hbm>> -> memref<128x128xf32, #tpu.memory_space<hbm>>
      tpu.wait_dma2 semaphore(%arg15 : memref<!tpu.dma_semaphore, #tpu.memory_space<semaphore_mem>>) src(%dma_wait3A_321 : memref<128x128xf32, #tpu.memory_space<hbm>>) dst(%dma_wait3A_318 : memref<128x128xf32, #tpu.memory_space<vmem>>)
      %gt3A_322 = arith.constant 0 : i32
      %gt3A_323 = arith.cmpi sgt, %add3A_253, %gt3A_322 : i32
      %convert_element_type3A_324 = arith.extui %gt3A_323 : i1 to i32
      %cond3A_325 = arith.constant 0 : i32
      %cond3A_326 = arith.cmpi ne, %convert_element_type3A_324, %cond3A_325 : i32
      scf.if %cond3A_326 {
        %sub3A_443 = arith.constant 2 : i32
        %sub3A_444 = arith.subi %add3A_306, %sub3A_443 : i32
        %mul3A_445 = arith.constant 128 : i32
        %mul3A_446 = arith.muli %sub3A_444, %mul3A_445 : i32
        %add3A_447 = arith.addi %mul3A_2, %mul3A_446 : i32
        %dma_wait3A_448 = arith.constant 0 : i32
        %dma_wait3A_449 = tpu.memref_slice %arg5[%add3A_447, %dma_wait3A_448] : memref<819200x64xf32, #tpu.memory_space<hbm>> -> memref<128x64xf32, #tpu.memory_space<hbm>>
        %dma_wait3A_450 = arith.constant 0 : i32
        %dma_wait3A_451 = tpu.memref_slice %arg5[%add3A_447, %dma_wait3A_450] : memref<819200x64xf32, #tpu.memory_space<hbm>> -> memref<128x64xf32, #tpu.memory_space<hbm>>
        tpu.wait_dma2 semaphore(%arg19 : memref<!tpu.dma_semaphore, #tpu.memory_space<semaphore_mem>>) src(%arg10 : memref<128x64xf32, #tpu.memory_space<vmem>>) dst(%dma_wait3A_451 : memref<128x64xf32, #tpu.memory_space<hbm>>)
      } else {
      }
      %mul3A_327 = arith.constant 128 : i32
      %mul3A_328 = arith.muli %add3A_306, %mul3A_327 : i32
      %add3A_329 = arith.addi %mul3A_2, %mul3A_328 : i32
      %rem3A_330 = arith.constant 200 : i32
      %rem3A_331 = arith.remsi %add3A_329, %rem3A_330 : i32
      %parallel_loop3A_332 = arith.constant 0 : i32
      %parallel_loop3A_333 = arith.constant 128 : i32
      %parallel_loop3A_334 = arith.constant 1 : i32
      scf.for %parallel_loop3A_443 = %parallel_loop3A_332 to %parallel_loop3A_333 step %parallel_loop3A_334  : i32 {
        %parallel_loop3A_444 = arith.addi %rem3A_331, %parallel_loop3A_443 : i32
        %parallel_loop3A_445 = arith.constant 200 : i32
        %parallel_loop3A_446 = arith.remsi %parallel_loop3A_444, %parallel_loop3A_445 : i32
        %parallel_loop3A_447 = arith.constant 1 : i32
        %parallel_loop3A_448 = arith.index_cast %parallel_loop3A_447 : i32 to index
        %parallel_loop3A_449 = arith.index_cast %parallel_loop3A_443 : i32 to index
        %parallel_loop3A_450 = arith.constant 0 : index
        %parallel_loop3A_451 = tpu.vector_load %arg8[%parallel_loop3A_448, %parallel_loop3A_449, %parallel_loop3A_450] {strides = array<i32>} : memref<4x128x128xf32, #tpu.memory_space<vmem>>, vector<1x1x16xf32>,
        %parallel_loop3A_452 = vector.shape_cast %parallel_loop3A_451 : vector<1x1x16xf32> to vector<16xf32>
        %parallel_loop3A_453 = arith.index_cast %parallel_loop3A_446 : i32 to index
        %parallel_loop3A_454 = arith.constant 0 : index
        %parallel_loop3A_455 = tpu.vector_load %arg11[%parallel_loop3A_453, %parallel_loop3A_454] {strides = array<i32>} : memref<200x128xf32, #tpu.memory_space<vmem>>, vector<1x16xf32>,
        %parallel_loop3A_456 = vector.shape_cast %parallel_loop3A_455 : vector<1x16xf32> to vector<16xf32>
        %parallel_loop3A_457 = arith.addf %parallel_loop3A_452, %parallel_loop3A_456 : vector<16xf32>
        %parallel_loop3A_458 = arith.index_cast %parallel_loop3A_443 : i32 to index
        %parallel_loop3A_459 = arith.constant 0 : index
        %parallel_loop3A_460 = tpu.vector_load %arg10[%parallel_loop3A_458, %parallel_loop3A_459] {strides = array<i32>} : memref<128x64xf32, #tpu.memory_space<vmem>>, vector<1x16xf32>,
        %parallel_loop3A_461 = vector.shape_cast %parallel_loop3A_460 : vector<1x16xf32> to vector<16xf32>
        %parallel_loop3A_462 = vector.shape_cast %parallel_loop3A_457 : vector<16xf32> to vector<1x16xf32>
        tpu.vector_store %arg10[%parallel_loop3A_458, %parallel_loop3A_459], %parallel_loop3A_462 {strides = array<i32>} : memref<128x64xf32, #tpu.memory_space<vmem>>, vector<1x16xf32>,
        %parallel_loop3A_463 = arith.constant 1 : i32
        %parallel_loop3A_464 = arith.index_cast %parallel_loop3A_463 : i32 to index
        %parallel_loop3A_465 = arith.index_cast %parallel_loop3A_443 : i32 to index
        %parallel_loop3A_466 = arith.constant 16 : index
        %parallel_loop3A_467 = tpu.vector_load %arg8[%parallel_loop3A_464, %parallel_loop3A_465, %parallel_loop3A_466] {strides = array<i32>} : memref<4x128x128xf32, #tpu.memory_space<vmem>>, vector<1x1x16xf32>,
        %parallel_loop3A_468 = vector.shape_cast %parallel_loop3A_467 : vector<1x1x16xf32> to vector<16xf32>
        %parallel_loop3A_469 = arith.index_cast %parallel_loop3A_446 : i32 to index
        %parallel_loop3A_470 = arith.constant 16 : index
        %parallel_loop3A_471 = tpu.vector_load %arg11[%parallel_loop3A_469, %parallel_loop3A_470] {strides = array<i32>} : memref<200x128xf32, #tpu.memory_space<vmem>>, vector<1x16xf32>,
        %parallel_loop3A_472 = vector.shape_cast %parallel_loop3A_471 : vector<1x16xf32> to vector<16xf32>
        %parallel_loop3A_473 = arith.addf %parallel_loop3A_468, %parallel_loop3A_472 : vector<16xf32>
        %parallel_loop3A_474 = arith.index_cast %parallel_loop3A_443 : i32 to index
        %parallel_loop3A_475 = arith.constant 16 : index
        %parallel_loop3A_476 = tpu.vector_load %arg10[%parallel_loop3A_474, %parallel_loop3A_475] {strides = array<i32>} : memref<128x64xf32, #tpu.memory_space<vmem>>, vector<1x16xf32>,
        %parallel_loop3A_477 = vector.shape_cast %parallel_loop3A_476 : vector<1x16xf32> to vector<16xf32>
        %parallel_loop3A_478 = vector.shape_cast %parallel_loop3A_473 : vector<16xf32> to vector<1x16xf32>
        tpu.vector_store %arg10[%parallel_loop3A_474, %parallel_loop3A_475], %parallel_loop3A_478 {strides = array<i32>} : memref<128x64xf32, #tpu.memory_space<vmem>>, vector<1x16xf32>,
        %parallel_loop3A_479 = arith.constant 1 : i32
        %parallel_loop3A_480 = arith.index_cast %parallel_loop3A_479 : i32 to index
        %parallel_loop3A_481 = arith.index_cast %parallel_loop3A_443 : i32 to index
        %parallel_loop3A_482 = arith.constant 32 : index
        %parallel_loop3A_483 = tpu.vector_load %arg8[%parallel_loop3A_480, %parallel_loop3A_481, %parallel_loop3A_482] {strides = array<i32>} : memref<4x128x128xf32, #tpu.memory_space<vmem>>, vector<1x1x16xf32>,
        %parallel_loop3A_484 = vector.shape_cast %parallel_loop3A_483 : vector<1x1x16xf32> to vector<16xf32>
        %parallel_loop3A_485 = arith.index_cast %parallel_loop3A_446 : i32 to index
        %parallel_loop3A_486 = arith.constant 32 : index
        %parallel_loop3A_487 = tpu.vector_load %arg11[%parallel_loop3A_485, %parallel_loop3A_486] {strides = array<i32>} : memref<200x128xf32, #tpu.memory_space<vmem>>, vector<1x16xf32>,
        %parallel_loop3A_488 = vector.shape_cast %parallel_loop3A_487 : vector<1x16xf32> to vector<16xf32>
        %parallel_loop3A_489 = arith.addf %parallel_loop3A_484, %parallel_loop3A_488 : vector<16xf32>
        %parallel_loop3A_490 = arith.index_cast %parallel_loop3A_443 : i32 to index
        %parallel_loop3A_491 = arith.constant 32 : index
        %parallel_loop3A_492 = tpu.vector_load %arg10[%parallel_loop3A_490, %parallel_loop3A_491] {strides = array<i32>} : memref<128x64xf32, #tpu.memory_space<vmem>>, vector<1x16xf32>,
        %parallel_loop3A_493 = vector.shape_cast %parallel_loop3A_492 : vector<1x16xf32> to vector<16xf32>
        %parallel_loop3A_494 = vector.shape_cast %parallel_loop3A_489 : vector<16xf32> to vector<1x16xf32>
        tpu.vector_store %arg10[%parallel_loop3A_490, %parallel_loop3A_491], %parallel_loop3A_494 {strides = array<i32>} : memref<128x64xf32, #tpu.memory_space<vmem>>, vector<1x16xf32>,
        %parallel_loop3A_495 = arith.constant 1 : i32
        %parallel_loop3A_496 = arith.index_cast %parallel_loop3A_495 : i32 to index
        %parallel_loop3A_497 = arith.index_cast %parallel_loop3A_443 : i32 to index
        %parallel_loop3A_498 = arith.constant 48 : index
        %parallel_loop3A_499 = tpu.vector_load %arg8[%parallel_loop3A_496, %parallel_loop3A_497, %parallel_loop3A_498] {strides = array<i32>} : memref<4x128x128xf32, #tpu.memory_space<vmem>>, vector<1x1x16xf32>,
        %parallel_loop3A_500 = vector.shape_cast %parallel_loop3A_499 : vector<1x1x16xf32> to vector<16xf32>
        %parallel_loop3A_501 = arith.index_cast %parallel_loop3A_446 : i32 to index
        %parallel_loop3A_502 = arith.constant 48 : index
        %parallel_loop3A_503 = tpu.vector_load %arg11[%parallel_loop3A_501, %parallel_loop3A_502] {strides = array<i32>} : memref<200x128xf32, #tpu.memory_space<vmem>>, vector<1x16xf32>,
        %parallel_loop3A_504 = vector.shape_cast %parallel_loop3A_503 : vector<1x16xf32> to vector<16xf32>
        %parallel_loop3A_505 = arith.addf %parallel_loop3A_500, %parallel_loop3A_504 : vector<16xf32>
        %parallel_loop3A_506 = arith.index_cast %parallel_loop3A_443 : i32 to index
        %parallel_loop3A_507 = arith.constant 48 : index
        %parallel_loop3A_508 = tpu.vector_load %arg10[%parallel_loop3A_506, %parallel_loop3A_507] {strides = array<i32>} : memref<128x64xf32, #tpu.memory_space<vmem>>, vector<1x16xf32>,
        %parallel_loop3A_509 = vector.shape_cast %parallel_loop3A_508 : vector<1x16xf32> to vector<16xf32>
        %parallel_loop3A_510 = vector.shape_cast %parallel_loop3A_505 : vector<16xf32> to vector<1x16xf32>
        tpu.vector_store %arg10[%parallel_loop3A_506, %parallel_loop3A_507], %parallel_loop3A_510 {strides = array<i32>} : memref<128x64xf32, #tpu.memory_space<vmem>>, vector<1x16xf32>,
      } {sc.loop_unroll_factor = 8 : i64, sc.parallel_access}
      %mul3A_335 = arith.constant 128 : i32
      %mul3A_336 = arith.muli %add3A_306, %mul3A_335 : i32
      %add3A_337 = arith.addi %mul3A_2, %mul3A_336 : i32
      %dma_start3A_338 = arith.constant 0 : i32
      %dma_start3A_339 = tpu.memref_slice %arg5[%add3A_337, %dma_start3A_338] : memref<819200x64xf32, #tpu.memory_space<hbm>> -> memref<128x64xf32, #tpu.memory_space<hbm>>
      %dma_start3A_340 = arith.constant 0 : i32
      %dma_start3A_341 = tpu.memref_slice %arg5[%add3A_337, %dma_start3A_340] : memref<819200x64xf32, #tpu.memory_space<hbm>> -> memref<128x64xf32, #tpu.memory_space<hbm>>
      tpu.enqueue_dma source(%arg10 : memref<128x64xf32, #tpu.memory_space<vmem>>) target(%dma_start3A_341 : memref<128x64xf32, #tpu.memory_space<hbm>>) target_semaphore(%arg19 : memref<!tpu.dma_semaphore, #tpu.memory_space<semaphore_mem>>)
      %lt3A_342 = arith.constant 49 : i32
      %lt3A_343 = arith.cmpi slt, %add3A_253, %lt3A_342 : i32
      %convert_element_type3A_344 = arith.extui %lt3A_343 : i1 to i32
      %cond3A_345 = arith.constant 0 : i32
      %cond3A_346 = arith.cmpi ne, %convert_element_type3A_344, %cond3A_345 : i32
      scf.if %cond3A_346 {
        %dma_start3A_443 = arith.constant 1 : i32
        %dma_start3A_444 = arith.constant 0 : i32
        %dma_start3A_445 = arith.constant 0 : i32
        %dma_start3A_446 = tpu.memref_slice %arg8[%dma_start3A_443, %dma_start3A_444, %dma_start3A_445] : memref<4x128x128xf32, #tpu.memory_space<vmem>> -> memref<1x128x128xf32, #tpu.memory_space<vmem>>
        %dma_start3A_447 = tpu.memref_squeeze %dma_start3A_446 : memref<1x128x128xf32, #tpu.memory_space<vmem>> -> memref<128x128xf32, #tpu.memory_space<vmem>>
        %dma_start3A_448 = arith.constant 128 : i32
        %dma_start3A_449 = tpu.memref_slice %arg6[%dma_start3A_448] : memref<512xi32, #tpu.memory_space<vmem>> -> memref<128xi32, #tpu.memory_space<vmem>>
        %dma_start3A_450 = arith.constant 0 : i32
        %dma_start3A_451 = arith.constant 0 : i32
        %dma_start3A_452 = tpu.memref_slice %arg3[%dma_start3A_450, %dma_start3A_451] : memref<1000000x128xf32, #tpu.memory_space<hbm>> -> memref<1000000x128xf32, #tpu.memory_space<hbm>>
        tpu.enqueue_indirect_dma source(%dma_start3A_452 : memref<1000000x128xf32, #tpu.memory_space<hbm>>) target(%dma_start3A_447 : memref<128x128xf32, #tpu.memory_space<vmem>>) offsets(%dma_start3A_449 : memref<128xi32, #tpu.memory_space<vmem>>) semaphore(%arg15 : memref<!tpu.dma_semaphore, #tpu.memory_space<semaphore_mem>>)
      } else {
      }
      %mul3A_347 = arith.constant 4 : i32
      %mul3A_348 = arith.muli %mul3A_347, %add3A_253 : i32
      %add3A_349 = arith.constant 2 : i32
      %add3A_350 = arith.addi %mul3A_348, %add3A_349 : i32
      %dma_wait3A_351 = arith.constant 2 : i32
      %dma_wait3A_352 = arith.constant 0 : i32
      %dma_wait3A_353 = arith.constant 0 : i32
      %dma_wait3A_354 = tpu.memref_slice %arg8[%dma_wait3A_351, %dma_wait3A_352, %dma_wait3A_353] : memref<4x128x128xf32, #tpu.memory_space<vmem>> -> memref<1x128x128xf32, #tpu.memory_space<vmem>>
      %dma_wait3A_355 = tpu.memref_squeeze %dma_wait3A_354 : memref<1x128x128xf32, #tpu.memory_space<vmem>> -> memref<128x128xf32, #tpu.memory_space<vmem>>
      %dma_wait3A_356 = arith.constant 0 : i32
      %dma_wait3A_357 = arith.constant 0 : i32
      %dma_wait3A_358 = tpu.memref_slice %arg3[%dma_wait3A_356, %dma_wait3A_357] : memref<1000000x128xf32, #tpu.memory_space<hbm>> -> memref<128x128xf32, #tpu.memory_space<hbm>>
      %dma_wait3A_359 = arith.constant 0 : i32
      %dma_wait3A_360 = arith.constant 0 : i32
      %dma_wait3A_361 = tpu.memref_slice %arg8[%dma_wait3A_351, %dma_wait3A_359, %dma_wait3A_360] : memref<4x128x128xf32, #tpu.memory_space<vmem>> -> memref<1x128x128xf32, #tpu.memory_space<vmem>>
      %dma_wait3A_362 = tpu.memref_squeeze %dma_wait3A_361 : memref<1x128x128xf32, #tpu.memory_space<vmem>> -> memref<128x128xf32, #tpu.memory_space<vmem>>
      %dma_wait3A_363 = arith.constant 0 : i32
      %dma_wait3A_364 = arith.constant 0 : i32
      %dma_wait3A_365 = tpu.memref_slice %arg3[%dma_wait3A_363, %dma_wait3A_364] : memref<1000000x128xf32, #tpu.memory_space<hbm>> -> memref<128x128xf32, #tpu.memory_space<hbm>>
      tpu.wait_dma2 semaphore(%arg16 : memref<!tpu.dma_semaphore, #tpu.memory_space<semaphore_mem>>) src(%dma_wait3A_365 : memref<128x128xf32, #tpu.memory_space<hbm>>) dst(%dma_wait3A_362 : memref<128x128xf32, #tpu.memory_space<vmem>>)
      %sub3A_366 = arith.constant 2 : i32
      %sub3A_367 = arith.subi %add3A_350, %sub3A_366 : i32
      %mul3A_368 = arith.constant 128 : i32
      %mul3A_369 = arith.muli %sub3A_367, %mul3A_368 : i32
      %add3A_370 = arith.addi %mul3A_2, %mul3A_369 : i32
      %dma_wait3A_371 = arith.constant 0 : i32
      %dma_wait3A_372 = tpu.memref_slice %arg5[%add3A_370, %dma_wait3A_371] : memref<819200x64xf32, #tpu.memory_space<hbm>> -> memref<128x64xf32, #tpu.memory_space<hbm>>
      %dma_wait3A_373 = arith.constant 0 : i32
      %dma_wait3A_374 = tpu.memref_slice %arg5[%add3A_370, %dma_wait3A_373] : memref<819200x64xf32, #tpu.memory_space<hbm>> -> memref<128x64xf32, #tpu.memory_space<hbm>>
      tpu.wait_dma2 semaphore(%arg18 : memref<!tpu.dma_semaphore, #tpu.memory_space<semaphore_mem>>) src(%arg9 : memref<128x64xf32, #tpu.memory_space<vmem>>) dst(%dma_wait3A_374 : memref<128x64xf32, #tpu.memory_space<hbm>>)
      %mul3A_375 = arith.constant 128 : i32
      %mul3A_376 = arith.muli %add3A_350, %mul3A_375 : i32
      %add3A_377 = arith.addi %mul3A_2, %mul3A_376 : i32
      %rem3A_378 = arith.constant 200 : i32
      %rem3A_379 = arith.remsi %add3A_377, %rem3A_378 : i32
      %parallel_loop3A_380 = arith.constant 0 : i32
      %parallel_loop3A_381 = arith.constant 128 : i32
      %parallel_loop3A_382 = arith.constant 1 : i32
      scf.for %parallel_loop3A_443 = %parallel_loop3A_380 to %parallel_loop3A_381 step %parallel_loop3A_382  : i32 {
        %parallel_loop3A_444 = arith.addi %rem3A_379, %parallel_loop3A_443 : i32
        %parallel_loop3A_445 = arith.constant 200 : i32
        %parallel_loop3A_446 = arith.remsi %parallel_loop3A_444, %parallel_loop3A_445 : i32
        %parallel_loop3A_447 = arith.constant 2 : i32
        %parallel_loop3A_448 = arith.index_cast %parallel_loop3A_447 : i32 to index
        %parallel_loop3A_449 = arith.index_cast %parallel_loop3A_443 : i32 to index
        %parallel_loop3A_450 = arith.constant 0 : index
        %parallel_loop3A_451 = tpu.vector_load %arg8[%parallel_loop3A_448, %parallel_loop3A_449, %parallel_loop3A_450] {strides = array<i32>} : memref<4x128x128xf32, #tpu.memory_space<vmem>>, vector<1x1x16xf32>,
        %parallel_loop3A_452 = vector.shape_cast %parallel_loop3A_451 : vector<1x1x16xf32> to vector<16xf32>
        %parallel_loop3A_453 = arith.index_cast %parallel_loop3A_446 : i32 to index
        %parallel_loop3A_454 = arith.constant 0 : index
        %parallel_loop3A_455 = tpu.vector_load %arg11[%parallel_loop3A_453, %parallel_loop3A_454] {strides = array<i32>} : memref<200x128xf32, #tpu.memory_space<vmem>>, vector<1x16xf32>,
        %parallel_loop3A_456 = vector.shape_cast %parallel_loop3A_455 : vector<1x16xf32> to vector<16xf32>
        %parallel_loop3A_457 = arith.addf %parallel_loop3A_452, %parallel_loop3A_456 : vector<16xf32>
        %parallel_loop3A_458 = arith.index_cast %parallel_loop3A_443 : i32 to index
        %parallel_loop3A_459 = arith.constant 0 : index
        %parallel_loop3A_460 = tpu.vector_load %arg9[%parallel_loop3A_458, %parallel_loop3A_459] {strides = array<i32>} : memref<128x64xf32, #tpu.memory_space<vmem>>, vector<1x16xf32>,
        %parallel_loop3A_461 = vector.shape_cast %parallel_loop3A_460 : vector<1x16xf32> to vector<16xf32>
        %parallel_loop3A_462 = vector.shape_cast %parallel_loop3A_457 : vector<16xf32> to vector<1x16xf32>
        tpu.vector_store %arg9[%parallel_loop3A_458, %parallel_loop3A_459], %parallel_loop3A_462 {strides = array<i32>} : memref<128x64xf32, #tpu.memory_space<vmem>>, vector<1x16xf32>,
        %parallel_loop3A_463 = arith.constant 2 : i32
        %parallel_loop3A_464 = arith.index_cast %parallel_loop3A_463 : i32 to index
        %parallel_loop3A_465 = arith.index_cast %parallel_loop3A_443 : i32 to index
        %parallel_loop3A_466 = arith.constant 16 : index
        %parallel_loop3A_467 = tpu.vector_load %arg8[%parallel_loop3A_464, %parallel_loop3A_465, %parallel_loop3A_466] {strides = array<i32>} : memref<4x128x128xf32, #tpu.memory_space<vmem>>, vector<1x1x16xf32>,
        %parallel_loop3A_468 = vector.shape_cast %parallel_loop3A_467 : vector<1x1x16xf32> to vector<16xf32>
        %parallel_loop3A_469 = arith.index_cast %parallel_loop3A_446 : i32 to index
        %parallel_loop3A_470 = arith.constant 16 : index
        %parallel_loop3A_471 = tpu.vector_load %arg11[%parallel_loop3A_469, %parallel_loop3A_470] {strides = array<i32>} : memref<200x128xf32, #tpu.memory_space<vmem>>, vector<1x16xf32>,
        %parallel_loop3A_472 = vector.shape_cast %parallel_loop3A_471 : vector<1x16xf32> to vector<16xf32>
        %parallel_loop3A_473 = arith.addf %parallel_loop3A_468, %parallel_loop3A_472 : vector<16xf32>
        %parallel_loop3A_474 = arith.index_cast %parallel_loop3A_443 : i32 to index
        %parallel_loop3A_475 = arith.constant 16 : index
        %parallel_loop3A_476 = tpu.vector_load %arg9[%parallel_loop3A_474, %parallel_loop3A_475] {strides = array<i32>} : memref<128x64xf32, #tpu.memory_space<vmem>>, vector<1x16xf32>,
        %parallel_loop3A_477 = vector.shape_cast %parallel_loop3A_476 : vector<1x16xf32> to vector<16xf32>
        %parallel_loop3A_478 = vector.shape_cast %parallel_loop3A_473 : vector<16xf32> to vector<1x16xf32>
        tpu.vector_store %arg9[%parallel_loop3A_474, %parallel_loop3A_475], %parallel_loop3A_478 {strides = array<i32>} : memref<128x64xf32, #tpu.memory_space<vmem>>, vector<1x16xf32>,
        %parallel_loop3A_479 = arith.constant 2 : i32
        %parallel_loop3A_480 = arith.index_cast %parallel_loop3A_479 : i32 to index
        %parallel_loop3A_481 = arith.index_cast %parallel_loop3A_443 : i32 to index
        %parallel_loop3A_482 = arith.constant 32 : index
        %parallel_loop3A_483 = tpu.vector_load %arg8[%parallel_loop3A_480, %parallel_loop3A_481, %parallel_loop3A_482] {strides = array<i32>} : memref<4x128x128xf32, #tpu.memory_space<vmem>>, vector<1x1x16xf32>,
        %parallel_loop3A_484 = vector.shape_cast %parallel_loop3A_483 : vector<1x1x16xf32> to vector<16xf32>
        %parallel_loop3A_485 = arith.index_cast %parallel_loop3A_446 : i32 to index
        %parallel_loop3A_486 = arith.constant 32 : index
        %parallel_loop3A_487 = tpu.vector_load %arg11[%parallel_loop3A_485, %parallel_loop3A_486] {strides = array<i32>} : memref<200x128xf32, #tpu.memory_space<vmem>>, vector<1x16xf32>,
        %parallel_loop3A_488 = vector.shape_cast %parallel_loop3A_487 : vector<1x16xf32> to vector<16xf32>
        %parallel_loop3A_489 = arith.addf %parallel_loop3A_484, %parallel_loop3A_488 : vector<16xf32>
        %parallel_loop3A_490 = arith.index_cast %parallel_loop3A_443 : i32 to index
        %parallel_loop3A_491 = arith.constant 32 : index
        %parallel_loop3A_492 = tpu.vector_load %arg9[%parallel_loop3A_490, %parallel_loop3A_491] {strides = array<i32>} : memref<128x64xf32, #tpu.memory_space<vmem>>, vector<1x16xf32>,
        %parallel_loop3A_493 = vector.shape_cast %parallel_loop3A_492 : vector<1x16xf32> to vector<16xf32>
        %parallel_loop3A_494 = vector.shape_cast %parallel_loop3A_489 : vector<16xf32> to vector<1x16xf32>
        tpu.vector_store %arg9[%parallel_loop3A_490, %parallel_loop3A_491], %parallel_loop3A_494 {strides = array<i32>} : memref<128x64xf32, #tpu.memory_space<vmem>>, vector<1x16xf32>,
        %parallel_loop3A_495 = arith.constant 2 : i32
        %parallel_loop3A_496 = arith.index_cast %parallel_loop3A_495 : i32 to index
        %parallel_loop3A_497 = arith.index_cast %parallel_loop3A_443 : i32 to index
        %parallel_loop3A_498 = arith.constant 48 : index
        %parallel_loop3A_499 = tpu.vector_load %arg8[%parallel_loop3A_496, %parallel_loop3A_497, %parallel_loop3A_498] {strides = array<i32>} : memref<4x128x128xf32, #tpu.memory_space<vmem>>, vector<1x1x16xf32>,
        %parallel_loop3A_500 = vector.shape_cast %parallel_loop3A_499 : vector<1x1x16xf32> to vector<16xf32>
        %parallel_loop3A_501 = arith.index_cast %parallel_loop3A_446 : i32 to index
        %parallel_loop3A_502 = arith.constant 48 : index
        %parallel_loop3A_503 = tpu.vector_load %arg11[%parallel_loop3A_501, %parallel_loop3A_502] {strides = array<i32>} : memref<200x128xf32, #tpu.memory_space<vmem>>, vector<1x16xf32>,
        %parallel_loop3A_504 = vector.shape_cast %parallel_loop3A_503 : vector<1x16xf32> to vector<16xf32>
        %parallel_loop3A_505 = arith.addf %parallel_loop3A_500, %parallel_loop3A_504 : vector<16xf32>
        %parallel_loop3A_506 = arith.index_cast %parallel_loop3A_443 : i32 to index
        %parallel_loop3A_507 = arith.constant 48 : index
        %parallel_loop3A_508 = tpu.vector_load %arg9[%parallel_loop3A_506, %parallel_loop3A_507] {strides = array<i32>} : memref<128x64xf32, #tpu.memory_space<vmem>>, vector<1x16xf32>,
        %parallel_loop3A_509 = vector.shape_cast %parallel_loop3A_508 : vector<1x16xf32> to vector<16xf32>
        %parallel_loop3A_510 = vector.shape_cast %parallel_loop3A_505 : vector<16xf32> to vector<1x16xf32>
        tpu.vector_store %arg9[%parallel_loop3A_506, %parallel_loop3A_507], %parallel_loop3A_510 {strides = array<i32>} : memref<128x64xf32, #tpu.memory_space<vmem>>, vector<1x16xf32>,
      } {sc.loop_unroll_factor = 8 : i64, sc.parallel_access}
      %mul3A_383 = arith.constant 128 : i32
      %mul3A_384 = arith.muli %add3A_350, %mul3A_383 : i32
      %add3A_385 = arith.addi %mul3A_2, %mul3A_384 : i32
      %dma_start3A_386 = arith.constant 0 : i32
      %dma_start3A_387 = tpu.memref_slice %arg5[%add3A_385, %dma_start3A_386] : memref<819200x64xf32, #tpu.memory_space<hbm>> -> memref<128x64xf32, #tpu.memory_space<hbm>>
      %dma_start3A_388 = arith.constant 0 : i32
      %dma_start3A_389 = tpu.memref_slice %arg5[%add3A_385, %dma_start3A_388] : memref<819200x64xf32, #tpu.memory_space<hbm>> -> memref<128x64xf32, #tpu.memory_space<hbm>>
      tpu.enqueue_dma source(%arg9 : memref<128x64xf32, #tpu.memory_space<vmem>>) target(%dma_start3A_389 : memref<128x64xf32, #tpu.memory_space<hbm>>) target_semaphore(%arg18 : memref<!tpu.dma_semaphore, #tpu.memory_space<semaphore_mem>>)
      %lt3A_390 = arith.constant 49 : i32
      %lt3A_391 = arith.cmpi slt, %add3A_253, %lt3A_390 : i32
      %convert_element_type3A_392 = arith.extui %lt3A_391 : i1 to i32
      %cond3A_393 = arith.constant 0 : i32
      %cond3A_394 = arith.cmpi ne, %convert_element_type3A_392, %cond3A_393 : i32
      scf.if %cond3A_394 {
        %dma_start3A_443 = arith.constant 2 : i32
        %dma_start3A_444 = arith.constant 0 : i32
        %dma_start3A_445 = arith.constant 0 : i32
        %dma_start3A_446 = tpu.memref_slice %arg8[%dma_start3A_443, %dma_start3A_444, %dma_start3A_445] : memref<4x128x128xf32, #tpu.memory_space<vmem>> -> memref<1x128x128xf32, #tpu.memory_space<vmem>>
        %dma_start3A_447 = tpu.memref_squeeze %dma_start3A_446 : memref<1x128x128xf32, #tpu.memory_space<vmem>> -> memref<128x128xf32, #tpu.memory_space<vmem>>
        %dma_start3A_448 = arith.constant 256 : i32
        %dma_start3A_449 = tpu.memref_slice %arg6[%dma_start3A_448] : memref<512xi32, #tpu.memory_space<vmem>> -> memref<128xi32, #tpu.memory_space<vmem>>
        %dma_start3A_450 = arith.constant 0 : i32
        %dma_start3A_451 = arith.constant 0 : i32
        %dma_start3A_452 = tpu.memref_slice %arg3[%dma_start3A_450, %dma_start3A_451] : memref<1000000x128xf32, #tpu.memory_space<hbm>> -> memref<1000000x128xf32, #tpu.memory_space<hbm>>
        tpu.enqueue_indirect_dma source(%dma_start3A_452 : memref<1000000x128xf32, #tpu.memory_space<hbm>>) target(%dma_start3A_447 : memref<128x128xf32, #tpu.memory_space<vmem>>) offsets(%dma_start3A_449 : memref<128xi32, #tpu.memory_space<vmem>>) semaphore(%arg16 : memref<!tpu.dma_semaphore, #tpu.memory_space<semaphore_mem>>)
      } else {
      }
      %mul3A_395 = arith.constant 4 : i32
      %mul3A_396 = arith.muli %mul3A_395, %add3A_253 : i32
      %add3A_397 = arith.constant 3 : i32
      %add3A_398 = arith.addi %mul3A_396, %add3A_397 : i32
      %dma_wait3A_399 = arith.constant 3 : i32
      %dma_wait3A_400 = arith.constant 0 : i32
      %dma_wait3A_401 = arith.constant 0 : i32
      %dma_wait3A_402 = tpu.memref_slice %arg8[%dma_wait3A_399, %dma_wait3A_400, %dma_wait3A_401] : memref<4x128x128xf32, #tpu.memory_space<vmem>> -> memref<1x128x128xf32, #tpu.memory_space<vmem>>
      %dma_wait3A_403 = tpu.memref_squeeze %dma_wait3A_402 : memref<1x128x128xf32, #tpu.memory_space<vmem>> -> memref<128x128xf32, #tpu.memory_space<vmem>>
      %dma_wait3A_404 = arith.constant 0 : i32
      %dma_wait3A_405 = arith.constant 0 : i32
      %dma_wait3A_406 = tpu.memref_slice %arg3[%dma_wait3A_404, %dma_wait3A_405] : memref<1000000x128xf32, #tpu.memory_space<hbm>> -> memref<128x128xf32, #tpu.memory_space<hbm>>
      %dma_wait3A_407 = arith.constant 0 : i32
      %dma_wait3A_408 = arith.constant 0 : i32
      %dma_wait3A_409 = tpu.memref_slice %arg8[%dma_wait3A_399, %dma_wait3A_407, %dma_wait3A_408] : memref<4x128x128xf32, #tpu.memory_space<vmem>> -> memref<1x128x128xf32, #tpu.memory_space<vmem>>
      %dma_wait3A_410 = tpu.memref_squeeze %dma_wait3A_409 : memref<1x128x128xf32, #tpu.memory_space<vmem>> -> memref<128x128xf32, #tpu.memory_space<vmem>>
      %dma_wait3A_411 = arith.constant 0 : i32
      %dma_wait3A_412 = arith.constant 0 : i32
      %dma_wait3A_413 = tpu.memref_slice %arg3[%dma_wait3A_411, %dma_wait3A_412] : memref<1000000x128xf32, #tpu.memory_space<hbm>> -> memref<128x128xf32, #tpu.memory_space<hbm>>
      tpu.wait_dma2 semaphore(%arg17 : memref<!tpu.dma_semaphore, #tpu.memory_space<semaphore_mem>>) src(%dma_wait3A_413 : memref<128x128xf32, #tpu.memory_space<hbm>>) dst(%dma_wait3A_410 : memref<128x128xf32, #tpu.memory_space<vmem>>)
      %sub3A_414 = arith.constant 2 : i32
      %sub3A_415 = arith.subi %add3A_398, %sub3A_414 : i32
      %mul3A_416 = arith.constant 128 : i32
      %mul3A_417 = arith.muli %sub3A_415, %mul3A_416 : i32
      %add3A_418 = arith.addi %mul3A_2, %mul3A_417 : i32
      %dma_wait3A_419 = arith.constant 0 : i32
      %dma_wait3A_420 = tpu.memref_slice %arg5[%add3A_418, %dma_wait3A_419] : memref<819200x64xf32, #tpu.memory_space<hbm>> -> memref<128x64xf32, #tpu.memory_space<hbm>>
      %dma_wait3A_421 = arith.constant 0 : i32
      %dma_wait3A_422 = tpu.memref_slice %arg5[%add3A_418, %dma_wait3A_421] : memref<819200x64xf32, #tpu.memory_space<hbm>> -> memref<128x64xf32, #tpu.memory_space<hbm>>
      tpu.wait_dma2 semaphore(%arg19 : memref<!tpu.dma_semaphore, #tpu.memory_space<semaphore_mem>>) src(%arg10 : memref<128x64xf32, #tpu.memory_space<vmem>>) dst(%dma_wait3A_422 : memref<128x64xf32, #tpu.memory_space<hbm>>)
      %mul3A_423 = arith.constant 128 : i32
      %mul3A_424 = arith.muli %add3A_398, %mul3A_423 : i32
      %add3A_425 = arith.addi %mul3A_2, %mul3A_424 : i32
      %rem3A_426 = arith.constant 200 : i32
      %rem3A_427 = arith.remsi %add3A_425, %rem3A_426 : i32
      %parallel_loop3A_428 = arith.constant 0 : i32
      %parallel_loop3A_429 = arith.constant 128 : i32
      %parallel_loop3A_430 = arith.constant 1 : i32
      scf.for %parallel_loop3A_443 = %parallel_loop3A_428 to %parallel_loop3A_429 step %parallel_loop3A_430  : i32 {
        %parallel_loop3A_444 = arith.addi %rem3A_427, %parallel_loop3A_443 : i32
        %parallel_loop3A_445 = arith.constant 200 : i32
        %parallel_loop3A_446 = arith.remsi %parallel_loop3A_444, %parallel_loop3A_445 : i32
        %parallel_loop3A_447 = arith.constant 3 : i32
        %parallel_loop3A_448 = arith.index_cast %parallel_loop3A_447 : i32 to index
        %parallel_loop3A_449 = arith.index_cast %parallel_loop3A_443 : i32 to index
        %parallel_loop3A_450 = arith.constant 0 : index
        %parallel_loop3A_451 = tpu.vector_load %arg8[%parallel_loop3A_448, %parallel_loop3A_449, %parallel_loop3A_450] {strides = array<i32>} : memref<4x128x128xf32, #tpu.memory_space<vmem>>, vector<1x1x16xf32>,
        %parallel_loop3A_452 = vector.shape_cast %parallel_loop3A_451 : vector<1x1x16xf32> to vector<16xf32>
        %parallel_loop3A_453 = arith.index_cast %parallel_loop3A_446 : i32 to index
        %parallel_loop3A_454 = arith.constant 0 : index
        %parallel_loop3A_455 = tpu.vector_load %arg11[%parallel_loop3A_453, %parallel_loop3A_454] {strides = array<i32>} : memref<200x128xf32, #tpu.memory_space<vmem>>, vector<1x16xf32>,
        %parallel_loop3A_456 = vector.shape_cast %parallel_loop3A_455 : vector<1x16xf32> to vector<16xf32>
        %parallel_loop3A_457 = arith.addf %parallel_loop3A_452, %parallel_loop3A_456 : vector<16xf32>
        %parallel_loop3A_458 = arith.index_cast %parallel_loop3A_443 : i32 to index
        %parallel_loop3A_459 = arith.constant 0 : index
        %parallel_loop3A_460 = tpu.vector_load %arg10[%parallel_loop3A_458, %parallel_loop3A_459] {strides = array<i32>} : memref<128x64xf32, #tpu.memory_space<vmem>>, vector<1x16xf32>,
        %parallel_loop3A_461 = vector.shape_cast %parallel_loop3A_460 : vector<1x16xf32> to vector<16xf32>
        %parallel_loop3A_462 = vector.shape_cast %parallel_loop3A_457 : vector<16xf32> to vector<1x16xf32>
        tpu.vector_store %arg10[%parallel_loop3A_458, %parallel_loop3A_459], %parallel_loop3A_462 {strides = array<i32>} : memref<128x64xf32, #tpu.memory_space<vmem>>, vector<1x16xf32>,
        %parallel_loop3A_463 = arith.constant 3 : i32
        %parallel_loop3A_464 = arith.index_cast %parallel_loop3A_463 : i32 to index
        %parallel_loop3A_465 = arith.index_cast %parallel_loop3A_443 : i32 to index
        %parallel_loop3A_466 = arith.constant 16 : index
        %parallel_loop3A_467 = tpu.vector_load %arg8[%parallel_loop3A_464, %parallel_loop3A_465, %parallel_loop3A_466] {strides = array<i32>} : memref<4x128x128xf32, #tpu.memory_space<vmem>>, vector<1x1x16xf32>,
        %parallel_loop3A_468 = vector.shape_cast %parallel_loop3A_467 : vector<1x1x16xf32> to vector<16xf32>
        %parallel_loop3A_469 = arith.index_cast %parallel_loop3A_446 : i32 to index
        %parallel_loop3A_470 = arith.constant 16 : index
        %parallel_loop3A_471 = tpu.vector_load %arg11[%parallel_loop3A_469, %parallel_loop3A_470] {strides = array<i32>} : memref<200x128xf32, #tpu.memory_space<vmem>>, vector<1x16xf32>,
        %parallel_loop3A_472 = vector.shape_cast %parallel_loop3A_471 : vector<1x16xf32> to vector<16xf32>
        %parallel_loop3A_473 = arith.addf %parallel_loop3A_468, %parallel_loop3A_472 : vector<16xf32>
        %parallel_loop3A_474 = arith.index_cast %parallel_loop3A_443 : i32 to index
        %parallel_loop3A_475 = arith.constant 16 : index
        %parallel_loop3A_476 = tpu.vector_load %arg10[%parallel_loop3A_474, %parallel_loop3A_475] {strides = array<i32>} : memref<128x64xf32, #tpu.memory_space<vmem>>, vector<1x16xf32>,
        %parallel_loop3A_477 = vector.shape_cast %parallel_loop3A_476 : vector<1x16xf32> to vector<16xf32>
        %parallel_loop3A_478 = vector.shape_cast %parallel_loop3A_473 : vector<16xf32> to vector<1x16xf32>
        tpu.vector_store %arg10[%parallel_loop3A_474, %parallel_loop3A_475], %parallel_loop3A_478 {strides = array<i32>} : memref<128x64xf32, #tpu.memory_space<vmem>>, vector<1x16xf32>,
        %parallel_loop3A_479 = arith.constant 3 : i32
        %parallel_loop3A_480 = arith.index_cast %parallel_loop3A_479 : i32 to index
        %parallel_loop3A_481 = arith.index_cast %parallel_loop3A_443 : i32 to index
        %parallel_loop3A_482 = arith.constant 32 : index
        %parallel_loop3A_483 = tpu.vector_load %arg8[%parallel_loop3A_480, %parallel_loop3A_481, %parallel_loop3A_482] {strides = array<i32>} : memref<4x128x128xf32, #tpu.memory_space<vmem>>, vector<1x1x16xf32>,
        %parallel_loop3A_484 = vector.shape_cast %parallel_loop3A_483 : vector<1x1x16xf32> to vector<16xf32>
        %parallel_loop3A_485 = arith.index_cast %parallel_loop3A_446 : i32 to index
        %parallel_loop3A_486 = arith.constant 32 : index
        %parallel_loop3A_487 = tpu.vector_load %arg11[%parallel_loop3A_485, %parallel_loop3A_486] {strides = array<i32>} : memref<200x128xf32, #tpu.memory_space<vmem>>, vector<1x16xf32>,
        %parallel_loop3A_488 = vector.shape_cast %parallel_loop3A_487 : vector<1x16xf32> to vector<16xf32>
        %parallel_loop3A_489 = arith.addf %parallel_loop3A_484, %parallel_loop3A_488 : vector<16xf32>
        %parallel_loop3A_490 = arith.index_cast %parallel_loop3A_443 : i32 to index
        %parallel_loop3A_491 = arith.constant 32 : index
        %parallel_loop3A_492 = tpu.vector_load %arg10[%parallel_loop3A_490, %parallel_loop3A_491] {strides = array<i32>} : memref<128x64xf32, #tpu.memory_space<vmem>>, vector<1x16xf32>,
        %parallel_loop3A_493 = vector.shape_cast %parallel_loop3A_492 : vector<1x16xf32> to vector<16xf32>
        %parallel_loop3A_494 = vector.shape_cast %parallel_loop3A_489 : vector<16xf32> to vector<1x16xf32>
        tpu.vector_store %arg10[%parallel_loop3A_490, %parallel_loop3A_491], %parallel_loop3A_494 {strides = array<i32>} : memref<128x64xf32, #tpu.memory_space<vmem>>, vector<1x16xf32>,
        %parallel_loop3A_495 = arith.constant 3 : i32
        %parallel_loop3A_496 = arith.index_cast %parallel_loop3A_495 : i32 to index
        %parallel_loop3A_497 = arith.index_cast %parallel_loop3A_443 : i32 to index
        %parallel_loop3A_498 = arith.constant 48 : index
        %parallel_loop3A_499 = tpu.vector_load %arg8[%parallel_loop3A_496, %parallel_loop3A_497, %parallel_loop3A_498] {strides = array<i32>} : memref<4x128x128xf32, #tpu.memory_space<vmem>>, vector<1x1x16xf32>,
        %parallel_loop3A_500 = vector.shape_cast %parallel_loop3A_499 : vector<1x1x16xf32> to vector<16xf32>
        %parallel_loop3A_501 = arith.index_cast %parallel_loop3A_446 : i32 to index
        %parallel_loop3A_502 = arith.constant 48 : index
        %parallel_loop3A_503 = tpu.vector_load %arg11[%parallel_loop3A_501, %parallel_loop3A_502] {strides = array<i32>} : memref<200x128xf32, #tpu.memory_space<vmem>>, vector<1x16xf32>,
        %parallel_loop3A_504 = vector.shape_cast %parallel_loop3A_503 : vector<1x16xf32> to vector<16xf32>
        %parallel_loop3A_505 = arith.addf %parallel_loop3A_500, %parallel_loop3A_504 : vector<16xf32>
        %parallel_loop3A_506 = arith.index_cast %parallel_loop3A_443 : i32 to index
        %parallel_loop3A_507 = arith.constant 48 : index
        %parallel_loop3A_508 = tpu.vector_load %arg10[%parallel_loop3A_506, %parallel_loop3A_507] {strides = array<i32>} : memref<128x64xf32, #tpu.memory_space<vmem>>, vector<1x16xf32>,
        %parallel_loop3A_509 = vector.shape_cast %parallel_loop3A_508 : vector<1x16xf32> to vector<16xf32>
        %parallel_loop3A_510 = vector.shape_cast %parallel_loop3A_505 : vector<16xf32> to vector<1x16xf32>
        tpu.vector_store %arg10[%parallel_loop3A_506, %parallel_loop3A_507], %parallel_loop3A_510 {strides = array<i32>} : memref<128x64xf32, #tpu.memory_space<vmem>>, vector<1x16xf32>,
      } {sc.loop_unroll_factor = 8 : i64, sc.parallel_access}
      %mul3A_431 = arith.constant 128 : i32
      %mul3A_432 = arith.muli %add3A_398, %mul3A_431 : i32
      %add3A_433 = arith.addi %mul3A_2, %mul3A_432 : i32
      %dma_start3A_434 = arith.constant 0 : i32
      %dma_start3A_435 = tpu.memref_slice %arg5[%add3A_433, %dma_start3A_434] : memref<819200x64xf32, #tpu.memory_space<hbm>> -> memref<128x64xf32, #tpu.memory_space<hbm>>
      %dma_start3A_436 = arith.constant 0 : i32
      %dma_start3A_437 = tpu.memref_slice %arg5[%add3A_433, %dma_start3A_436] : memref<819200x64xf32, #tpu.memory_space<hbm>> -> memref<128x64xf32, #tpu.memory_space<hbm>>
      tpu.enqueue_dma source(%arg10 : memref<128x64xf32, #tpu.memory_space<vmem>>) target(%dma_start3A_437 : memref<128x64xf32, #tpu.memory_space<hbm>>) target_semaphore(%arg19 : memref<!tpu.dma_semaphore, #tpu.memory_space<semaphore_mem>>)
      %lt3A_438 = arith.constant 49 : i32
      %lt3A_439 = arith.cmpi slt, %add3A_253, %lt3A_438 : i32
      %convert_element_type3A_440 = arith.extui %lt3A_439 : i1 to i32
      %cond3A_441 = arith.constant 0 : i32
      %cond3A_442 = arith.cmpi ne, %convert_element_type3A_440, %cond3A_441 : i32
      scf.if %cond3A_442 {
        %dma_start3A_443 = arith.constant 3 : i32
        %dma_start3A_444 = arith.constant 0 : i32
        %dma_start3A_445 = arith.constant 0 : i32
        %dma_start3A_446 = tpu.memref_slice %arg8[%dma_start3A_443, %dma_start3A_444, %dma_start3A_445] : memref<4x128x128xf32, #tpu.memory_space<vmem>> -> memref<1x128x128xf32, #tpu.memory_space<vmem>>
        %dma_start3A_447 = tpu.memref_squeeze %dma_start3A_446 : memref<1x128x128xf32, #tpu.memory_space<vmem>> -> memref<128x128xf32, #tpu.memory_space<vmem>>
        %dma_start3A_448 = arith.constant 384 : i32
        %dma_start3A_449 = tpu.memref_slice %arg6[%dma_start3A_448] : memref<512xi32, #tpu.memory_space<vmem>> -> memref<128xi32, #tpu.memory_space<vmem>>
        %dma_start3A_450 = arith.constant 0 : i32
        %dma_start3A_451 = arith.constant 0 : i32
        %dma_start3A_452 = tpu.memref_slice %arg3[%dma_start3A_450, %dma_start3A_451] : memref<1000000x128xf32, #tpu.memory_space<hbm>> -> memref<1000000x128xf32, #tpu.memory_space<hbm>>
        tpu.enqueue_indirect_dma source(%dma_start3A_452 : memref<1000000x128xf32, #tpu.memory_space<hbm>>) target(%dma_start3A_447 : memref<128x128xf32, #tpu.memory_space<vmem>>) offsets(%dma_start3A_449 : memref<128xi32, #tpu.memory_space<vmem>>) semaphore(%arg17 : memref<!tpu.dma_semaphore, #tpu.memory_space<semaphore_mem>>)
      } else {
      }
    }
    %scan3A_52 = arith.constant 25 : i32
    %add3A_53 = arith.constant 25344 : i32
    %add3A_54 = arith.addi %mul3A_2, %add3A_53 : i32
    %dma_wait3A_55 = arith.constant 0 : i32
    %dma_wait3A_56 = tpu.memref_slice %arg5[%add3A_54, %dma_wait3A_55] : memref<819200x64xf32, #tpu.memory_space<hbm>> -> memref<128x64xf32, #tpu.memory_space<hbm>>
    %dma_wait3A_57 = arith.constant 0 : i32
    %dma_wait3A_58 = tpu.memref_slice %arg5[%add3A_54, %dma_wait3A_57] : memref<819200x64xf32, #tpu.memory_space<hbm>> -> memref<128x64xf32, #tpu.memory_space<hbm>>
    tpu.wait_dma2 semaphore(%arg18 : memref<!tpu.dma_semaphore, #tpu.memory_space<semaphore_mem>>) src(%arg9 : memref<128x64xf32, #tpu.memory_space<vmem>>) dst(%dma_wait3A_58 : memref<128x64xf32, #tpu.memory_space<hbm>>)
    %add3A_59 = arith.constant 25472 : i32
    %add3A_60 = arith.addi %mul3A_2, %add3A_59 : i32
    %dma_wait3A_61 = arith.constant 0 : i32
    %dma_wait3A_62 = tpu.memref_slice %arg5[%add3A_60, %dma_wait3A_61] : memref<819200x64xf32, #tpu.memory_space<hbm>> -> memref<128x64xf32, #tpu.memory_space<hbm>>
    %dma_wait3A_63 = arith.constant 0 : i32
    %dma_wait3A_64 = tpu.memref_slice %arg5[%add3A_60, %dma_wait3A_63] : memref<819200x64xf32, #tpu.memory_space<hbm>> -> memref<128x64xf32, #tpu.memory_space<hbm>>
    tpu.wait_dma2 semaphore(%arg19 : memref<!tpu.dma_semaphore, #tpu.memory_space<semaphore_mem>>) src(%arg10 : memref<128x64xf32, #tpu.memory_space<vmem>>) dst(%dma_wait3A_64 : memref<128x64xf32, #tpu.memory_space<hbm>>)
    return
  }
}

</mosaic_0001>

<sc_bundles>
// kernel: _embed.3.cloned.1.call-start
scs
__scs_entry_jumppad:
0x0: {  	(pc) =	sbr.rel $0x88, $3  }
0x1: {  	(tag) =	ssettag $0x0;
	lr =	simm.s32 $0x1  }
0x2: {  	[smem:$0x3F9E] =	sst lr;
	_ =	strace $0xD0000000  }
0x3: {  	_ = 	snop  }
0x4: {  	_ = 	snop  }
0x5: {  	_ = 	snop  }
0x6: {  	_ = 	snop  }
0x7: {  	_ = 	snop  }
__scs_overlays_trampoline_lowered:
0x8: {  	[smem:$0x3FAD] =	sst s0  }
0x9: {  	[smem:$0x3FAE] =	sst s1  }
0xa: {  	[smem:$0x3FAF] =	sst s2  }
0xb: {  	[smem:$0x3FB0] =	sst s3  }
0xc: {  	[smem:$0x3FB1] =	sst s4  }
0xd: {  	[smem:$0x3FB2] =	sst s5  }
0xe: {  	[smem:$0x3FB3] =	sst s6  }
0xf: {  	[smem:$0x3FB4] =	sst s7  }
0x10: {  	[smem:$0x3FB5] =	sst s8  }
0x11: {  	[smem:$0x3FB6] =	sst s9;
	s0 =	simm.s32 @!p0 $0x0  }
0x12: {  	s1 =	sld [smem:$0x3F9C];
	s0 =	simm.s32 @p0 $0x1  }
0x13: {  	[smem:$0x3FB7] =	sst s0;
	s0 =	simm.s32 @!p1 $0x0  }
0x14: {  	s2 =	sld [smem:$0x3F9B];
	s0 =	simm.s32 @p1 $0x1  }
0x15: {  	[smem:$0x3FB8] =	sst s0;
	s0 =	simm.s32 @!p2 $0x0  }
0x16: {  	s3 =	sld [smem:$0x3FDB];
	s0 =	simm.s32 @p2 $0x1  }
0x17: {  	s4 =	simm.s32 $0x1BF5;
	[smem:$0x3FBA] =	sst s0  }
0x18: {  	s0 =	sld [smem:$0x3F9D];
	_ =	swait.ge [sflag:s4], $0x0  }
0x19: {  	s7 =	sld [smem:$0x3F9E]  }
0x1a: {  	s8 =	sadd.s32 $0xFFFFE003, lr  }
0x1b: {  	s9 =	sadd.s32 $0xFFFFFEF7, lr;
	s5 =	simm.s32 $0xFFFFFFFF;
	p2 =	slt.u32 s8, $0xFFFFF086  }
0x1c: {  	p1 =	slt.u32 s9, $0xF7A;
	s5 =	simm.s32 @!p2 $0x0  }
0x1d: {  	s5 =	simm.s32 @p1 $0x1;
	p0 =	seq.s32 s7, s2  }
0x1e: {  	s7 =	smul.u32 @!p0 $0xF7A, s2;
	p2 =	seq.s32 @!p0 s5, $0x0  }
0x1f: {  	s9 =	smul.u32 $0xF7A, s1;
	s8 =	simm.s32 @!p0 $0x1BF5;
	p2 =	por !p2, p0  }
0x20: {  	[sflag:s8] =	ssyncset.s32 @!p0 $0xFFFFF086;
	s6 =	sadd.s32 @!p0 s3, s7;
	s7 =	simm.s32 @!p0 $0x108  }
0x21: {  	s3 =	sadd.s32 s3, s9;
	s6 =	sadd.s32 @!p0 $0x88, s6;
	s7 =	simm.s32 @p2 $0x1082  }
0x22: {  	[simem:s7], [sflag:s8] =	dma.local @!p0 [hbm:s6], $0xF7A  }
0x23: {  	s9 =	sor.u32 $0xD0000000, s2;
	s6 =	simm.s32 $0x108;
	_ =	swait.ge @!p0 [sflag:s8], $0x0  }
0x24: {  	s3 =	sadd.s32 $0x88, s3;
	s6 =	simm.s32 @!p1 $0x1082;
	[sflag:s4] =	ssyncset.s32 $0xFFFFF086  }
0x25: {  	[simem:s6], [sflag:s4] =	dma.local [hbm:s3], $0xF7A  }
0x26: {  	[smem:$0x3F9E] =	sst s1;
	(tag) =	ssettag s2;
	_ =	strace s9  }
0x27: {  	s1 =	sld [smem:$0x3FAE]  }
0x28: {  	s2 =	sld [smem:$0x3FAF]  }
0x29: {  	s4 =	sld [smem:$0x3FB1]  }
0x2a: {  	p0 =	seq.s32 s5, $0x0;
	s5 =	sld [smem:$0x3FB2]  }
0x2b: {  	s6 =	sld [smem:$0x3FB3]  }
0x2c: {  	s7 =	sld [smem:$0x3FB4]  }
0x2d: {  	s3 =	simm.s32 $0x108;
	s8 =	sld [smem:$0x3FB5]  }
0x2e: {  	s3 =	simm.s32 @!p0 $0x1082;
	s9 =	sld [smem:$0x3FB6]  }
0x2f: {  	lr =	sadd.s32 s0, s3;
	s0 =	sld [smem:$0x3FAD]  }
0x30: {  	s3 =	sld [smem:$0x3FB0]  }
0x31: {  	[smem:$0x3FB9] =	sst s10  }
0x32: {  	s10 =	sld [smem:$0x3FB7];
	_ =	sdelay $0x3  }
0x33: {  	p0 =	seq.s32 s10, $0x1;
	s10 =	sld [smem:$0x3FB9];
	_ =	sdelay $0x3  }
0x34: {  	[smem:$0x3FB9] =	sst s10  }
0x35: {  	s10 =	sld [smem:$0x3FB8];
	_ =	sdelay $0x3  }
0x36: {  	p1 =	seq.s32 s10, $0x1;
	s10 =	sld [smem:$0x3FB9];
	_ =	sdelay $0x3  }
0x37: {  	[smem:$0x3FB9] =	sst s10  }
0x38: {  	s10 =	sld [smem:$0x3FBA]  }
0x39: {  	_ = 	snop;
	(pc) =	sbr.ind lr, $3  }
0x3a: {  	_ = 	snop  }
0x3b: {  	_ = 	snop  }
0x3c: {  	p2 =	seq.s32 s10, $0x1;
	s10 =	sld [smem:$0x3FB9]  }
0x3d: {  	_ =	shalt  }
0x3e: {  	_ =	shalt  }
0x3f: {  	_ =	shalt  }
0x40: {  	_ =	shalt  }
0x41: {  	_ =	shalt  }
0x42: {  	_ =	shalt  }
0x43: {  	_ =	shalt  }
0x44: {  	_ =	shalt  }
0x45: {  	_ =	shalt  }
0x46: {  	_ =	shalt  }
0x47: {  	_ =	shalt  }
0x48: {  	_ =	shalt  }
0x49: {  	_ =	shalt  }
0x4a: {  	_ =	shalt  }
0x4b: {  	_ =	shalt  }
0x4c: {  	_ =	shalt  }
0x4d: {  	_ =	shalt  }
0x4e: {  	_ =	shalt  }
0x4f: {  	_ =	shalt  }
0x50: {  	_ =	shalt  }
0x51: {  	_ =	shalt  }
0x52: {  	_ =	shalt  }
0x53: {  	_ =	shalt  }
0x54: {  	_ =	shalt  }
0x55: {  	_ =	shalt  }
0x56: {  	_ =	shalt  }
0x57: {  	_ =	shalt  }
0x58: {  	_ =	shalt  }
0x59: {  	_ =	shalt  }
0x5a: {  	_ =	shalt  }
0x5b: {  	_ =	shalt  }
0x5c: {  	_ =	shalt  }
0x5d: {  	_ =	shalt  }
0x5e: {  	_ =	shalt  }
0x5f: {  	_ =	shalt  }
0x60: {  	_ =	shalt  }
0x61: {  	_ =	shalt  }
0x62: {  	_ =	shalt  }
0x63: {  	_ =	shalt  }
0x64: {  	_ =	shalt  }
0x65: {  	_ =	shalt  }
0x66: {  	_ =	shalt  }
0x67: {  	_ =	shalt  }
0x68: {  	_ =	shalt  }
0x69: {  	_ =	shalt  }
0x6a: {  	_ =	shalt  }
0x6b: {  	_ =	shalt  }
0x6c: {  	_ =	shalt  }
0x6d: {  	_ =	shalt  }
0x6e: {  	_ =	shalt  }
0x6f: {  	_ =	shalt  }
0x70: {  	_ =	shalt  }
0x71: {  	_ =	shalt  }
0x72: {  	_ =	shalt  }
0x73: {  	_ =	shalt  }
0x74: {  	_ =	shalt  }
0x75: {  	_ =	shalt  }
0x76: {  	_ =	shalt  }
0x77: {  	_ =	shalt  }
0x78: {  	_ =	shalt  }
0x79: {  	_ =	shalt  }
0x7a: {  	_ =	shalt  }
0x7b: {  	_ =	shalt  }
0x7c: {  	_ =	shalt  }
0x7d: {  	_ =	shalt  }
0x7e: {  	_ =	shalt  }
0x7f: {  	_ =	shalt  }
0x80: {  	_ =	shalt  }
0x81: {  	_ =	shalt  }
0x82: {  	_ =	shalt  }
0x83: {  	_ =	shalt  }
0x84: {  	_ =	shalt  }
0x85: {  	_ =	shalt  }
0x86: {  	_ =	shalt  }
0x87: {  	_ =	shalt  }
.Lfunc_end0:
.L_simem_size_0:
called_computation_lowered:
.L_overlay_start_0:
0x88: {  	s2 =	sld [smem:$0x3FD9]  }
0x89: {  	s3 =	sld [smem:$0x3FFE];
	_ =	sdelay $0x1  }
0x8a: {  	s1 =	srdreg.scid  }
0x8b: {  	s0 =	sand.u32 $0x1, s1  }
0x8c: {  	s17 =	sshll.u32 s0, $0xA;
	s2 =	sadd.s32 s3, s2  }
0x8d: {  	s2 =	sadd.s32 s2, s17  }
0x8e: {  	[smem:$0x3FC5] =	sst s2  }
0x8f: {  	_ = 	snop  }
0x90: {  	s2 =	sld [smem:$0x3FC9]  }
0x91: {  	s18 =	sld [smem:$0x3FC8]  }
0x92: {  	s4 =	sld [smem:$0x3FC7];
	(tm) =	ssettm $0x1  }
0x93: {  	s5 =	sld [smem:$0x3FFB];
	_ =	sdelay $0x3  }
0x94: {  	_ =	strace s5  }
0x95: {  	s5 =	sld [smem:$0x3FFC];
	_ =	sdelay $0x3  }
0x96: {  	_ =	strace s5  }
0x97: {  	s5 =	sld [smem:$0x3FFD];
	_ =	sdelay $0x3  }
0x98: {  	_ =	strace s5  }
0x99: {  	_ =	strace $0x8FFFFFFF  }
0x9a: {  	s19 =	sld [smem:$0x3FDB];
	_ =	sdelay $0x1  }
0x9b: {  	s6 =	simm.s32 $_scs_section_size  }
0x9c: {  	s7 =	simm.s32 $_size__tile_overlayer_lowered;
	s8 =	simm.s32 $_tile_overlayer_lowered  }
0x9d: {  	s22 =	simm.s32 $0x1BFF;
	s21 =	sshll.u32 s8, $0x1;
	s5 =	sadd.s32 s6, s19  }
0x9e: {  	s9 =	simm.s32 $0x0;
	s20 =	sshll.u32 s7, $0x1;
	s7 =	sadd.s32 s21, s5  }
0x9f: {  	[timem:s9], [sflag:s22] =	dma.local [hbm:s7], s20  }
0xa0: {  	_ =	swait.ge [sflag:s22], s20  }
0xa1: {  	s6 =	ssub.s32 $0x0, s20;
	[sflag:s22] =	ssyncset.done $0x0  }
0xa2: {  	[sflag:s22] =	ssyncadd.s32 s6;
	_ =	sdelay $0x1  }
0xa3: {  	s23 =	simm.s32 $0x1B8B  }
0xa4: {  	_ =	swait.ge [sflag:s23], $0x1  }
0xa5: {  	[sflag:s23] =	ssyncset.done $0x0  }
0xa6: {  	s25 =	simm.s32 $0x1B8E;
	s24 =	sld [smem:$0x3FFE];
	[sflag:s23] =	ssyncadd.s32 $0xFFFFFFFF  }
0xa7: {  	s26 =	simm.s32 $execute0_lowered;
	[smem:$0x3FD2] =	sst s25  }
0xa8: {  	s7 =	sshll.u32 s26, $0x1;
	_ =	strace $0x80000046;
	[dreg:$0x1] =	wrdreg $0xFFFFFFFF  }
0xa9: {  	s28 =	simm.s32 $_size_execute0_lowered;
	s5 =	sadd.s32 s5, s7;
	[dreg:$0x0] =	wrdreg $0x0  }
0xaa: {  	s7 =	sshll.u32 s28, $0x1;
	[dreg:$0x2] =	wrdreg s5  }
0xab: {  	[dreg:$0x3] =	wrdreg s7  }
0xac: {  	[dreg:$0x4] =	wrdreg $0xC0  }
0xad: {  	_ =	task [dreg:s9], $0x5FFFF  }
0xae: {  	[dreg:$0x1] =	wrdreg $0xFFFFFFFF  }
0xaf: {  	[dreg:$0x0] =	wrdreg $0x60  }
0xb0: {  	[dreg:$0x2] =	wrdreg s2  }
0xb1: {  	[dreg:$0x3] =	wrdreg s18  }
0xb2: {  	[dreg:$0x4] =	wrdreg s4  }
0xb3: {  	[dreg:$0x5] =	wrdreg s24  }
0xb4: {  	[dreg:$0x6] =	wrdreg $0x9  }
0xb5: {  	_ =	task.clear_ibuf [dreg:s9], $0x7FFFF;
	_ =	strace $0x90000046  }
0xb6: {  	s29 =	simm.s32 $0x9;
	_ =	strace $0x80000048  }
0xb7: {  	_ =	swait.ge [sflag:s29], $0x1  }
0xb8: {  	[sflag:s29] =	ssyncadd.s32 $0xFFFFFFFF  }
0xb9: {  	_ =	strace $0x90000048  }
0xba: {  	_ =	sfence  }
0xbb: {  	s30 =	sld [smem:$0x0];
	_ =	sdelay $0x2  }
0xbc: {  	s31 =	sshll.u32 s1, $0xD;
	s1 =	sshrl.u32 s1, $0x2  }
0xbd: {  	s3 =	sand.u32 $0x4000, s31;
	s1 =	sadd.s32 s1, s30  }
0xbe: {  	s0 =	sor.u32 s3, s0;
	s1 =	sshll.u32 s1, $0x11  }
0xbf: {  	s0 =	sor.u32 s1, s0  }
0xc0: {  	s0 =	sadd.s32 $0x8F2B, s0  }
0xc1: {  	[sflag:s0] =	ssyncadd.remote.s32 $0x1  }
0xc2: {  	_ =	sfence.sel $0xFFFF  }
0xc3: {  	[dreg:$0x0] =	wrdreg $0xFFFFFFFF;
	(pc) =	sbr.abs _section_cstart, $3  }
0xc4: {  	[dreg:$0x1] =	wrdreg $0xFFFFFFFF  }
0xc5: {  	_ =	task.clear_ibuf [dreg:s9], $0x2FFFF;
	_ =	strace $0x9FFFFFFF  }
0xc6: {  	(tm) =	ssettm $0x7FFFFFFF  }
0xc7: {  	_ =	shalt  }
tec
execute0_lowered:
.L_overlay_start_1:
0x0: {  	(tag) =	ssettag $0x1  }
0x1: {  	s5 =	rddreg [dreg:$0x0];
	s0 =	srdreg.scid  }
0x2: {  	s2 =	stileid.u32;
	s3 =	rddreg [dreg:$0x3];
	s7 =	simm.s32 $0x0  }
0x3: {  	s0 =	sand.u32 $0x1, s0;
	s1 =	sshll.u32 s2, $0x1;
	s4 =	smul.u32 $0xC800, s2  }
0x4: {  	s1 =	sor.u32 s0, s1;
	s19 =	ssub.s32 $0x2, s0;
	s0 =	smul.u32 $0x6400, s0  }
0x5: {  	[smem:$0x7FF] =	sst s7;
	s20 =	sadd.s32 $0x400, s3;
	s6 =	smul.u32 $0x6400, s1  }
0x6: {  	_ =	strace $0x80000047;
	[dreg:$0xe] =	wrdreg s20  }
0x7: {  	s0 =	sadd.s32 s0, s4;
	[dreg:$0xd] =	wrdreg s6  }
0x8: {  	s8 =	sshrl.u32 s19, $0x1;
	s23 =	sor.u32 $0x200, s6;
	[dreg:$0x11] =	wrdreg s0  }
0x9: {  	s1 =	ssub.s32 s19, s8;
	s24 =	sadd.s32 $0x400, s6;
	[dreg:$0x10] =	wrdreg s23  }
0xa: {  	s1 =	smax.u32 s1, $0x1;
	[dreg:$0x12] =	wrdreg s24  }
0xb: {  	s25 =	sor.u32 $0x80, s0;
	[dreg:$0x13] =	wrdreg s1  }
0xc: {  	s26 =	sor.u32 $0x100, s0;
	[dreg:$0x14] =	wrdreg s25  }
0xd: {  	s28 =	sor.u32 $0x180, s0;
	[dreg:$0x15] =	wrdreg s26  }
0xe: {  	s29 =	sor.u32 $0x200, s0;
	[dreg:$0x16] =	wrdreg s28  }
0xf: {  	s30 =	sor.u32 $0x280, s0;
	[dreg:$0x17] =	wrdreg s29  }
0x10: {  	s31 =	sor.u32 $0x300, s0;
	[dreg:$0x18] =	wrdreg s30  }
0x11: {  	s21 =	sshrl.u32 s6, $0x3;
	s0 =	sor.u32 $0x380, s0;
	[dreg:$0x19] =	wrdreg s31  }
0x12: {  	s22 =	sadd.s32 s5, s21;
	[dreg:$0x1a] =	wrdreg s0  }
0x13: {  	s16 =	simm.s32 $0x200;
	s2 =	simm.s32 $0x0;
	[dreg:$0xf] =	wrdreg s22  }
.LBB2_1:
0x14: {  	[dreg:$0x1b] =	wrdreg s2  }
0x15: {  	s0 =	rddreg [dreg:$0x2];
	s1 =	simm.s32 $0x18400;
	s22 =	simm.s32 $0x9  }
0x16: {  	[tilespmem:s1], [sflag:$0x9] =	stream.linear.gather [hbm4b:s0+s7], $0x6400, $0x38;
	[tilespmem:$0x1E800] =	vst v63  }
0x17: {  	_ =	swait.ge [sflag:s22], $0x6400  }
0x18: {  	[sflag:s22] =	ssyncset.done $0x0  }
0x19: {  	s24 =	simm.s32 $0x1;
	s23 =	rddreg [dreg:$0xf];
	[sflag:s22] =	ssyncadd.s32 $0xFFFF9C00  }
0x1a: {  	[tilespmem:s7], [sflag:$0x1] =	stream.linear.gather [hbm4b:s23+s7], $0x200, $0x38;
	[tilespmem:$0x1E800] =	vst v63  }
0x1b: {  	_ =	swait.ge [sflag:s24], $0x200  }
0x1c: {  	s1 =	rddreg [dreg:$0x19]  }
0x1d: {  	s2 =	rddreg [dreg:$0x18]  }
0x1e: {  	[sflag:s24] =	ssyncset.done $0x0;
	s4 =	rddreg [dreg:$0x17]  }
0x1f: {  	s5 =	rddreg [dreg:$0x16];
	[sflag:s24] =	ssyncadd.s32 $0xFFFFFE00  }
0x20: {  	s25 =	simm.s32 $0x80;
	s26 =	simm.s32 $0x400;
	s0 =	rddreg [dreg:$0x1]  }
0x21: {  	[tilespmem:s26], [sflag:$0x3] =	stream.indirect.gather [hbm4b:s0+s25], $0x80, s7, s25, $0xb8;
	[tilespmem:$0x1E800] =	vst v63  }
0x22: {  	s28 =	simm.s32 $0x4400;
	s6 =	rddreg [dreg:$0x15]  }
0x23: {  	[tilespmem:s28], [sflag:$0x4] =	stream.indirect.gather [hbm4b:s0+s25], $0x80, s25, s25, $0xb8;
	[tilespmem:$0x1E800] =	vst v63  }
0x24: {  	s29 =	simm.s32 $0x100;
	s3 =	simm.s32 $0x8400;
	s9 =	rddreg [dreg:$0x14]  }
0x25: {  	[tilespmem:s3], [sflag:$0x5] =	stream.indirect.gather [hbm4b:s0+s25], $0x80, s29, s25, $0xb8;
	[tilespmem:$0x1E800] =	vst v63  }
0x26: {  	s30 =	simm.s32 $0x180;
	s31 =	simm.s32 $0xC400;
	s13 =	rddreg [dreg:$0x11]  }
0x27: {  	[tilespmem:s31], [sflag:$0x6] =	stream.indirect.gather [hbm4b:s0+s25], $0x80, s30, s25, $0xb8;
	[tilespmem:$0x1E800] =	vst v63  }
0x28: {  	s10 =	simm.s32 $0x0;
	s0 =	rddreg [dreg:$0x1a]  }
.LBB2_2:
0x29: {  	s17 =	smulhi.u32 $0x51EB851F, s0  }
0x2a: {  	s18 =	smulhi.u32 $0x51EB851F, s1  }
0x2b: {  	[dreg:$0x1c] =	wrdreg s0;
	s3 =	smulhi.u32 $0x51EB851F, s2  }
0x2c: {  	[dreg:$0x1d] =	wrdreg s1;
	s19 =	smulhi.u32 $0x51EB851F, s4  }
0x2d: {  	[dreg:$0x1e] =	wrdreg s2;
	s8 =	smulhi.u32 $0x51EB851F, s5  }
0x2e: {  	[dreg:$0x1f] =	wrdreg s4;
	s23 =	smulhi.u32 $0x51EB851F, s6  }
0x2f: {  	[smem:$0x7F8] =	sst s5;
	s25 =	smulhi.u32 $0x51EB851F, s9  }
0x30: {  	[smem:$0x7F9] =	sst s6;
	s29 =	smulhi.u32 $0x51EB851F, s13;
	s0 =	sshrl.u32 s17, $0x6  }
0x31: {  	[smem:$0x7FA] =	sst s9;
	s1 =	sshrl.u32 s18, $0x6;
	s0 =	smul.u32 $0xC8, s0  }
0x32: {  	s5 =	rddreg [dreg:$0x10];
	s3 =	sshrl.u32 s3, $0x6;
	s1 =	smul.u32 $0xC8, s1  }
0x33: {  	s4 =	sshrl.u32 s19, $0x6;
	s8 =	sshrl.u32 s8, $0x6;
	s3 =	smul.u32 $0xC8, s3  }
0x34: {  	s21 =	smul.u32 $0xC8, s8;
	s8 =	rddreg [dreg:$0x0];
	s0 =	ssub.s32 s13, s0  }
0x35: {  	s4 =	smul.u32 $0xC8, s4;
	s20 =	ssub.s32 s13, s1;
	[dreg:$0xc] =	wrdreg s0  }
0x36: {  	s26 =	sshrl.u32 s23, $0x6;
	s22 =	ssub.s32 s13, s3;
	[dreg:$0xb] =	wrdreg s20  }
0x37: {  	s24 =	ssub.s32 s13, s4;
	s1 =	ssub.s32 s13, s21;
	[dreg:$0xa] =	wrdreg s22  }
0x38: {  	s4 =	sshrl.u32 s25, $0x6;
	[dreg:$0x9] =	wrdreg s24;
	s0 =	smul.u32 $0xC8, s26  }
0x39: {  	s3 =	sshrl.u32 s29, $0x6;
	[dreg:$0x8] =	wrdreg s1;
	s2 =	smul.u32 $0xC8, s4  }
0x3a: {  	s3 =	smul.u32 $0xC8, s3;
	s24 =	sshll.u32 s10, $0xA;
	s0 =	ssub.s32 s13, s0  }
0x3b: {  	s1 =	sadd.s32 s24, s5;
	s4 =	ssub.s32 s13, s2;
	[dreg:$0x7] =	wrdreg s0  }
0x3c: {  	s6 =	ssub.s32 s13, s3;
	s1 =	sshrl.u32 s1, $0x3;
	[dreg:$0x6] =	wrdreg s4  }
0x3d: {  	s9 =	simm.s32 $0x3;
	[dreg:$0x5] =	wrdreg s6;
	s0 =	sadd.s32 s8, s1  }
0x3e: {  	[tilespmem:s16], [sflag:$0x2] =	stream.linear.gather [hbm4b:s0+s7], $0x200, $0x38;
	[tilespmem:$0x1E800] =	vst v63  }
0x3f: {  	_ =	swait.ge [sflag:s9], $0x4000  }
0x40: {  	p0 =	seq.s32 s10, $0x0;
	[sflag:s9] =	ssyncset.done $0x0  }
0x41: {  	s0 =	simm.s32 @!p0 $0x7;
	[sflag:s9] =	ssyncadd.s32 $0xFFFFC000  }
0x42: {  	_ =	swait.ge @!p0 [sflag:s0], $0x4000  }
0x43: {  	s11 =	rddreg [dreg:$0x5]  }
0x44: {  	s12 =	sadd.s32 $0xFFFFFFF8, s11  }
0x45: {  	s28 =	simm.s32 $0x10600;
	[sflag:s0] =	ssyncset.done @!p0 $0x0;
	s1 =	sadd.s32 $0xF, s12  }
0x46: {  	s4 =	sshll.u32 s1, $0x9;
	p1 =	slt.u32 s1, $0xC8;
	s1 =	simm.s32 @!p0 $0x0  }
0x47: {  	[sflag:s0] =	ssyncadd.s32 @!p0 $0xFFFFC000;
	s15 =	sadd.s32 $0x8, s12;
	s1 =	simm.s32 @p0 $0x1  }
0x48: {  	s17 =	sadd.s32 $0x9, s12;
	[smem:$0x7FB] =	sst s1;
	s1 =	simm.s32 $0x600  }
0x49: {  	s18 =	sadd.s32 $0xA, s12;
	s11 =	sadd.s32 $0xB, s12;
	s19 =	sadd.s32 $0xC, s12;
	v0 =	vld [tilespmem:s1+$0x180]  }
0x4a: {  	s21 =	sadd.s32 $0xD, s12;
	s25 =	sadd.s32 $0xE, s12;
	s8 =	sadd.s32 $0xFFFE7000, s4;
	v2 =	vld [tilespmem:s1+$0xFFFFFE00]  }
0x4b: {  	s20 =	sshll.u32 s15, $0x9;
	s23 =	sshll.u32 s17, $0x9;
	s8 =	smov.u32 @p1 s4;
	v3 =	vld [tilespmem:s1+$0xFFFFFE80]  }
0x4c: {  	p2 =	slt.u32 s17, $0xC8;
	p5 =	slt.u32 s18, $0xC8;
	s14 =	sshra.s32 s8, $0x2;
	v4 =	vld [tilespmem:s1+$0xFFFFFF00]  }
0x4d: {  	s9 =	sshll.u32 s18, $0x9;
	p3 =	slt.u32 s11, $0xC8;
	s11 =	sshll.u32 s11, $0x9;
	v1 =	vld [tilespmem:s14+$0x18400]  }
0x4e: {  	s26 =	sshll.u32 s19, $0x9;
	s30 =	sshll.u32 s25, $0x9;
	s0 =	sadd.s32 $0xFFFE7000, s9;
	v5 =	vld [tilespmem:s1+$0xFFFFFF80]  }
0x4f: {  	p1 =	slt.u32 s15, $0xC8;
	s4 =	sadd.s32 $0xFFFE7000, s20;
	s0 =	smov.u32 @p5 s9;
	v6 =	vld [tilespmem:s1+$0x80]  }
0x50: {  	s4 =	smov.u32 @p1 s20;
	s20 =	sadd.s32 $0xFFFE7000, s23;
	v8 =	vld [tilespmem:s1+$0x100];
	s9 =	sshra.s32 s0, $0x2  }
0x51: {  	s20 =	smov.u32 @p2 s23;
	s22 =	sshra.s32 s4, $0x2;
	s4 =	sadd.s32 $0xFFFE7000, s11;
	v10 =	vld [tilespmem:s9+$0x18400]  }
0x52: {  	p4 =	slt.u32 s25, $0xC8;
	v7 =	vld [tilespmem:s22+$0x18400];
	s25 =	sshra.s32 s20, $0x2;
	s4 =	smov.u32 @p3 s11;
	v0 =	vadd.f32 v1, v0  }
0x53: {  	p1 =	slt.u32 s19, $0xC8;
	s23 =	sshll.u32 s21, $0x9;
	v9 =	vld [tilespmem:s25+$0x18400];
	s0 =	sshra.s32 s4, $0x2  }
0x54: {  	p2 =	slt.u32 s21, $0xC8;
	s11 =	sadd.s32 $0xFFFE7000, s26;
	s20 =	sadd.s32 $0xFFFE7000, s23;
	v11 =	vld [tilespmem:s0+$0x18400];
	[tilespmem:s28+$0x180] =	vst v0  }
0x55: {  	s11 =	smov.u32 @p1 s26;
	s20 =	smov.u32 @p2 s23;
	s23 =	sadd.s32 $0xFFFE7000, s30;
	v0 =	vld [tilespmem:s1+$0x190]  }
0x56: {  	s4 =	sshra.s32 s11, $0x2;
	s23 =	smov.u32 @p4 s30;
	v1 =	vld [tilespmem:s14+$0x18410]  }
0x57: {  	v12 =	vld [tilespmem:s4+$0x18400];
	s30 =	sshra.s32 s23, $0x2;
	v4 =	vadd.f32 v10, v4  }
0x58: {  	s11 =	sshra.s32 s20, $0x2;
	v53 =	vld [tilespmem:s30+$0x18400];
	v2 =	vadd.f32 v7, v2  }
0x59: {  	v7 =	vld [tilespmem:s11+$0x18400];
	[tilespmem:s28+$0xFFFFFF00] =	vst v4  }
0x5a: {  	v3 =	vadd.f32 v9, v3;
	[tilespmem:s28+$0xFFFFFE00] =	vst v2;
	v55 =	vld [tilespmem:s1+$0xFFFFFF10]  }
0x5b: {  	v2 =	vld [tilespmem:s1+$0xFFFFFE10];
	v0 =	vadd.f32 v1, v0  }
0x5c: {  	[tilespmem:s28+$0xFFFFFE80] =	vst v3;
	v3 =	vld [tilespmem:s22+$0x18410]  }
0x5d: {  	v54 =	vld [tilespmem:s1+$0xFFFFFE90];
	[tilespmem:s28+$0x190] =	vst v0  }
0x5e: {  	v0 =	vld [tilespmem:s1+$0x1A0]  }
0x5f: {  	v5 =	vadd.f32 v11, v5;
	v1 =	vld [tilespmem:s14+$0x18420]  }
0x60: {  	v4 =	vld [tilespmem:s25+$0x18410];
	v8 =	vadd.f32 v53, v8  }
0x61: {  	[tilespmem:s28+$0xFFFFFF80] =	vst v5;
	v5 =	vld [tilespmem:s9+$0x18410]  }
0x62: {  	v56 =	vld [tilespmem:s1+$0xFFFFFF90];
	v6 =	vadd.f32 v7, v6;
	[tilespmem:s28+$0x100] =	vst v8  }
0x63: {  	v8 =	vld [tilespmem:s1+$0x110]  }
0x64: {  	[tilespmem:s28+$0x80] =	vst v6;
	v0 =	vadd.f32 v1, v0;
	v1 =	vld [tilespmem:s1+$0x0]  }
0x65: {  	v57 =	vld [tilespmem:s1+$0x90];
	v2 =	vadd.f32 v3, v2  }
0x66: {  	v3 =	vld [tilespmem:s11+$0x18410]  }
0x67: {  	[tilespmem:s28+$0xFFFFFE10] =	vst v2;
	v2 =	vadd.f32 v4, v54;
	v4 =	vld [tilespmem:s30+$0x18410]  }
0x68: {  	v58 =	vld [tilespmem:s1+$0xFFFFFE20]  }
0x69: {  	[tilespmem:s28+$0xFFFFFE90] =	vst v2;
	v2 =	vadd.f32 v5, v55;
	v5 =	vld [tilespmem:s22+$0x18420];
	v1 =	vadd.f32 v12, v1  }
0x6a: {  	v59 =	vld [tilespmem:s1+$0xFFFFFEA0]  }
0x6b: {  	[tilespmem:s28+$0x0] =	vst v1;
	v1 =	vld [tilespmem:s0+$0x18410]  }
0x6c: {  	v7 =	vld [tilespmem:s1+$0x10]  }
0x6d: {  	v6 =	vld [tilespmem:s4+$0x18410]  }
0x6e: {  	[tilespmem:s28+$0xFFFFFF10] =	vst v2;
	v2 =	vld [tilespmem:s25+$0x18420]  }
0x6f: {  	v60 =	vld [tilespmem:s1+$0xFFFFFF20];
	[tilespmem:s28+$0x1A0] =	vst v0  }
0x70: {  	v0 =	vld [tilespmem:s14+$0x18430];
	v1 =	vadd.f32 v1, v56  }
0x71: {  	v13 =	vld [tilespmem:s1+$0x1B0]  }
0x72: {  	[tilespmem:s28+$0xFFFFFF90] =	vst v1;
	v1 =	vadd.f32 v6, v7;
	v6 =	vld [tilespmem:s9+$0x18420]  }
0x73: {  	v7 =	vld [tilespmem:s1+$0xFFFFFFA0]  }
0x74: {  	[tilespmem:s28+$0x10] =	vst v1;
	v1 =	vadd.f32 v3, v57;
	v3 =	vld [tilespmem:s0+$0x18420]  }
0x75: {  	v61 =	vld [tilespmem:s1+$0x20]  }
0x76: {  	[tilespmem:s28+$0x90] =	vst v1;
	v1 =	vadd.f32 v4, v8;
	v8 =	vld [tilespmem:s4+$0x18420]  }
0x77: {  	v0 =	vadd.f32 v0, v13;
	v14 =	vld [tilespmem:s1+$0xA0]  }
0x78: {  	v4 =	vadd.f32 v5, v58;
	v5 =	vld [tilespmem:s11+$0x18420];
	[tilespmem:s28+$0x110] =	vst v1  }
0x79: {  	[tilespmem:s28+$0x1B0] =	vst v0;
	v1 =	vadd.f32 v2, v59;
	v62 =	vld [tilespmem:s1+$0x120]  }
0x7a: {  	[tilespmem:s28+$0xFFFFFE20] =	vst v4;
	v2 =	vadd.f32 v6, v60;
	v63 =	vld [tilespmem:s30+$0x18420]  }
0x7b: {  	v0 =	vld [tilespmem:s1+$0xFFFFFE30];
	v3 =	vadd.f32 v3, v7;
	[tilespmem:s28+$0xFFFFFEA0] =	vst v1  }
0x7c: {  	v4 =	vld [tilespmem:s22+$0x18430];
	[tilespmem:s28+$0xFFFFFF20] =	vst v2;
	v2 =	vadd.f32 v8, v61  }
0x7d: {  	v1 =	vld [tilespmem:s1+$0xFFFFFEB0];
	[tilespmem:s28+$0xFFFFFFA0] =	vst v3  }
0x7e: {  	v3 =	vld [tilespmem:s9+$0x18430];
	[tilespmem:s28+$0x20] =	vst v2  }
0x7f: {  	s26 =	sshll.u32 s10, $0x1;
	v6 =	vadd.f32 v5, v14;
	v5 =	vld [tilespmem:s25+$0x18430];
	[smem:$0x7FC] =	sst s10  }
0x80: {  	[smem:$0x7FD] =	sst s26  }
0x81: {  	s29 =	rddreg [dreg:$0xd]  }
0x82: {  	s31 =	simm.s32 $0x0;
	s9 =	sadd.s32 s29, s24;
	v2 =	vld [tilespmem:s1+$0xFFFFFF30];
	[tilespmem:s28+$0xA0] =	vst v6;
	v6 =	vadd.f32 v63, v62  }
.LBB2_3:
0x83: {  	s3 =	rddreg [dreg:$0x5]  }
0x84: {  	[tilespmem:s28+$0x120] =	vst v6;
	v6 =	vld [tilespmem:s0+$0x18430];
	s25 =	sadd.s32 s31, s3;
	v0 =	vadd.f32 v4, v0  }
0x85: {  	s26 =	sadd.s32 $0xF, s25;
	s8 =	sadd.s32 $0x9, s25;
	v4 =	vld [tilespmem:s1+$0xFFFFFFB0]  }
0x86: {  	s23 =	sadd.s32 $0xA, s25;
	s20 =	sshll.u32 s26, $0x9;
	s14 =	sshll.u32 s8, $0x9;
	[tilespmem:s28+$0xFFFFFE30] =	vst v0;
	v0 =	vadd.f32 v5, v1;
	v1 =	vld [tilespmem:s1+$0x30]  }
0x87: {  	p2 =	slt.u32 s26, $0xC8;
	p0 =	slt.u32 s8, $0xC8;
	s15 =	sadd.s32 $0xFFFE7000, s14;
	v5 =	vld [tilespmem:s4+$0x18430]  }
0x88: {  	s5 =	sshll.u32 s23, $0x9;
	s15 =	smov.u32 @p0 s14;
	s4 =	sadd.s32 $0xFFFE7000, s20;
	[tilespmem:s28+$0xFFFFFEB0] =	vst v0;
	v0 =	vadd.f32 v3, v2;
	v2 =	vld [tilespmem:s1+$0xB0]  }
0x89: {  	s4 =	smov.u32 @p2 s20;
	p2 =	slt.u32 s23, $0xC8;
	s23 =	sshra.s32 s15, $0x2;
	v3 =	vld [tilespmem:s11+$0x18430]  }
0x8a: {  	s29 =	sadd.s32 $0xB, s25;
	v10 =	vld [tilespmem:s23+$0x18400]  }
0x8b: {  	s3 =	sadd.s32 $0x8, s25;
	s0 =	sadd.s32 $0xE, s25;
	s6 =	sshll.u32 s29, $0x9;
	[tilespmem:s28+$0xFFFFFF30] =	vst v0;
	v0 =	vadd.f32 v6, v4;
	v4 =	vld [tilespmem:s1+$0x130]  }
0x8c: {  	p4 =	slt.u32 s3, $0xC8;
	s18 =	sadd.s32 $0xFFFE7000, s5;
	v6 =	vld [tilespmem:s30+$0x18430];
	s1 =	sadd.s32 $0x400, s1  }
0x8d: {  	s20 =	sshra.s32 s4, $0x2;
	s4 =	sshll.u32 s3, $0x9;
	s18 =	smov.u32 @p2 s5;
	v7 =	vld [tilespmem:s1+$0x180]  }
0x8e: {  	p3 =	slt.u32 s29, $0xC8;
	s12 =	sadd.s32 $0xFFFE7000, s4;
	s29 =	sshra.s32 s18, $0x2;
	[tilespmem:s28+$0xFFFFFFB0] =	vst v0;
	v0 =	vadd.f32 v5, v1;
	v1 =	vld [tilespmem:s20+$0x18400]  }
0x8f: {  	s26 =	sadd.s32 $0xC, s25;
	s10 =	sadd.s32 $0xFFFE7000, s6;
	s12 =	smov.u32 @p4 s4;
	v11 =	vld [tilespmem:s29+$0x18400]  }
0x90: {  	s19 =	sshll.u32 s0, $0x9;
	s10 =	smov.u32 @p3 s6;
	s14 =	sshra.s32 s12, $0x2;
	v5 =	vld [tilespmem:s1+$0xFFFFFE00];
	[tilespmem:s28+$0x30] =	vst v0;
	v0 =	vadd.f32 v3, v2  }
0x91: {  	s2 =	sshll.u32 s26, $0x9;
	p4 =	slt.u32 s0, $0xC8;
	s0 =	sshra.s32 s10, $0x2;
	v9 =	vld [tilespmem:s14+$0x18400]  }
0x92: {  	p5 =	slt.u32 s26, $0xC8;
	s21 =	sadd.s32 $0xFFFE7000, s2;
	v12 =	vld [tilespmem:s0+$0x18400];
	[tilespmem:s28+$0xB0] =	vst v0;
	v0 =	vadd.f32 v6, v4  }
0x93: {  	s21 =	smov.u32 @p5 s2;
	v2 =	vld [tilespmem:s1+$0xFFFFFE80];
	v1 =	vadd.f32 v1, v7  }
0x94: {  	s4 =	sshra.s32 s21, $0x2;
	v3 =	vld [tilespmem:s1+$0xFFFFFF00];
	[tilespmem:s28+$0x130] =	vst v0;
	s28 =	sadd.s32 $0x400, s28  }
0x95: {  	v13 =	vld [tilespmem:s4+$0x18400];
	[tilespmem:s28+$0x180] =	vst v1  }
0x96: {  	v1 =	vld [tilespmem:s1+$0x190]  }
0x97: {  	v8 =	vld [tilespmem:s20+$0x18410]  }
0x98: {  	s30 =	sadd.s32 $0xD, s25;
	v4 =	vld [tilespmem:s1+$0xFFFFFF80]  }
0x99: {  	s17 =	sadd.s32 $0xFFFE7000, s19;
	s25 =	sshll.u32 s30, $0x9;
	v6 =	vld [tilespmem:s1+$0x0]  }
0x9a: {  	p6 =	slt.u32 s30, $0xC8;
	s17 =	smov.u32 @p4 s19;
	s22 =	sadd.s32 $0xFFFE7000, s25;
	v0 =	vld [tilespmem:s1+$0x80]  }
0x9b: {  	s30 =	sshra.s32 s17, $0x2;
	s22 =	smov.u32 @p6 s25;
	v5 =	vadd.f32 v9, v5;
	v7 =	vld [tilespmem:s1+$0x100]  }
0x9c: {  	s11 =	sshra.s32 s22, $0x2;
	v63 =	vld [tilespmem:s30+$0x18400];
	v1 =	vadd.f32 v8, v1  }
0x9d: {  	[tilespmem:s28+$0xFFFFFE00] =	vst v5;
	v8 =	vld [tilespmem:s11+$0x18400]  }
0x9e: {  	v2 =	vadd.f32 v10, v2;
	v5 =	vld [tilespmem:s1+$0xFFFFFE10];
	[tilespmem:s28+$0x190] =	vst v1  }
0x9f: {  	v1 =	vadd.f32 v11, v3;
	v3 =	vld [tilespmem:s1+$0x1A0]  }
0xa0: {  	[tilespmem:s28+$0xFFFFFE80] =	vst v2;
	v2 =	vadd.f32 v12, v4;
	v4 =	vld [tilespmem:s20+$0x18420]  }
0xa1: {  	[tilespmem:s28+$0xFFFFFF00] =	vst v1;
	v1 =	vadd.f32 v13, v6;
	v6 =	vld [tilespmem:s14+$0x18410]  }
0xa2: {  	[tilespmem:s28+$0xFFFFFF80] =	vst v2;
	v2 =	vld [tilespmem:s1+$0xFFFFFE90];
	v0 =	vadd.f32 v8, v0  }
0xa3: {  	[tilespmem:s28+$0x0] =	vst v1;
	v1 =	vadd.f32 v63, v7;
	v7 =	vld [tilespmem:s23+$0x18410]  }
0xa4: {  	[tilespmem:s28+$0x80] =	vst v0;
	v0 =	vld [tilespmem:s1+$0xFFFFFF10]  }
0xa5: {  	[tilespmem:s28+$0x100] =	vst v1;
	v1 =	vadd.f32 v4, v3;
	v3 =	vld [tilespmem:s29+$0x18410]  }
0xa6: {  	v4 =	vadd.f32 v6, v5;
	v5 =	vld [tilespmem:s1+$0xFFFFFF90]  }
0xa7: {  	v6 =	vld [tilespmem:s0+$0x18410];
	[tilespmem:s28+$0x1A0] =	vst v1  }
0xa8: {  	v1 =	vld [tilespmem:s1+$0x1B0]  }
0xa9: {  	[tilespmem:s28+$0xFFFFFE10] =	vst v4;
	v2 =	vadd.f32 v7, v2;
	v4 =	vld [tilespmem:s20+$0x18430]  }
0xaa: {  	v7 =	vld [tilespmem:s11+$0x18410]  }
0xab: {  	[tilespmem:s28+$0xFFFFFE90] =	vst v2;
	v0 =	vadd.f32 v3, v0;
	v2 =	vld [tilespmem:s1+$0x10]  }
0xac: {  	v3 =	vld [tilespmem:s4+$0x18410]  }
0xad: {  	[tilespmem:s28+$0xFFFFFF10] =	vst v0;
	v0 =	vld [tilespmem:s1+$0x90]  }
0xae: {  	v1 =	vadd.f32 v4, v1;
	v4 =	vadd.f32 v6, v5;
	v5 =	vld [tilespmem:s1+$0x110]  }
0xaf: {  	v6 =	vld [tilespmem:s30+$0x18410]  }
0xb0: {  	[tilespmem:s28+$0x1B0] =	vst v1;
	v1 =	vld [tilespmem:s1+$0xFFFFFE20]  }
0xb1: {  	v2 =	vadd.f32 v3, v2;
	v3 =	vld [tilespmem:s14+$0x18420]  }
0xb2: {  	[tilespmem:s28+$0xFFFFFF90] =	vst v4;
	v4 =	vld [tilespmem:s1+$0xFFFFFEA0]  }
0xb3: {  	[tilespmem:s28+$0x10] =	vst v2;
	v0 =	vadd.f32 v7, v0;
	v2 =	vld [tilespmem:s23+$0x18420]  }
0xb4: {  	v7 =	vld [tilespmem:s1+$0xFFFFFF20]  }
0xb5: {  	[tilespmem:s28+$0x90] =	vst v0;
	v0 =	vadd.f32 v6, v5;
	v5 =	vld [tilespmem:s29+$0x18420]  }
0xb6: {  	v1 =	vadd.f32 v3, v1;
	v3 =	vld [tilespmem:s1+$0xFFFFFFA0]  }
0xb7: {  	v6 =	vld [tilespmem:s11+$0x18420]  }
0xb8: {  	[tilespmem:s28+$0x110] =	vst v0;
	v0 =	vld [tilespmem:s0+$0x18420]  }
0xb9: {  	[tilespmem:s28+$0xFFFFFE20] =	vst v1;
	v1 =	vadd.f32 v2, v4;
	v2 =	vld [tilespmem:s1+$0x20]  }
0xba: {  	v4 =	vld [tilespmem:s4+$0x18420]  }
0xbb: {  	[tilespmem:s28+$0xFFFFFEA0] =	vst v1;
	v1 =	vadd.f32 v5, v7;
	v5 =	vld [tilespmem:s1+$0xA0]  }
0xbc: {  	v7 =	vld [tilespmem:s30+$0x18420]  }
0xbd: {  	s31 =	sadd.s32 $0x8, s31;
	[tilespmem:s28+$0xFFFFFF20] =	vst v1;
	v1 =	vadd.f32 v0, v3;
	v3 =	vld [tilespmem:s1+$0x120]  }
0xbe: {  	p1 =	slt.u32 s31, $0x78;
	v0 =	vld [tilespmem:s1+$0xFFFFFE30]  }
.Ltmp0:
0xbf: {  	v2 =	vadd.f32 v4, v2;
	v4 =	vld [tilespmem:s14+$0x18430];
	(pc) =	sbr.rel @p1 .LBB2_3-.Ltmp0, $4  }
0xc0: {  	[tilespmem:s28+$0xFFFFFFA0] =	vst v1;
	v1 =	vld [tilespmem:s1+$0xFFFFFEB0]  }
0xc1: {  	v6 =	vadd.f32 v6, v5;
	v5 =	vld [tilespmem:s23+$0x18430]  }
0xc2: {  	[tilespmem:s28+$0x20] =	vst v2;
	v2 =	vld [tilespmem:s1+$0xFFFFFF30]  }
0xc3: {  	[tilespmem:s28+$0xA0] =	vst v6;
	v6 =	vadd.f32 v7, v3;
	v3 =	vld [tilespmem:s29+$0x18430]  }
0xc4: {  	v7 =	vld [tilespmem:s1+$0xFFFFFFB0]  }
0xc5: {  	v8 =	vld [tilespmem:s0+$0x18430]  }
0xc6: {  	v9 =	vld [tilespmem:s1+$0x30]  }
0xc7: {  	v10 =	vld [tilespmem:s4+$0x18430]  }
0xc8: {  	v11 =	vld [tilespmem:s1+$0xB0]  }
0xc9: {  	[tilespmem:s28+$0x120] =	vst v6;
	v6 =	vld [tilespmem:s11+$0x18430]  }
0xca: {  	v0 =	vadd.f32 v4, v0;
	v4 =	vld [tilespmem:s1+$0x130]  }
0xcb: {  	v1 =	vadd.f32 v5, v1;
	v5 =	vld [tilespmem:s30+$0x18430]  }
0xcc: {  	[tilespmem:s28+$0xFFFFFE30] =	vst v0;
	v0 =	vadd.f32 v3, v2  }
0xcd: {  	[tilespmem:s28+$0xFFFFFEB0] =	vst v1;
	v1 =	vadd.f32 v8, v7  }
0xce: {  	[tilespmem:s28+$0xFFFFFF30] =	vst v0;
	v0 =	vadd.f32 v10, v9  }
0xcf: {  	[tilespmem:s28+$0xFFFFFFB0] =	vst v1;
	v1 =	vadd.f32 v6, v11  }
0xd0: {  	[tilespmem:s28+$0x30] =	vst v0;
	v0 =	vadd.f32 v5, v4  }
0xd1: {  	[tilespmem:s28+$0xB0] =	vst v1  }
0xd2: {  	[tilespmem:s28+$0x130] =	vst v0  }
0xd3: {  	s8 =	sshll.u32 s9, $0x4;
	s9 =	rddreg [dreg:$0xe]  }
0xd4: {  	s10 =	simm.s32 $0x10400;
	s11 =	simm.s32 $0x2;
	s0 =	sadd.s32 s9, s8  }
0xd5: {  	[hbm4b:s0+s7] =	stream.linear.scatter [tilespmem:s10], [sflag:$0x7], $0x4000, $0x38;
	[tilespmem:$0x1E800] =	vst v63  }
0xd6: {  	_ =	swait.ge [sflag:s11], $0x200  }
0xd7: {  	[sflag:s11] =	ssyncset.done $0x0  }
0xd8: {  	s12 =	simm.s32 $0x80;
	[sflag:s11] =	ssyncadd.s32 $0xFFFFFE00  }
0xd9: {  	s2 =	simm.s32 $0x400;
	s14 =	simm.s32 $0x4;
	s0 =	rddreg [dreg:$0x1]  }
0xda: {  	[tilespmem:s2], [sflag:$0x3] =	stream.indirect.gather [hbm4b:s0+s12], $0x80, s16, s12, $0xb8;
	[tilespmem:$0x1E800] =	vst v63  }
0xdb: {  	_ =	swait.ge [sflag:s14], $0x4000  }
0xdc: {  	s15 =	sld [smem:$0x7FB];
	_ =	sdelay $0x2  }
0xdd: {  	[sflag:s14] =	ssyncset.done $0x0;
	p1 =	seq.s32 s15, $0x1  }
0xde: {  	[sflag:s14] =	ssyncadd.s32 $0xFFFFC000;
	s0 =	simm.s32 @!p1 $0x8  }
0xdf: {  	_ =	swait.ge @!p1 [sflag:s0], $0x4000  }
0xe0: {  	s16 =	rddreg [dreg:$0x6]  }
0xe1: {  	s17 =	sadd.s32 $0xFFFFFFF8, s16  }
0xe2: {  	s1 =	sadd.s32 $0x8F, s17  }
0xe3: {  	s30 =	simm.s32 $0x0;
	[sflag:s0] =	ssyncset.done @!p1 $0x0;
	s3 =	sshll.u32 s1, $0x9  }
0xe4: {  	s18 =	sadd.s32 $0x88, s17;
	p0 =	slt.u32 s1, $0xC8;
	s1 =	sadd.s32 $0xFFFE7000, s3  }
0xe5: {  	[sflag:s0] =	ssyncadd.s32 @!p1 $0xFFFFC000;
	s1 =	smov.u32 @p0 s3;
	s3 =	sshll.u32 s18, $0x9  }
0xe6: {  	v0 =	vld [tilespmem:s30+$0x4780];
	p0 =	slt.u32 s18, $0xC8;
	s1 =	sshra.s32 s1, $0x2;
	s4 =	sadd.s32 $0xFFFE7000, s3  }
0xe7: {  	v1 =	vld [tilespmem:s1+$0x18400];
	s4 =	smov.u32 @p0 s3  }
0xe8: {  	v2 =	vld [tilespmem:s30+$0x4400];
	s19 =	sshra.s32 s4, $0x2  }
0xe9: {  	v3 =	vld [tilespmem:s19+$0x18400]  }
0xea: {  	v4 =	vld [tilespmem:s30+$0x4500]  }
0xeb: {  	v6 =	vld [tilespmem:s30+$0x4580]  }
0xec: {  	v51 =	vld [tilespmem:s30+$0x4680];
	v0 =	vadd.f32 v1, v0  }
0xed: {  	v54 =	vld [tilespmem:s30+$0x4490]  }
0xee: {  	[tilespmem:s30+$0x14780] =	vst v0;
	v0 =	vld [tilespmem:s30+$0x4790];
	v2 =	vadd.f32 v3, v2  }
0xef: {  	v1 =	vld [tilespmem:s1+$0x18410]  }
0xf0: {  	v3 =	vld [tilespmem:s30+$0x4410];
	[tilespmem:s30+$0x14400] =	vst v2  }
0xf1: {  	v2 =	vld [tilespmem:s19+$0x18410]  }
0xf2: {  	v55 =	vld [tilespmem:s30+$0x4510]  }
0xf3: {  	v56 =	vld [tilespmem:s30+$0x4610]  }
0xf4: {  	v57 =	vld [tilespmem:s30+$0x4690];
	v0 =	vadd.f32 v1, v0  }
0xf5: {  	v58 =	vld [tilespmem:s30+$0x4710]  }
0xf6: {  	s20 =	sadd.s32 $0x89, s17;
	[tilespmem:s30+$0x14790] =	vst v0;
	v0 =	vld [tilespmem:s30+$0x47A0];
	v2 =	vadd.f32 v2, v3  }
0xf7: {  	s21 =	sadd.s32 $0x8A, s17;
	s6 =	sshll.u32 s20, $0x9;
	v1 =	vld [tilespmem:s1+$0x18420]  }
0xf8: {  	p0 =	slt.u32 s20, $0xC8;
	s3 =	sshll.u32 s21, $0x9;
	s4 =	sadd.s32 $0xFFFE7000, s6;
	[tilespmem:s30+$0x14410] =	vst v2;
	v2 =	vld [tilespmem:s30+$0x4420]  }
0xf9: {  	p1 =	slt.u32 s21, $0xC8;
	s4 =	smov.u32 @p0 s6;
	s6 =	sadd.s32 $0xFFFE7000, s3;
	v3 =	vld [tilespmem:s19+$0x18420]  }
0xfa: {  	s8 =	sadd.s32 $0x8C, s17;
	v59 =	vld [tilespmem:s30+$0x4520];
	s6 =	smov.u32 @p1 s3  }
0xfb: {  	v60 =	vld [tilespmem:s30+$0x45A0];
	s23 =	sshra.s32 s4, $0x2;
	s4 =	sshll.u32 s8, $0x9;
	s25 =	sshra.s32 s6, $0x2  }
0xfc: {  	s5 =	sadd.s32 $0x8B, s17;
	p0 =	slt.u32 s8, $0xC8;
	s0 =	sadd.s32 $0xFFFE7000, s4;
	v7 =	vld [tilespmem:s25+$0x18400];
	v0 =	vadd.f32 v1, v0  }
0xfd: {  	p2 =	slt.u32 s5, $0xC8;
	s5 =	sshll.u32 s5, $0x9;
	s0 =	smov.u32 @p0 s4;
	v1 =	vld [tilespmem:s30+$0x4480]  }
0xfe: {  	s9 =	sadd.s32 $0xFFFE7000, s5;
	s29 =	sshra.s32 s0, $0x2;
	[tilespmem:s30+$0x147A0] =	vst v0;
	v0 =	vadd.f32 v3, v2;
	v3 =	vld [tilespmem:s23+$0x18400]  }
0xff: {  	s22 =	sadd.s32 $0x8D, s17;
	s2 =	sadd.s32 $0x8E, s17;
	s9 =	smov.u32 @p2 s5;
	v52 =	vld [tilespmem:s29+$0x18400]  }
0x100: {  	s5 =	sshll.u32 s22, $0x9;
	p2 =	slt.u32 s2, $0xC8;
	s26 =	sshra.s32 s9, $0x2;
	v2 =	vld [tilespmem:s30+$0x4600]  }
0x101: {  	s2 =	sshll.u32 s2, $0x9;
	v8 =	vld [tilespmem:s26+$0x18400];
	p1 =	slt.u32 s22, $0xC8;
	s4 =	sadd.s32 $0xFFFE7000, s5  }
0x102: {  	v61 =	vld [tilespmem:s30+$0x4620];
	s4 =	smov.u32 @p1 s5;
	s5 =	sadd.s32 $0xFFFE7000, s2  }
0x103: {  	v62 =	vld [tilespmem:s30+$0x46A0];
	s5 =	smov.u32 @p2 s2;
	s4 =	sshra.s32 s4, $0x2;
	v1 =	vadd.f32 v3, v1  }
0x104: {  	s0 =	sshra.s32 s5, $0x2;
	v53 =	vld [tilespmem:s4+$0x18400];
	v3 =	vadd.f32 v7, v4  }
0x105: {  	v4 =	vld [tilespmem:s0+$0x18400];
	v2 =	vadd.f32 v52, v2;
	[tilespmem:s30+$0x14480] =	vst v1  }
0x106: {  	v1 =	vadd.f32 v8, v6;
	v6 =	vld [tilespmem:s30+$0x4700];
	[tilespmem:s30+$0x14500] =	vst v3  }
0x107: {  	[tilespmem:s30+$0x14600] =	vst v2;
	v3 =	vld [tilespmem:s23+$0x18410]  }
0x108: {  	[tilespmem:s30+$0x14580] =	vst v1;
	v1 =	vld [tilespmem:s25+$0x18410]  }
0x109: {  	v8 =	vld [tilespmem:s29+$0x18410]  }
0x10a: {  	v9 =	vadd.f32 v53, v51;
	v7 =	vld [tilespmem:s26+$0x18410]  }
0x10b: {  	v4 =	vadd.f32 v4, v6;
	v6 =	vld [tilespmem:s30+$0x4590]  }
0x10c: {  	[tilespmem:s30+$0x14680] =	vst v9;
	v5 =	vld [tilespmem:s1+$0x18430];
	v3 =	vadd.f32 v3, v54  }
0x10d: {  	[tilespmem:s30+$0x14700] =	vst v4;
	v4 =	vld [tilespmem:s4+$0x18410];
	v1 =	vadd.f32 v1, v55  }
0x10e: {  	v12 =	vld [tilespmem:s0+$0x18410];
	[tilespmem:s30+$0x14490] =	vst v3  }
0x10f: {  	[tilespmem:s30+$0x14510] =	vst v1;
	v1 =	vadd.f32 v8, v56;
	v8 =	vld [tilespmem:s30+$0x44A0]  }
0x110: {  	v3 =	vadd.f32 v7, v6;
	v6 =	vld [tilespmem:s23+$0x18420]  }
0x111: {  	v7 =	vld [tilespmem:s25+$0x18420];
	[tilespmem:s30+$0x14610] =	vst v1  }
0x112: {  	[tilespmem:s30+$0x14590] =	vst v3;
	v1 =	vld [tilespmem:s29+$0x18420]  }
0x113: {  	[tilespmem:s30+$0x14420] =	vst v0;
	v4 =	vadd.f32 v4, v57;
	v3 =	vld [tilespmem:s26+$0x18420]  }
0x114: {  	v0 =	vld [tilespmem:s19+$0x18430];
	v11 =	vadd.f32 v12, v58  }
0x115: {  	v2 =	vld [tilespmem:s30+$0x47B0];
	[tilespmem:s30+$0x14690] =	vst v4;
	v4 =	vadd.f32 v6, v8  }
0x116: {  	v13 =	vld [tilespmem:s4+$0x18420];
	[tilespmem:s30+$0x14710] =	vst v11;
	v7 =	vadd.f32 v7, v59  }
0x117: {  	v8 =	vld [tilespmem:s30+$0x4720];
	[tilespmem:s30+$0x144A0] =	vst v4;
	v1 =	vadd.f32 v1, v61  }
0x118: {  	v6 =	vld [tilespmem:s0+$0x18420];
	[tilespmem:s30+$0x14520] =	vst v7;
	v63 =	vadd.f32 v3, v60  }
0x119: {  	v4 =	vld [tilespmem:s23+$0x18430];
	[tilespmem:s30+$0x14620] =	vst v1  }
0x11a: {  	v5 =	vadd.f32 v5, v2;
	v3 =	vld [tilespmem:s25+$0x18430];
	[tilespmem:s30+$0x145A0] =	vst v63  }
0x11b: {  	v7 =	vadd.f32 v13, v62;
	v1 =	vld [tilespmem:s29+$0x18430];
	s31 =	rddreg [dreg:$0xd]  }
0x11c: {  	v2 =	vld [tilespmem:s26+$0x18430];
	[tilespmem:s30+$0x147B0] =	vst v5;
	s28 =	sadd.s32 s24, s31  }
0x11d: {  	s11 =	simm.s32 $0x0;
	s9 =	simm.s32 $0x0;
	v5 =	vld [tilespmem:s30+$0x4430];
	v6 =	vadd.f32 v6, v8;
	[tilespmem:s30+$0x146A0] =	vst v7;
	s1 =	sadd.s32 $0x80, s28  }
.LBB2_5:
0x11e: {  	s2 =	rddreg [dreg:$0x6];
	s3 =	smov.u32 s11  }
0x11f: {  	s11 =	sadd.s32 $0x8, s11;
	s9 =	sadd.s32 $0x1000, s9;
	s20 =	sadd.s32 s3, s2  }
0x120: {  	p0 =	slt.u32 s11, $0x78;
	s10 =	sshra.s32 s9, $0x2;
	s2 =	sadd.s32 $0x88, s20  }
0x121: {  	s3 =	sadd.s32 $0x89, s20;
	s21 =	sadd.s32 $0x8F, s20;
	s5 =	sadd.s32 $0x8A, s20  }
0x122: {  	v7 =	vld [tilespmem:s30+$0x4530];
	s6 =	sadd.s32 $0x8B, s20;
	s12 =	sadd.s32 $0x8C, s20;
	s8 =	sshll.u32 s21, $0x9  }
0x123: {  	v8 =	vld [tilespmem:s30+$0x45B0];
	p1 =	slt.u32 s21, $0xC8;
	s15 =	sshll.u32 s3, $0x9;
	s17 =	sshll.u32 s5, $0x9  }
0x124: {  	v9 =	vld [tilespmem:s30+$0x4630];
	s18 =	sshll.u32 s6, $0x9;
	s19 =	sshll.u32 s12, $0x9;
	p2 =	slt.u32 s2, $0xC8  }
0x125: {  	v10 =	vld [tilespmem:s30+$0x46B0];
	p3 =	slt.u32 s5, $0xC8;
	p4 =	slt.u32 s6, $0xC8;
	p5 =	slt.u32 s12, $0xC8;
	v0 =	vadd.f32 v0, v5  }
0x126: {  	[tilespmem:s30+$0x14720] =	vst v6;
	v5 =	vld [tilespmem:s4+$0x18430];
	s4 =	simm.s32 @!p0 $0x0;
	s22 =	sadd.s32 $0xFFFE7000, s15;
	s25 =	sadd.s32 $0xFFFE7000, s17  }
0x127: {  	s4 =	simm.s32 @p0 $0x1;
	v3 =	vadd.f32 v3, v7;
	p0 =	slt.u32 s3, $0xC8;
	s25 =	smov.u32 @p3 s17;
	[tilespmem:s30+$0x14430] =	vst v0;
	v0 =	vld [tilespmem:s30+$0x44B0]  }
0x128: {  	v6 =	vld [tilespmem:s0+$0x18430];
	[smem:$0x7F7] =	sst s4;
	s4 =	sadd.s32 $0xFFFE7000, s8;
	s22 =	smov.u32 @p0 s15  }
0x129: {  	v11 =	vld [tilespmem:s10+$0x4780];
	s4 =	smov.u32 @p1 s8;
	[tilespmem:s30+$0x14530] =	vst v3;
	s26 =	sshra.s32 s22, $0x2;
	s22 =	sshra.s32 s25, $0x2  }
0x12a: {  	s29 =	sadd.s32 $0xFFFE7000, s18;
	s7 =	sadd.s32 $0xFFFE7000, s19;
	v1 =	vadd.f32 v1, v9;
	s8 =	sshra.s32 s4, $0x2;
	v53 =	vld [tilespmem:s22+$0x18400]  }
0x12b: {  	s29 =	smov.u32 @p4 s18;
	s7 =	smov.u32 @p5 s19;
	s4 =	sshll.u32 s2, $0x9;
	v7 =	vld [tilespmem:s8+$0x18400]  }
0x12c: {  	[tilespmem:s30+$0x14630] =	vst v1;
	s25 =	sshra.s32 s29, $0x2;
	s29 =	sshra.s32 s7, $0x2;
	s21 =	sadd.s32 $0xFFFE7000, s4;
	v0 =	vadd.f32 v4, v0;
	v4 =	vld [tilespmem:s30+$0x4730]  }
0x12d: {  	v12 =	vld [tilespmem:s29+$0x18400];
	s21 =	smov.u32 @p2 s4  }
0x12e: {  	s31 =	sshra.s32 s21, $0x2;
	[tilespmem:s30+$0x144B0] =	vst v0;
	v0 =	vadd.f32 v2, v8;
	v2 =	vld [tilespmem:s10+$0x4400]  }
0x12f: {  	v8 =	vld [tilespmem:s31+$0x18400]  }
0x130: {  	v3 =	vld [tilespmem:s10+$0x4480]  }
0x131: {  	v52 =	vld [tilespmem:s26+$0x18400];
	v1 =	vadd.f32 v6, v4;
	v6 =	vadd.f32 v7, v11  }
0x132: {  	[tilespmem:s30+$0x145B0] =	vst v0;
	v0 =	vadd.f32 v5, v10;
	v5 =	vld [tilespmem:s10+$0x4500]  }
0x133: {  	[tilespmem:s10+$0x14780] =	vst v6;
	v6 =	vld [tilespmem:s10+$0x4790]  }
0x134: {  	v7 =	vld [tilespmem:s8+$0x18410]  }
0x135: {  	s14 =	sadd.s32 $0x8D, s20;
	v4 =	vld [tilespmem:s10+$0x4580]  }
0x136: {  	s0 =	sadd.s32 $0x8E, s20;
	s20 =	sshll.u32 s14, $0x9;
	v54 =	vld [tilespmem:s25+$0x18400]  }
0x137: {  	p6 =	slt.u32 s14, $0xC8;
	s2 =	sadd.s32 $0xFFFE7000, s20;
	[tilespmem:s30+$0x146B0] =	vst v0;
	v0 =	vld [tilespmem:s10+$0x4600]  }
0x138: {  	s2 =	smov.u32 @p6 s20;
	[tilespmem:s30+$0x14730] =	vst v1;
	v1 =	vld [tilespmem:s10+$0x4680];
	s30 =	smov.u32 s10  }
0x139: {  	s4 =	sshra.s32 s2, $0x2;
	v55 =	vld [tilespmem:s30+$0x4410];
	v6 =	vadd.f32 v7, v6  }
0x13a: {  	s23 =	sshll.u32 s0, $0x9;
	v2 =	vadd.f32 v8, v2;
	v7 =	vld [tilespmem:s4+$0x18400]  }
0x13b: {  	s16 =	sadd.s32 $0xFFFE7000, s23;
	p1 =	slt.u32 s0, $0xC8;
	[tilespmem:s30+$0x14790] =	vst v6;
	v6 =	vld [tilespmem:s30+$0x47A0]  }
0x13c: {  	s16 =	smov.u32 @p1 s23;
	v3 =	vadd.f32 v52, v3;
	[tilespmem:s30+$0x14400] =	vst v2;
	v2 =	vadd.f32 v53, v5;
	v5 =	vld [tilespmem:s8+$0x18420]  }
0x13d: {  	s0 =	sshra.s32 s16, $0x2;
	v56 =	vld [tilespmem:s30+$0x4490]  }
0x13e: {  	[tilespmem:s30+$0x14480] =	vst v3;
	v3 =	vadd.f32 v54, v4;
	v4 =	vld [tilespmem:s0+$0x18400]  }
0x13f: {  	[tilespmem:s30+$0x14500] =	vst v2;
	v2 =	vld [tilespmem:s30+$0x4700];
	v1 =	vadd.f32 v7, v1  }
0x140: {  	v57 =	vld [tilespmem:s30+$0x4590]  }
0x141: {  	v58 =	vld [tilespmem:s30+$0x4690];
	[tilespmem:s30+$0x14680] =	vst v1;
	v1 =	vadd.f32 v5, v6  }
0x142: {  	v59 =	vld [tilespmem:s30+$0x4710]  }
0x143: {  	[tilespmem:s30+$0x147A0] =	vst v1;
	v1 =	vld [tilespmem:s30+$0x47B0]  }
0x144: {  	v2 =	vadd.f32 v4, v2;
	v4 =	vld [tilespmem:s8+$0x18430]  }
0x145: {  	v8 =	vld [tilespmem:s31+$0x18410];
	v0 =	vadd.f32 v12, v0  }
0x146: {  	[tilespmem:s30+$0x14580] =	vst v3;
	v3 =	vld [tilespmem:s26+$0x18410]  }
0x147: {  	[tilespmem:s30+$0x14600] =	vst v0;
	v0 =	vld [tilespmem:s22+$0x18410]  }
0x148: {  	v5 =	vld [tilespmem:s25+$0x18410]  }
0x149: {  	v1 =	vadd.f32 v4, v1;
	v4 =	vld [tilespmem:s30+$0x4510]  }
0x14a: {  	v6 =	vld [tilespmem:s29+$0x18410]  }
0x14b: {  	[tilespmem:s30+$0x147B0] =	vst v1;
	v1 =	vld [tilespmem:s30+$0x4610]  }
0x14c: {  	v60 =	vld [tilespmem:s30+$0x4620];
	v8 =	vadd.f32 v8, v55;
	[tilespmem:s30+$0x14700] =	vst v2  }
0x14d: {  	v3 =	vadd.f32 v3, v56;
	v7 =	vld [tilespmem:s0+$0x18410]  }
0x14e: {  	[tilespmem:s30+$0x14410] =	vst v8;
	v2 =	vld [tilespmem:s4+$0x18410];
	v0 =	vadd.f32 v0, v4  }
0x14f: {  	v8 =	vld [tilespmem:s30+$0x4420];
	[tilespmem:s30+$0x14490] =	vst v3;
	v3 =	vadd.f32 v5, v57  }
0x150: {  	v4 =	vld [tilespmem:s31+$0x18420];
	[tilespmem:s30+$0x14510] =	vst v0;
	v0 =	vadd.f32 v6, v1  }
0x151: {  	v61 =	vld [tilespmem:s30+$0x46A0];
	[tilespmem:s30+$0x14590] =	vst v3  }
0x152: {  	v5 =	vld [tilespmem:s26+$0x18420];
	[tilespmem:s30+$0x14610] =	vst v0;
	v0 =	vadd.f32 v7, v59  }
0x153: {  	v2 =	vadd.f32 v2, v58;
	v3 =	vld [tilespmem:s25+$0x18420]  }
0x154: {  	[tilespmem:s30+$0x14710] =	vst v0;
	v0 =	vld [tilespmem:s30+$0x44A0]  }
0x155: {  	[tilespmem:s30+$0x14690] =	vst v2;
	v1 =	vld [tilespmem:s22+$0x18420];
	v2 =	vadd.f32 v4, v8  }
0x156: {  	v6 =	vld [tilespmem:s29+$0x18420]  }
0x157: {  	[tilespmem:s30+$0x14420] =	vst v2;
	v2 =	vld [tilespmem:s30+$0x4520]  }
0x158: {  	v4 =	vld [tilespmem:s30+$0x45A0]  }
0x159: {  	v62 =	vadd.f32 v5, v0;
	v0 =	vld [tilespmem:s31+$0x18430];
	s31 =	sld [smem:$0x7F7]  }
0x15a: {  	v7 =	vld [tilespmem:s4+$0x18420]  }
0x15b: {  	v63 =	vld [tilespmem:s30+$0x4720]  }
0x15c: {  	v8 =	vld [tilespmem:s0+$0x18420];
	v1 =	vadd.f32 v1, v2;
	p0 =	seq.s32 s31, $0x1  }
.Ltmp1:
0x15d: {  	v5 =	vld [tilespmem:s30+$0x4430];
	v2 =	vadd.f32 v3, v4;
	[tilespmem:s30+$0x144A0] =	vst v62;
	(pc) =	sbr.rel @p0 .LBB2_5-.Ltmp1, $4  }
0x15e: {  	v4 =	vld [tilespmem:s26+$0x18430];
	[tilespmem:s30+$0x14520] =	vst v1;
	v1 =	vadd.f32 v6, v60  }
0x15f: {  	v7 =	vadd.f32 v7, v61;
	[tilespmem:s30+$0x145A0] =	vst v2;
	v3 =	vld [tilespmem:s22+$0x18430]  }
0x160: {  	v2 =	vld [tilespmem:s25+$0x18430];
	[tilespmem:s30+$0x14620] =	vst v1  }
0x161: {  	[tilespmem:s30+$0x146A0] =	vst v7;
	v6 =	vadd.f32 v8, v63;
	v1 =	vld [tilespmem:s29+$0x18430]  }
0x162: {  	[smem:$0x7F6] =	sst s24  }
0x163: {  	v7 =	vld [tilespmem:s4+$0x18430]  }
0x164: {  	v8 =	vld [tilespmem:s30+$0x44B0]  }
0x165: {  	v9 =	vld [tilespmem:s30+$0x4530]  }
0x166: {  	v10 =	vld [tilespmem:s30+$0x45B0]  }
0x167: {  	v11 =	vld [tilespmem:s30+$0x4630]  }
0x168: {  	v0 =	vadd.f32 v0, v5;
	[tilespmem:s30+$0x14720] =	vst v6;
	v5 =	vld [tilespmem:s30+$0x46B0]  }
0x169: {  	v6 =	vld [tilespmem:s0+$0x18430]  }
0x16a: {  	v4 =	vadd.f32 v4, v8;
	v8 =	vld [tilespmem:s30+$0x4730]  }
0x16b: {  	[tilespmem:s30+$0x14430] =	vst v0;
	v0 =	vadd.f32 v3, v9  }
0x16c: {  	v2 =	vadd.f32 v2, v10;
	[tilespmem:s30+$0x144B0] =	vst v4  }
0x16d: {  	[tilespmem:s30+$0x14530] =	vst v0;
	v0 =	vadd.f32 v1, v11  }
0x16e: {  	[tilespmem:s30+$0x145B0] =	vst v2;
	v1 =	vadd.f32 v7, v5  }
0x16f: {  	[tilespmem:s30+$0x14630] =	vst v0;
	v0 =	vadd.f32 v6, v8  }
0x170: {  	[tilespmem:s30+$0x146B0] =	vst v1  }
0x171: {  	s16 =	rddreg [dreg:$0x1];
	[tilespmem:s30+$0x14730] =	vst v0  }
0x172: {  	s12 =	sshll.u32 s1, $0x4;
	s15 =	simm.s32 $0x14400;
	s14 =	rddreg [dreg:$0xe]  }
0x173: {  	s17 =	simm.s32 $0x80;
	s30 =	simm.s32 $0x0;
	s0 =	sadd.s32 s14, s12  }
0x174: {  	[hbm4b:s0+s30] =	stream.linear.scatter [tilespmem:s15], [sflag:$0x8], $0x4000, $0x38;
	[tilespmem:$0x1E800] =	vst v63  }
0x175: {  	s2 =	simm.s32 $0x4400;
	s3 =	simm.s32 $0x280;
	s18 =	simm.s32 $0x5  }
0x176: {  	[tilespmem:s2], [sflag:$0x4] =	stream.indirect.gather [hbm4b:s16+s17], $0x80, s3, s17, $0xb8;
	[tilespmem:$0x1E800] =	vst v63  }
0x177: {  	_ =	swait.ge [sflag:s18], $0x4000  }
0x178: {  	[sflag:s18] =	ssyncset.done $0x0  }
0x179: {  	s19 =	simm.s32 $0x7;
	[sflag:s18] =	ssyncadd.s32 $0xFFFFC000  }
0x17a: {  	_ =	swait.ge [sflag:s19], $0x4000  }
0x17b: {  	s20 =	rddreg [dreg:$0x7]  }
0x17c: {  	s0 =	sadd.s32 $0xFFFFFFF8, s20  }
0x17d: {  	[sflag:s19] =	ssyncset.done $0x0;
	s21 =	sadd.s32 $0x10F, s0  }
0x17e: {  	s1 =	simm.s32 $0x0;
	[sflag:s19] =	ssyncadd.s32 $0xFFFFC000;
	s2 =	sshll.u32 s21, $0x9  }
0x17f: {  	s22 =	sadd.s32 $0x108, s0;
	v0 =	vld [tilespmem:s1+$0x8780];
	p0 =	slt.u32 s21, $0xC8;
	s3 =	sadd.s32 $0xFFFE7000, s2  }
0x180: {  	v2 =	vld [tilespmem:s1+$0x8400];
	s4 =	sshll.u32 s22, $0x9;
	s3 =	smov.u32 @p0 s2  }
0x181: {  	v4 =	vld [tilespmem:s1+$0x8500];
	s5 =	sadd.s32 $0xFFFE7000, s4;
	p0 =	slt.u32 s22, $0xC8;
	s3 =	sshra.s32 s3, $0x2  }
0x182: {  	s5 =	smov.u32 @p0 s4;
	v1 =	vld [tilespmem:s3+$0x18400]  }
0x183: {  	v6 =	vld [tilespmem:s1+$0x8580];
	s23 =	sshra.s32 s5, $0x2  }
0x184: {  	v3 =	vld [tilespmem:s23+$0x18400]  }
0x185: {  	v51 =	vld [tilespmem:s1+$0x8680]  }
0x186: {  	v54 =	vld [tilespmem:s1+$0x8490]  }
0x187: {  	v55 =	vld [tilespmem:s1+$0x8510];
	v0 =	vadd.f32 v1, v0  }
0x188: {  	v56 =	vld [tilespmem:s1+$0x8610]  }
0x189: {  	v2 =	vadd.f32 v3, v2;
	[tilespmem:s1+$0x10780] =	vst v0;
	v0 =	vld [tilespmem:s1+$0x8790]  }
0x18a: {  	v1 =	vld [tilespmem:s3+$0x18410]  }
0x18b: {  	v3 =	vld [tilespmem:s1+$0x8410];
	[tilespmem:s1+$0x10400] =	vst v2  }
0x18c: {  	v2 =	vld [tilespmem:s23+$0x18410]  }
0x18d: {  	v57 =	vld [tilespmem:s1+$0x8690]  }
0x18e: {  	v58 =	vld [tilespmem:s1+$0x8710]  }
0x18f: {  	v59 =	vld [tilespmem:s1+$0x8520];
	v0 =	vadd.f32 v1, v0  }
0x190: {  	s24 =	sadd.s32 $0x109, s0;
	s25 =	sadd.s32 $0x10A, s0;
	s6 =	sadd.s32 $0x10B, s0;
	v60 =	vld [tilespmem:s1+$0x85A0]  }
0x191: {  	s7 =	sshll.u32 s24, $0x9;
	p1 =	slt.u32 s25, $0xC8;
	p2 =	slt.u32 s6, $0xC8;
	v2 =	vadd.f32 v2, v3;
	[tilespmem:s1+$0x10790] =	vst v0;
	v0 =	vld [tilespmem:s1+$0x87A0]  }
0x192: {  	p0 =	slt.u32 s24, $0xC8;
	s4 =	sshll.u32 s25, $0x9;
	s5 =	sadd.s32 $0xFFFE7000, s7;
	v1 =	vld [tilespmem:s3+$0x18420]  }
0x193: {  	s6 =	sshll.u32 s6, $0x9;
	s5 =	smov.u32 @p0 s7;
	s7 =	sadd.s32 $0xFFFE7000, s4;
	[tilespmem:s1+$0x10410] =	vst v2;
	v2 =	vld [tilespmem:s1+$0x8420]  }
0x194: {  	s7 =	smov.u32 @p1 s4;
	s4 =	sadd.s32 $0xFFFE7000, s6;
	v3 =	vld [tilespmem:s23+$0x18420]  }
0x195: {  	s8 =	sadd.s32 $0x10C, s0;
	v61 =	vld [tilespmem:s1+$0x8620];
	s4 =	smov.u32 @p2 s6;
	s31 =	sshra.s32 s7, $0x2  }
0x196: {  	s29 =	sshra.s32 s5, $0x2;
	s5 =	sshll.u32 s8, $0x9;
	s9 =	sshra.s32 s4, $0x2;
	v7 =	vld [tilespmem:s31+$0x18400]  }
0x197: {  	p0 =	slt.u32 s8, $0xC8;
	s2 =	sadd.s32 $0xFFFE7000, s5;
	v8 =	vld [tilespmem:s9+$0x18400];
	v0 =	vadd.f32 v1, v0  }
0x198: {  	s26 =	sadd.s32 $0x10D, s0;
	s2 =	smov.u32 @p0 s5;
	v1 =	vld [tilespmem:s1+$0x8480]  }
0x199: {  	s6 =	sshll.u32 s26, $0x9;
	s11 =	sshra.s32 s2, $0x2;
	[tilespmem:s1+$0x107A0] =	vst v0;
	v0 =	vadd.f32 v3, v2;
	v3 =	vld [tilespmem:s29+$0x18400]  }
0x19a: {  	s0 =	sadd.s32 $0x10E, s0;
	p1 =	slt.u32 s26, $0xC8;
	s4 =	sadd.s32 $0xFFFE7000, s6;
	v52 =	vld [tilespmem:s11+$0x18400]  }
0x19b: {  	p2 =	slt.u32 s0, $0xC8;
	s0 =	sshll.u32 s0, $0x9;
	s4 =	smov.u32 @p1 s6;
	v2 =	vld [tilespmem:s1+$0x8600]  }
0x19c: {  	v62 =	vld [tilespmem:s1+$0x86A0];
	s5 =	sadd.s32 $0xFFFE7000, s0;
	s4 =	sshra.s32 s4, $0x2  }
0x19d: {  	s5 =	smov.u32 @p2 s0;
	v53 =	vld [tilespmem:s4+$0x18400]  }
0x19e: {  	s0 =	sshra.s32 s5, $0x2;
	v5 =	vld [tilespmem:s3+$0x18430];
	v1 =	vadd.f32 v3, v1  }
0x19f: {  	[tilespmem:s1+$0x10420] =	vst v0;
	v3 =	vadd.f32 v7, v4;
	v4 =	vld [tilespmem:s0+$0x18400]  }
0x1a0: {  	v2 =	vadd.f32 v52, v2;
	[tilespmem:s1+$0x10480] =	vst v1;
	v1 =	vadd.f32 v8, v6;
	v6 =	vld [tilespmem:s1+$0x8700]  }
0x1a1: {  	v0 =	vld [tilespmem:s23+$0x18430];
	[tilespmem:s1+$0x10500] =	vst v3  }
0x1a2: {  	[tilespmem:s1+$0x10600] =	vst v2;
	v3 =	vld [tilespmem:s29+$0x18410]  }
0x1a3: {  	[tilespmem:s1+$0x10580] =	vst v1;
	v1 =	vld [tilespmem:s31+$0x18410]  }
0x1a4: {  	v9 =	vadd.f32 v53, v51;
	v8 =	vld [tilespmem:s11+$0x18410]  }
0x1a5: {  	v7 =	vld [tilespmem:s9+$0x18410];
	v4 =	vadd.f32 v4, v6  }
0x1a6: {  	[tilespmem:s1+$0x10680] =	vst v9;
	v6 =	vld [tilespmem:s1+$0x8590]  }
0x1a7: {  	v3 =	vadd.f32 v3, v54;
	[tilespmem:s1+$0x10700] =	vst v4;
	v4 =	vld [tilespmem:s4+$0x18410]  }
0x1a8: {  	v2 =	vld [tilespmem:s1+$0x87B0];
	v1 =	vadd.f32 v1, v55  }
0x1a9: {  	v12 =	vld [tilespmem:s0+$0x18410];
	[tilespmem:s1+$0x10490] =	vst v3  }
0x1aa: {  	[tilespmem:s1+$0x10510] =	vst v1;
	v1 =	vadd.f32 v8, v56;
	v8 =	vld [tilespmem:s1+$0x84A0]  }
0x1ab: {  	v3 =	vadd.f32 v7, v6;
	v6 =	vld [tilespmem:s29+$0x18420]  }
0x1ac: {  	v7 =	vld [tilespmem:s31+$0x18420];
	[tilespmem:s1+$0x10610] =	vst v1;
	v4 =	vadd.f32 v4, v57  }
0x1ad: {  	[tilespmem:s1+$0x10590] =	vst v3;
	v1 =	vld [tilespmem:s11+$0x18420]  }
0x1ae: {  	v3 =	vld [tilespmem:s9+$0x18420];
	v11 =	vadd.f32 v12, v58;
	[tilespmem:s1+$0x10690] =	vst v4  }
0x1af: {  	v5 =	vadd.f32 v5, v2;
	v13 =	vld [tilespmem:s4+$0x18420]  }
0x1b0: {  	[tilespmem:s1+$0x10710] =	vst v11;
	v4 =	vadd.f32 v6, v8;
	v8 =	vld [tilespmem:s1+$0x8720]  }
0x1b1: {  	[tilespmem:s1+$0x107B0] =	vst v5;
	v7 =	vadd.f32 v7, v59;
	v6 =	vld [tilespmem:s0+$0x18420]  }
0x1b2: {  	v5 =	vld [tilespmem:s1+$0x8430];
	[tilespmem:s1+$0x104A0] =	vst v4;
	v1 =	vadd.f32 v1, v61  }
0x1b3: {  	[tilespmem:s1+$0x10520] =	vst v7;
	v63 =	vadd.f32 v3, v60;
	v4 =	vld [tilespmem:s29+$0x18430]  }
0x1b4: {  	v3 =	vld [tilespmem:s31+$0x18430];
	[tilespmem:s1+$0x10620] =	vst v1;
	v7 =	vadd.f32 v13, v62  }
0x1b5: {  	[tilespmem:s1+$0x105A0] =	vst v63;
	v1 =	vld [tilespmem:s11+$0x18430]  }
0x1b6: {  	s11 =	simm.s32 $0x0;
	v2 =	vld [tilespmem:s9+$0x18430];
	s9 =	sadd.s32 $0x100, s28;
	v6 =	vadd.f32 v6, v8;
	[tilespmem:s1+$0x106A0] =	vst v7  }
.LBB2_7:
0x1b7: {  	s2 =	rddreg [dreg:$0x7]  }
0x1b8: {  	s3 =	smov.u32 s11;
	s11 =	sadd.s32 $0x8, s11;
	v7 =	vld [tilespmem:s1+$0x8530];
	s30 =	sadd.s32 $0x1000, s30  }
0x1b9: {  	v9 =	vld [tilespmem:s1+$0x8630];
	p0 =	slt.u32 s11, $0x78;
	s18 =	sadd.s32 s3, s2;
	s10 =	sshra.s32 s30, $0x2;
	v0 =	vadd.f32 v0, v5  }
0x1ba: {  	s2 =	sadd.s32 $0x108, s18;
	s19 =	sadd.s32 $0x10F, s18;
	v5 =	vld [tilespmem:s4+$0x18430];
	s4 =	simm.s32 @!p0 $0x0  }
0x1bb: {  	s3 =	sadd.s32 $0x109, s18;
	s7 =	sshll.u32 s19, $0x9;
	s4 =	simm.s32 @p0 $0x1;
	[tilespmem:s1+$0x10430] =	vst v0;
	v0 =	vld [tilespmem:s1+$0x84B0]  }
0x1bc: {  	v8 =	vld [tilespmem:s1+$0x85B0];
	[tilespmem:s1+$0x10720] =	vst v6;
	p1 =	slt.u32 s19, $0xC8;
	[smem:$0x7F5] =	sst s4;
	s4 =	sadd.s32 $0xFFFE7000, s7  }
0x1bd: {  	v6 =	vld [tilespmem:s0+$0x18430];
	s5 =	sadd.s32 $0x10A, s18;
	s6 =	sadd.s32 $0x10B, s18;
	s4 =	smov.u32 @p1 s7  }
0x1be: {  	s12 =	sadd.s32 $0x10C, s18;
	v11 =	vld [tilespmem:s10+$0x8780];
	s15 =	sshll.u32 s5, $0x9;
	s8 =	sshra.s32 s4, $0x2  }
0x1bf: {  	s17 =	sshll.u32 s12, $0x9;
	p3 =	slt.u32 s5, $0xC8;
	s23 =	sadd.s32 $0xFFFE7000, s15;
	v3 =	vadd.f32 v3, v7;
	v7 =	vld [tilespmem:s8+$0x18400]  }
0x1c0: {  	p5 =	slt.u32 s12, $0xC8;
	s29 =	sadd.s32 $0xFFFE7000, s17;
	v1 =	vadd.f32 v1, v9;
	s23 =	smov.u32 @p3 s15;
	v0 =	vadd.f32 v4, v0;
	v4 =	vld [tilespmem:s1+$0x8730]  }
0x1c1: {  	v10 =	vld [tilespmem:s1+$0x86B0];
	s29 =	smov.u32 @p5 s17;
	s31 =	sshra.s32 s23, $0x2;
	[tilespmem:s1+$0x10530] =	vst v3;
	s4 =	sshll.u32 s2, $0x9  }
0x1c2: {  	p2 =	slt.u32 s2, $0xC8;
	s29 =	sshra.s32 s29, $0x2;
	[tilespmem:s1+$0x10630] =	vst v1;
	v53 =	vld [tilespmem:s31+$0x18400];
	s19 =	sadd.s32 $0xFFFE7000, s4  }
0x1c3: {  	s20 =	sadd.s32 $0x10D, s18;
	s0 =	sadd.s32 $0x10E, s18;
	v12 =	vld [tilespmem:s29+$0x18400];
	s19 =	smov.u32 @p2 s4  }
0x1c4: {  	s18 =	sshll.u32 s20, $0x9;
	p6 =	slt.u32 s20, $0xC8;
	s20 =	sshra.s32 s19, $0x2;
	[tilespmem:s1+$0x104B0] =	vst v0;
	v0 =	vadd.f32 v2, v8;
	v2 =	vld [tilespmem:s10+$0x8400]  }
0x1c5: {  	s14 =	sshll.u32 s3, $0x9;
	v8 =	vld [tilespmem:s20+$0x18400];
	v1 =	vadd.f32 v6, v4;
	v6 =	vadd.f32 v7, v11  }
0x1c6: {  	s21 =	sadd.s32 $0xFFFE7000, s14;
	p0 =	slt.u32 s3, $0xC8;
	v3 =	vld [tilespmem:s10+$0x8480]  }
0x1c7: {  	s21 =	smov.u32 @p0 s14;
	[tilespmem:s10+$0x10780] =	vst v6;
	v6 =	vld [tilespmem:s10+$0x8790]  }
0x1c8: {  	s16 =	sshll.u32 s6, $0x9;
	s26 =	sshra.s32 s21, $0x2;
	v7 =	vld [tilespmem:s8+$0x18410]  }
0x1c9: {  	p4 =	slt.u32 s6, $0xC8;
	s25 =	sadd.s32 $0xFFFE7000, s16;
	v52 =	vld [tilespmem:s26+$0x18400]  }
0x1ca: {  	s25 =	smov.u32 @p4 s16;
	[tilespmem:s1+$0x105B0] =	vst v0;
	v0 =	vadd.f32 v5, v10;
	v5 =	vld [tilespmem:s10+$0x8500]  }
0x1cb: {  	s25 =	sshra.s32 s25, $0x2;
	s2 =	sadd.s32 $0xFFFE7000, s18;
	v4 =	vld [tilespmem:s10+$0x8580]  }
0x1cc: {  	s2 =	smov.u32 @p6 s18;
	v54 =	vld [tilespmem:s25+$0x18400];
	[tilespmem:s1+$0x106B0] =	vst v0  }
0x1cd: {  	s4 =	sshra.s32 s2, $0x2;
	[tilespmem:s1+$0x10730] =	vst v1;
	v1 =	vld [tilespmem:s10+$0x8680];
	v6 =	vadd.f32 v7, v6  }
0x1ce: {  	s22 =	sshll.u32 s0, $0x9;
	s1 =	smov.u32 s10;
	v2 =	vadd.f32 v8, v2;
	v7 =	vld [tilespmem:s4+$0x18400]  }
0x1cf: {  	s24 =	sadd.s32 $0xFFFE7000, s22;
	p1 =	slt.u32 s0, $0xC8;
	[tilespmem:s1+$0x10790] =	vst v6;
	v6 =	vld [tilespmem:s1+$0x87A0]  }
0x1d0: {  	s24 =	smov.u32 @p1 s22;
	v3 =	vadd.f32 v52, v3;
	[tilespmem:s1+$0x10400] =	vst v2;
	v2 =	vadd.f32 v53, v5;
	v5 =	vld [tilespmem:s8+$0x18420]  }
0x1d1: {  	s0 =	sshra.s32 s24, $0x2;
	v0 =	vld [tilespmem:s10+$0x8600]  }
0x1d2: {  	[tilespmem:s1+$0x10480] =	vst v3;
	v3 =	vadd.f32 v54, v4;
	v4 =	vld [tilespmem:s0+$0x18400]  }
0x1d3: {  	[tilespmem:s1+$0x10500] =	vst v2;
	v2 =	vld [tilespmem:s1+$0x8700];
	v1 =	vadd.f32 v7, v1  }
0x1d4: {  	v55 =	vld [tilespmem:s1+$0x8410]  }
0x1d5: {  	v56 =	vld [tilespmem:s1+$0x8490];
	[tilespmem:s1+$0x10680] =	vst v1;
	v1 =	vadd.f32 v5, v6  }
0x1d6: {  	v8 =	vld [tilespmem:s20+$0x18410]  }
0x1d7: {  	[tilespmem:s1+$0x107A0] =	vst v1;
	v1 =	vld [tilespmem:s1+$0x87B0]  }
0x1d8: {  	v2 =	vadd.f32 v4, v2;
	v4 =	vld [tilespmem:s8+$0x18430]  }
0x1d9: {  	v57 =	vld [tilespmem:s1+$0x8590]  }
0x1da: {  	v58 =	vld [tilespmem:s1+$0x8690];
	v0 =	vadd.f32 v12, v0  }
0x1db: {  	[tilespmem:s1+$0x10580] =	vst v3;
	v3 =	vld [tilespmem:s26+$0x18410]  }
0x1dc: {  	[tilespmem:s1+$0x10600] =	vst v0;
	v0 =	vld [tilespmem:s31+$0x18410];
	v8 =	vadd.f32 v8, v55  }
0x1dd: {  	v1 =	vadd.f32 v4, v1;
	v4 =	vld [tilespmem:s1+$0x8510]  }
0x1de: {  	[tilespmem:s1+$0x10410] =	vst v8;
	v8 =	vld [tilespmem:s1+$0x8420]  }
0x1df: {  	[tilespmem:s1+$0x10700] =	vst v2;
	v2 =	vld [tilespmem:s4+$0x18410]  }
0x1e0: {  	v5 =	vld [tilespmem:s25+$0x18410]  }
0x1e1: {  	v6 =	vld [tilespmem:s29+$0x18410]  }
0x1e2: {  	v0 =	vadd.f32 v0, v4;
	v4 =	vld [tilespmem:s20+$0x18420]  }
0x1e3: {  	[tilespmem:s1+$0x107B0] =	vst v1;
	v1 =	vld [tilespmem:s1+$0x8610]  }
0x1e4: {  	v2 =	vadd.f32 v2, v58;
	_ =	sdelay $0x1  }
0x1e5: {  	v59 =	vld [tilespmem:s1+$0x8710];
	v3 =	vadd.f32 v3, v56;
	[tilespmem:s1+$0x10690] =	vst v2  }
0x1e6: {  	v7 =	vld [tilespmem:s0+$0x18410];
	[tilespmem:s1+$0x10510] =	vst v0;
	v2 =	vadd.f32 v4, v8  }
0x1e7: {  	[tilespmem:s1+$0x10490] =	vst v3;
	v3 =	vadd.f32 v5, v57;
	v0 =	vadd.f32 v6, v1;
	v1 =	vld [tilespmem:s31+$0x18420]  }
0x1e8: {  	[tilespmem:s1+$0x10420] =	vst v2;
	v2 =	vld [tilespmem:s1+$0x8520]  }
0x1e9: {  	v60 =	vld [tilespmem:s1+$0x8620];
	[tilespmem:s1+$0x10590] =	vst v3  }
0x1ea: {  	v3 =	vld [tilespmem:s25+$0x18420]  }
0x1eb: {  	v4 =	vld [tilespmem:s1+$0x85A0]  }
0x1ec: {  	v61 =	vld [tilespmem:s1+$0x86A0];
	[tilespmem:s1+$0x10610] =	vst v0;
	v0 =	vadd.f32 v7, v59  }
0x1ed: {  	v5 =	vld [tilespmem:s26+$0x18420];
	v1 =	vadd.f32 v1, v2  }
0x1ee: {  	[tilespmem:s1+$0x10710] =	vst v0;
	v0 =	vld [tilespmem:s1+$0x84A0]  }
0x1ef: {  	v6 =	vld [tilespmem:s29+$0x18420];
	[tilespmem:s1+$0x10520] =	vst v1  }
0x1f0: {  	v2 =	vadd.f32 v3, v4;
	v3 =	vld [tilespmem:s31+$0x18430];
	s31 =	sld [smem:$0x7F5]  }
0x1f1: {  	v7 =	vld [tilespmem:s4+$0x18420]  }
0x1f2: {  	v63 =	vld [tilespmem:s1+$0x8720]  }
0x1f3: {  	v8 =	vld [tilespmem:s0+$0x18420];
	v62 =	vadd.f32 v5, v0;
	p0 =	seq.s32 s31, $0x1  }
.Ltmp2:
0x1f4: {  	v0 =	vld [tilespmem:s20+$0x18430];
	(pc) =	sbr.rel @p0 .LBB2_7-.Ltmp2, $4  }
0x1f5: {  	v5 =	vld [tilespmem:s1+$0x8430];
	[tilespmem:s1+$0x104A0] =	vst v62;
	v1 =	vadd.f32 v6, v60  }
0x1f6: {  	v7 =	vadd.f32 v7, v61;
	v4 =	vld [tilespmem:s26+$0x18430];
	[tilespmem:s1+$0x105A0] =	vst v2  }
0x1f7: {  	v2 =	vld [tilespmem:s25+$0x18430];
	[tilespmem:s1+$0x10620] =	vst v1  }
0x1f8: {  	[tilespmem:s1+$0x106A0] =	vst v7;
	v6 =	vadd.f32 v8, v63;
	v1 =	vld [tilespmem:s29+$0x18430]  }
0x1f9: {  	v7 =	vld [tilespmem:s4+$0x18430]  }
0x1fa: {  	v8 =	vld [tilespmem:s1+$0x84B0]  }
0x1fb: {  	v9 =	vld [tilespmem:s1+$0x8530]  }
0x1fc: {  	v10 =	vld [tilespmem:s1+$0x85B0]  }
0x1fd: {  	v11 =	vld [tilespmem:s1+$0x8630]  }
0x1fe: {  	[tilespmem:s1+$0x10720] =	vst v6;
	v0 =	vadd.f32 v0, v5;
	v5 =	vld [tilespmem:s1+$0x86B0]  }
0x1ff: {  	v6 =	vld [tilespmem:s0+$0x18430]  }
0x200: {  	v4 =	vadd.f32 v4, v8;
	v8 =	vld [tilespmem:s1+$0x8730]  }
0x201: {  	[tilespmem:s1+$0x10430] =	vst v0;
	v0 =	vadd.f32 v3, v9  }
0x202: {  	v2 =	vadd.f32 v2, v10;
	[tilespmem:s1+$0x104B0] =	vst v4  }
0x203: {  	[tilespmem:s1+$0x10530] =	vst v0;
	v0 =	vadd.f32 v1, v11  }
0x204: {  	[tilespmem:s1+$0x105B0] =	vst v2;
	v1 =	vadd.f32 v7, v5  }
0x205: {  	[tilespmem:s1+$0x10630] =	vst v0;
	v0 =	vadd.f32 v6, v8  }
0x206: {  	[tilespmem:s1+$0x106B0] =	vst v1  }
0x207: {  	s12 =	sshll.u32 s9, $0x4;
	[tilespmem:s1+$0x10730] =	vst v0  }
0x208: {  	s30 =	simm.s32 $0x0;
	s14 =	simm.s32 $0x10400;
	s1 =	rddreg [dreg:$0xe]  }
0x209: {  	s15 =	rddreg [dreg:$0x1];
	s16 =	simm.s32 $0x80;
	s0 =	sadd.s32 s1, s12  }
0x20a: {  	[hbm4b:s0+s30] =	stream.linear.scatter [tilespmem:s14], [sflag:$0x7], $0x4000, $0x38;
	[tilespmem:$0x1E800] =	vst v63  }
0x20b: {  	s2 =	simm.s32 $0x8400;
	s3 =	simm.s32 $0x300;
	s17 =	simm.s32 $0x6  }
0x20c: {  	[tilespmem:s2], [sflag:$0x5] =	stream.indirect.gather [hbm4b:s15+s16], $0x80, s3, s16, $0xb8;
	[tilespmem:$0x1E800] =	vst v63  }
0x20d: {  	_ =	swait.ge [sflag:s17], $0x4000  }
0x20e: {  	[sflag:s17] =	ssyncset.done $0x0  }
0x20f: {  	s18 =	simm.s32 $0x8;
	[sflag:s17] =	ssyncadd.s32 $0xFFFFC000  }
0x210: {  	_ =	swait.ge [sflag:s18], $0x4000  }
0x211: {  	s19 =	rddreg [dreg:$0x8]  }
0x212: {  	s0 =	sadd.s32 $0xFFFFFFF8, s19  }
0x213: {  	[sflag:s18] =	ssyncset.done $0x0;
	s20 =	sadd.s32 $0x18F, s0  }
0x214: {  	s1 =	simm.s32 $0x0;
	[sflag:s18] =	ssyncadd.s32 $0xFFFFC000;
	s2 =	sshll.u32 s20, $0x9  }
0x215: {  	s21 =	sadd.s32 $0x188, s0;
	v0 =	vld [tilespmem:s1+$0xC780];
	p0 =	slt.u32 s20, $0xC8;
	s3 =	sadd.s32 $0xFFFE7000, s2  }
0x216: {  	v2 =	vld [tilespmem:s1+$0xC400];
	s4 =	sshll.u32 s21, $0x9;
	s3 =	smov.u32 @p0 s2  }
0x217: {  	v4 =	vld [tilespmem:s1+$0xC500];
	s5 =	sadd.s32 $0xFFFE7000, s4;
	p0 =	slt.u32 s21, $0xC8;
	s3 =	sshra.s32 s3, $0x2  }
0x218: {  	s5 =	smov.u32 @p0 s4;
	v1 =	vld [tilespmem:s3+$0x18400]  }
0x219: {  	v6 =	vld [tilespmem:s1+$0xC580];
	s22 =	sshra.s32 s5, $0x2  }
0x21a: {  	v3 =	vld [tilespmem:s22+$0x18400]  }
0x21b: {  	v51 =	vld [tilespmem:s1+$0xC680]  }
0x21c: {  	v54 =	vld [tilespmem:s1+$0xC490]  }
0x21d: {  	v55 =	vld [tilespmem:s1+$0xC510];
	v0 =	vadd.f32 v1, v0  }
0x21e: {  	v56 =	vld [tilespmem:s1+$0xC610]  }
0x21f: {  	v2 =	vadd.f32 v3, v2;
	[tilespmem:s1+$0x14780] =	vst v0;
	v0 =	vld [tilespmem:s1+$0xC790]  }
0x220: {  	v1 =	vld [tilespmem:s3+$0x18410]  }
0x221: {  	v3 =	vld [tilespmem:s1+$0xC410];
	[tilespmem:s1+$0x14400] =	vst v2  }
0x222: {  	v2 =	vld [tilespmem:s22+$0x18410]  }
0x223: {  	v57 =	vld [tilespmem:s1+$0xC690]  }
0x224: {  	v58 =	vld [tilespmem:s1+$0xC710]  }
0x225: {  	v59 =	vld [tilespmem:s1+$0xC520];
	v0 =	vadd.f32 v1, v0  }
0x226: {  	s23 =	sadd.s32 $0x189, s0;
	s24 =	sadd.s32 $0x18A, s0;
	s6 =	sadd.s32 $0x18B, s0;
	v60 =	vld [tilespmem:s1+$0xC5A0]  }
0x227: {  	s7 =	sshll.u32 s23, $0x9;
	p1 =	slt.u32 s24, $0xC8;
	p2 =	slt.u32 s6, $0xC8;
	v2 =	vadd.f32 v2, v3;
	[tilespmem:s1+$0x14790] =	vst v0;
	v0 =	vld [tilespmem:s1+$0xC7A0]  }
0x228: {  	p0 =	slt.u32 s23, $0xC8;
	s4 =	sshll.u32 s24, $0x9;
	s5 =	sadd.s32 $0xFFFE7000, s7;
	v1 =	vld [tilespmem:s3+$0x18420]  }
0x229: {  	s6 =	sshll.u32 s6, $0x9;
	s5 =	smov.u32 @p0 s7;
	s7 =	sadd.s32 $0xFFFE7000, s4;
	[tilespmem:s1+$0x14410] =	vst v2;
	v2 =	vld [tilespmem:s1+$0xC420]  }
0x22a: {  	s7 =	smov.u32 @p1 s4;
	s4 =	sadd.s32 $0xFFFE7000, s6;
	v3 =	vld [tilespmem:s22+$0x18420]  }
0x22b: {  	s8 =	sadd.s32 $0x18C, s0;
	v61 =	vld [tilespmem:s1+$0xC620];
	s4 =	smov.u32 @p2 s6;
	s29 =	sshra.s32 s7, $0x2  }
0x22c: {  	s26 =	sshra.s32 s5, $0x2;
	s5 =	sshll.u32 s8, $0x9;
	s31 =	sshra.s32 s4, $0x2;
	v7 =	vld [tilespmem:s29+$0x18400]  }
0x22d: {  	p0 =	slt.u32 s8, $0xC8;
	s2 =	sadd.s32 $0xFFFE7000, s5;
	v8 =	vld [tilespmem:s31+$0x18400];
	v0 =	vadd.f32 v1, v0  }
0x22e: {  	s25 =	sadd.s32 $0x18D, s0;
	s2 =	smov.u32 @p0 s5;
	v1 =	vld [tilespmem:s1+$0xC480]  }
0x22f: {  	s6 =	sshll.u32 s25, $0x9;
	s11 =	sshra.s32 s2, $0x2;
	[tilespmem:s1+$0x147A0] =	vst v0;
	v0 =	vadd.f32 v3, v2;
	v3 =	vld [tilespmem:s26+$0x18400]  }
0x230: {  	s0 =	sadd.s32 $0x18E, s0;
	p1 =	slt.u32 s25, $0xC8;
	s4 =	sadd.s32 $0xFFFE7000, s6;
	v52 =	vld [tilespmem:s11+$0x18400]  }
0x231: {  	p2 =	slt.u32 s0, $0xC8;
	s0 =	sshll.u32 s0, $0x9;
	s4 =	smov.u32 @p1 s6;
	v2 =	vld [tilespmem:s1+$0xC600]  }
0x232: {  	v62 =	vld [tilespmem:s1+$0xC6A0];
	s5 =	sadd.s32 $0xFFFE7000, s0;
	s4 =	sshra.s32 s4, $0x2  }
0x233: {  	s5 =	smov.u32 @p2 s0;
	v53 =	vld [tilespmem:s4+$0x18400]  }
0x234: {  	s0 =	sshra.s32 s5, $0x2;
	v5 =	vld [tilespmem:s3+$0x18430];
	v1 =	vadd.f32 v3, v1  }
0x235: {  	[tilespmem:s1+$0x14420] =	vst v0;
	v3 =	vadd.f32 v7, v4;
	v4 =	vld [tilespmem:s0+$0x18400]  }
0x236: {  	v2 =	vadd.f32 v52, v2;
	[tilespmem:s1+$0x14480] =	vst v1;
	v1 =	vadd.f32 v8, v6;
	v6 =	vld [tilespmem:s1+$0xC700]  }
0x237: {  	v0 =	vld [tilespmem:s22+$0x18430];
	[tilespmem:s1+$0x14500] =	vst v3  }
0x238: {  	[tilespmem:s1+$0x14600] =	vst v2;
	v3 =	vld [tilespmem:s26+$0x18410]  }
0x239: {  	[tilespmem:s1+$0x14580] =	vst v1;
	v1 =	vld [tilespmem:s29+$0x18410]  }
0x23a: {  	v9 =	vadd.f32 v53, v51;
	v8 =	vld [tilespmem:s11+$0x18410]  }
0x23b: {  	v7 =	vld [tilespmem:s31+$0x18410];
	v4 =	vadd.f32 v4, v6  }
0x23c: {  	[tilespmem:s1+$0x14680] =	vst v9;
	v6 =	vld [tilespmem:s1+$0xC590]  }
0x23d: {  	v3 =	vadd.f32 v3, v54;
	[tilespmem:s1+$0x14700] =	vst v4;
	v4 =	vld [tilespmem:s4+$0x18410]  }
0x23e: {  	v2 =	vld [tilespmem:s1+$0xC7B0];
	v1 =	vadd.f32 v1, v55  }
0x23f: {  	v12 =	vld [tilespmem:s0+$0x18410];
	[tilespmem:s1+$0x14490] =	vst v3  }
0x240: {  	[tilespmem:s1+$0x14510] =	vst v1;
	v1 =	vadd.f32 v8, v56;
	v8 =	vld [tilespmem:s1+$0xC4A0]  }
0x241: {  	v3 =	vadd.f32 v7, v6;
	v6 =	vld [tilespmem:s26+$0x18420]  }
0x242: {  	v7 =	vld [tilespmem:s29+$0x18420];
	[tilespmem:s1+$0x14610] =	vst v1;
	v4 =	vadd.f32 v4, v57  }
0x243: {  	[tilespmem:s1+$0x14590] =	vst v3;
	v1 =	vld [tilespmem:s11+$0x18420]  }
0x244: {  	v3 =	vld [tilespmem:s31+$0x18420];
	v11 =	vadd.f32 v12, v58;
	[tilespmem:s1+$0x14690] =	vst v4  }
0x245: {  	v5 =	vadd.f32 v5, v2;
	v13 =	vld [tilespmem:s4+$0x18420]  }
0x246: {  	[tilespmem:s1+$0x14710] =	vst v11;
	v4 =	vadd.f32 v6, v8;
	v8 =	vld [tilespmem:s1+$0xC720]  }
0x247: {  	[tilespmem:s1+$0x147B0] =	vst v5;
	v7 =	vadd.f32 v7, v59;
	v6 =	vld [tilespmem:s0+$0x18420]  }
0x248: {  	v5 =	vld [tilespmem:s1+$0xC430];
	[tilespmem:s1+$0x144A0] =	vst v4;
	v1 =	vadd.f32 v1, v61  }
0x249: {  	[tilespmem:s1+$0x14520] =	vst v7;
	v63 =	vadd.f32 v3, v60;
	v4 =	vld [tilespmem:s26+$0x18430]  }
0x24a: {  	v3 =	vld [tilespmem:s29+$0x18430];
	[tilespmem:s1+$0x14620] =	vst v1;
	v7 =	vadd.f32 v13, v62  }
0x24b: {  	[tilespmem:s1+$0x145A0] =	vst v63;
	v1 =	vld [tilespmem:s11+$0x18430]  }
0x24c: {  	s9 =	sadd.s32 $0x180, s28;
	s11 =	simm.s32 $0x0;
	v2 =	vld [tilespmem:s31+$0x18430];
	v6 =	vadd.f32 v6, v8;
	[tilespmem:s1+$0x146A0] =	vst v7  }
.LBB2_9:
0x24d: {  	s2 =	rddreg [dreg:$0x8]  }
0x24e: {  	s3 =	smov.u32 s11;
	s11 =	sadd.s32 $0x8, s11;
	s30 =	sadd.s32 $0x1000, s30  }
0x24f: {  	v7 =	vld [tilespmem:s1+$0xC530];
	p0 =	slt.u32 s11, $0x78;
	s18 =	sadd.s32 s3, s2;
	s10 =	sshra.s32 s30, $0x2  }
0x250: {  	v9 =	vld [tilespmem:s1+$0xC630];
	s2 =	sadd.s32 $0x188, s18;
	s3 =	sadd.s32 $0x189, s18;
	s19 =	sadd.s32 $0x18F, s18  }
0x251: {  	v8 =	vld [tilespmem:s1+$0xC5B0];
	s5 =	sadd.s32 $0x18A, s18;
	s6 =	sadd.s32 $0x18B, s18;
	s12 =	sadd.s32 $0x18C, s18  }
0x252: {  	v10 =	vld [tilespmem:s1+$0xC6B0];
	s7 =	sshll.u32 s19, $0x9;
	p1 =	slt.u32 s19, $0xC8;
	s15 =	sshll.u32 s5, $0x9;
	v0 =	vadd.f32 v0, v5  }
0x253: {  	[tilespmem:s1+$0x14720] =	vst v6;
	s17 =	sshll.u32 s12, $0x9;
	p3 =	slt.u32 s5, $0xC8;
	p5 =	slt.u32 s12, $0xC8;
	v5 =	vld [tilespmem:s4+$0x18430]  }
0x254: {  	s4 =	simm.s32 @!p0 $0x0;
	s23 =	sadd.s32 $0xFFFE7000, s15;
	s25 =	sadd.s32 $0xFFFE7000, s17;
	v3 =	vadd.f32 v3, v7;
	[tilespmem:s1+$0x14430] =	vst v0;
	v0 =	vld [tilespmem:s1+$0xC4B0]  }
0x255: {  	v6 =	vld [tilespmem:s0+$0x18430];
	s4 =	simm.s32 @p0 $0x1;
	v1 =	vadd.f32 v1, v9;
	s23 =	smov.u32 @p3 s15;
	s25 =	smov.u32 @p5 s17  }
0x256: {  	v11 =	vld [tilespmem:s10+$0xC780];
	[smem:$0x7F4] =	sst s4;
	s4 =	sadd.s32 $0xFFFE7000, s7;
	s28 =	sshra.s32 s23, $0x2;
	[tilespmem:s1+$0x14530] =	vst v3  }
0x257: {  	s20 =	sadd.s32 $0x18D, s18;
	s25 =	sshra.s32 s25, $0x2;
	s4 =	smov.u32 @p1 s7;
	[tilespmem:s1+$0x14630] =	vst v1;
	v53 =	vld [tilespmem:s28+$0x18400]  }
0x258: {  	s0 =	sadd.s32 $0x18E, s18;
	s8 =	sshra.s32 s4, $0x2;
	s4 =	sshll.u32 s2, $0x9;
	v12 =	vld [tilespmem:s25+$0x18400]  }
0x259: {  	s14 =	sshll.u32 s3, $0x9;
	p2 =	slt.u32 s2, $0xC8;
	v7 =	vld [tilespmem:s8+$0x18400];
	s19 =	sadd.s32 $0xFFFE7000, s4;
	v0 =	vadd.f32 v4, v0  }
0x25a: {  	s18 =	sshll.u32 s20, $0x9;
	p6 =	slt.u32 s20, $0xC8;
	s19 =	smov.u32 @p2 s4;
	v4 =	vld [tilespmem:s1+$0xC730]  }
0x25b: {  	s21 =	sadd.s32 $0xFFFE7000, s14;
	p0 =	slt.u32 s3, $0xC8;
	s20 =	sshra.s32 s19, $0x2;
	[tilespmem:s1+$0x144B0] =	vst v0;
	v0 =	vadd.f32 v2, v8;
	v2 =	vld [tilespmem:s10+$0xC400]  }
0x25c: {  	s21 =	smov.u32 @p0 s14;
	v8 =	vld [tilespmem:s20+$0x18400]  }
0x25d: {  	s16 =	sshll.u32 s6, $0x9;
	s26 =	sshra.s32 s21, $0x2;
	v3 =	vld [tilespmem:s10+$0xC480]  }
0x25e: {  	p4 =	slt.u32 s6, $0xC8;
	s24 =	sadd.s32 $0xFFFE7000, s16;
	v52 =	vld [tilespmem:s26+$0x18400]  }
0x25f: {  	s24 =	smov.u32 @p4 s16;
	[tilespmem:s1+$0x145B0] =	vst v0;
	v0 =	vadd.f32 v5, v10;
	v5 =	vld [tilespmem:s10+$0xC500]  }
0x260: {  	s24 =	sshra.s32 s24, $0x2;
	v1 =	vadd.f32 v6, v4;
	v4 =	vld [tilespmem:s10+$0xC580];
	v6 =	vadd.f32 v7, v11  }
0x261: {  	v54 =	vld [tilespmem:s24+$0x18400]  }
0x262: {  	[tilespmem:s10+$0x14780] =	vst v6;
	v6 =	vld [tilespmem:s10+$0xC790]  }
0x263: {  	v7 =	vld [tilespmem:s8+$0x18410]  }
0x264: {  	[tilespmem:s1+$0x146B0] =	vst v0;
	v0 =	vld [tilespmem:s10+$0xC600]  }
0x265: {  	[tilespmem:s1+$0x14730] =	vst v1;
	v1 =	vld [tilespmem:s10+$0xC680];
	s1 =	smov.u32 s10  }
0x266: {  	s2 =	sadd.s32 $0xFFFE7000, s18;
	v55 =	vld [tilespmem:s1+$0xC410]  }
0x267: {  	s2 =	smov.u32 @p6 s18;
	v56 =	vld [tilespmem:s1+$0xC490]  }
0x268: {  	s4 =	sshra.s32 s2, $0x2;
	v57 =	vld [tilespmem:s1+$0xC590];
	v6 =	vadd.f32 v7, v6  }
0x269: {  	s22 =	sshll.u32 s0, $0x9;
	v2 =	vadd.f32 v8, v2;
	v7 =	vld [tilespmem:s4+$0x18400]  }
0x26a: {  	s29 =	sadd.s32 $0xFFFE7000, s22;
	p1 =	slt.u32 s0, $0xC8;
	[tilespmem:s1+$0x14790] =	vst v6;
	v6 =	vld [tilespmem:s1+$0xC7A0]  }
0x26b: {  	s29 =	smov.u32 @p1 s22;
	v3 =	vadd.f32 v52, v3;
	[tilespmem:s1+$0x14400] =	vst v2;
	v2 =	vadd.f32 v53, v5;
	v5 =	vld [tilespmem:s8+$0x18420]  }
0x26c: {  	s0 =	sshra.s32 s29, $0x2;
	v58 =	vld [tilespmem:s1+$0xC690]  }
0x26d: {  	[tilespmem:s1+$0x14480] =	vst v3;
	v3 =	vadd.f32 v54, v4;
	v4 =	vld [tilespmem:s0+$0x18400]  }
0x26e: {  	[tilespmem:s1+$0x14500] =	vst v2;
	v2 =	vld [tilespmem:s1+$0xC700];
	v1 =	vadd.f32 v7, v1  }
0x26f: {  	v8 =	vld [tilespmem:s20+$0x18410]  }
0x270: {  	v59 =	vld [tilespmem:s1+$0xC710];
	[tilespmem:s1+$0x14680] =	vst v1;
	v1 =	vadd.f32 v5, v6  }
0x271: {  	v60 =	vld [tilespmem:s1+$0xC620]  }
0x272: {  	[tilespmem:s1+$0x147A0] =	vst v1;
	v1 =	vld [tilespmem:s1+$0xC7B0]  }
0x273: {  	v0 =	vadd.f32 v12, v0;
	v2 =	vadd.f32 v4, v2;
	v4 =	vld [tilespmem:s8+$0x18430]  }
0x274: {  	[tilespmem:s1+$0x14580] =	vst v3;
	v3 =	vld [tilespmem:s26+$0x18410];
	v8 =	vadd.f32 v8, v55  }
0x275: {  	[tilespmem:s1+$0x14600] =	vst v0;
	v0 =	vld [tilespmem:s28+$0x18410]  }
0x276: {  	[tilespmem:s1+$0x14410] =	vst v8;
	v8 =	vld [tilespmem:s1+$0xC420]  }
0x277: {  	v5 =	vld [tilespmem:s24+$0x18410]  }
0x278: {  	v1 =	vadd.f32 v4, v1;
	v4 =	vld [tilespmem:s1+$0xC510]  }
0x279: {  	v6 =	vld [tilespmem:s25+$0x18410]  }
0x27a: {  	[tilespmem:s1+$0x147B0] =	vst v1;
	v1 =	vld [tilespmem:s1+$0xC610]  }
0x27b: {  	[tilespmem:s1+$0x14700] =	vst v2;
	v2 =	vld [tilespmem:s4+$0x18410]  }
0x27c: {  	v3 =	vadd.f32 v3, v56;
	v7 =	vld [tilespmem:s0+$0x18410]  }
0x27d: {  	v0 =	vadd.f32 v0, v4;
	v4 =	vld [tilespmem:s20+$0x18420]  }
0x27e: {  	v61 =	vld [tilespmem:s1+$0xC6A0];
	[tilespmem:s1+$0x14490] =	vst v3;
	v3 =	vadd.f32 v5, v57  }
0x27f: {  	v63 =	vld [tilespmem:s1+$0xC720];
	[tilespmem:s1+$0x14510] =	vst v0;
	v0 =	vadd.f32 v6, v1  }
0x280: {  	v5 =	vld [tilespmem:s26+$0x18420];
	v2 =	vadd.f32 v2, v58;
	[tilespmem:s1+$0x14590] =	vst v3  }
0x281: {  	v3 =	vld [tilespmem:s24+$0x18420];
	[tilespmem:s1+$0x14610] =	vst v0;
	v0 =	vadd.f32 v7, v59  }
0x282: {  	[tilespmem:s1+$0x14690] =	vst v2;
	v1 =	vld [tilespmem:s28+$0x18420];
	v2 =	vadd.f32 v4, v8  }
0x283: {  	[tilespmem:s1+$0x14710] =	vst v0;
	v0 =	vld [tilespmem:s1+$0xC4A0]  }
0x284: {  	[tilespmem:s1+$0x14420] =	vst v2;
	v2 =	vld [tilespmem:s1+$0xC520]  }
0x285: {  	v4 =	vld [tilespmem:s1+$0xC5A0]  }
0x286: {  	s31 =	sld [smem:$0x7F4];
	v6 =	vld [tilespmem:s25+$0x18420]  }
0x287: {  	v7 =	vld [tilespmem:s4+$0x18420]  }
0x288: {  	v8 =	vld [tilespmem:s0+$0x18420];
	v62 =	vadd.f32 v5, v0  }
0x289: {  	p0 =	seq.s32 s31, $0x1;
	v0 =	vld [tilespmem:s20+$0x18430];
	v1 =	vadd.f32 v1, v2  }
.Ltmp3:
0x28a: {  	v5 =	vld [tilespmem:s1+$0xC430];
	v2 =	vadd.f32 v3, v4;
	[tilespmem:s1+$0x144A0] =	vst v62;
	(pc) =	sbr.rel @p0 .LBB2_9-.Ltmp3, $4  }
0x28b: {  	v4 =	vld [tilespmem:s26+$0x18430];
	[tilespmem:s1+$0x14520] =	vst v1;
	v1 =	vadd.f32 v6, v60  }
0x28c: {  	v7 =	vadd.f32 v7, v61;
	[tilespmem:s1+$0x145A0] =	vst v2;
	v3 =	vld [tilespmem:s28+$0x18430]  }
0x28d: {  	v2 =	vld [tilespmem:s24+$0x18430];
	[tilespmem:s1+$0x14620] =	vst v1  }
0x28e: {  	[tilespmem:s1+$0x146A0] =	vst v7;
	v6 =	vadd.f32 v8, v63;
	v1 =	vld [tilespmem:s25+$0x18430]  }
0x28f: {  	v7 =	vld [tilespmem:s4+$0x18430]  }
0x290: {  	v8 =	vld [tilespmem:s1+$0xC4B0]  }
0x291: {  	v9 =	vld [tilespmem:s1+$0xC530]  }
0x292: {  	v10 =	vld [tilespmem:s1+$0xC5B0]  }
0x293: {  	v11 =	vld [tilespmem:s1+$0xC630]  }
0x294: {  	v0 =	vadd.f32 v0, v5;
	v5 =	vld [tilespmem:s1+$0xC6B0];
	[tilespmem:s1+$0x14720] =	vst v6  }
0x295: {  	v6 =	vld [tilespmem:s0+$0x18430]  }
0x296: {  	v4 =	vadd.f32 v4, v8;
	v8 =	vld [tilespmem:s1+$0xC730]  }
0x297: {  	[tilespmem:s1+$0x14430] =	vst v0;
	v0 =	vadd.f32 v3, v9  }
0x298: {  	v2 =	vadd.f32 v2, v10;
	[tilespmem:s1+$0x144B0] =	vst v4  }
0x299: {  	[tilespmem:s1+$0x14530] =	vst v0;
	v0 =	vadd.f32 v1, v11  }
0x29a: {  	[tilespmem:s1+$0x145B0] =	vst v2;
	v1 =	vadd.f32 v7, v5  }
0x29b: {  	[tilespmem:s1+$0x14630] =	vst v0;
	v0 =	vadd.f32 v6, v8  }
0x29c: {  	[tilespmem:s1+$0x146B0] =	vst v1  }
0x29d: {  	s12 =	rddreg [dreg:$0x1];
	[tilespmem:s1+$0x14730] =	vst v0  }
0x29e: {  	s10 =	sshll.u32 s9, $0x4;
	s1 =	rddreg [dreg:$0xe]  }
0x29f: {  	s11 =	simm.s32 $0x0;
	s2 =	simm.s32 $0x14400;
	s16 =	sld [smem:$0x7FD]  }
0x2a0: {  	s14 =	simm.s32 $0x80;
	s15 =	simm.s32 $0xC400;
	s0 =	sadd.s32 s1, s10  }
0x2a1: {  	[hbm4b:s0+s11] =	stream.linear.scatter [tilespmem:s2], [sflag:$0x8], $0x4000, $0x38;
	[tilespmem:$0x1E800] =	vst v63  }
0x2a2: {  	s3 =	simm.s32 $0x380;
	s1 =	sld [smem:$0x7F6];
	s17 =	sor.u32 $0x1, s16  }
0x2a3: {  	[tilespmem:s15], [sflag:$0x6] =	stream.indirect.gather [hbm4b:s12+s14], $0x80, s3, s14, $0xb8;
	[tilespmem:$0x1E800] =	vst v63  }
0x2a4: {  	s0 =	rddreg [dreg:$0x12];
	p0 =	sgt.u32 s17, $0x30  }
0x2a5: {  	s18 =	simm.s32 $0x3;
	s0 =	sadd.s32 @!p0 s1, s0;
	s2 =	simm.s32 @!p0 $0x0  }
0x2a6: {  	s1 =	rddreg [dreg:$0x0];
	s0 =	sshrl.u32 @!p0 s0, $0x3;
	s2 =	simm.s32 @p0 $0x1  }
0x2a7: {  	s0 =	sadd.s32 @!p0 s1, s0;
	s1 =	simm.s32 @!p0 $0x0;
	[smem:$0x7F3] =	sst s2  }
0x2a8: {  	[tilespmem:s1], [sflag:$0x1] =	stream.linear.gather @!p0 [hbm4b:s0+s1], $0x200, $0x38;
	[tilespmem:$0x1E800] =	vst v63  }
0x2a9: {  	_ =	swait.ge [sflag:s18], $0x4000  }
0x2aa: {  	[sflag:s18] =	ssyncset.done $0x0  }
0x2ab: {  	s19 =	simm.s32 $0x7;
	[sflag:s18] =	ssyncadd.s32 $0xFFFFC000  }
0x2ac: {  	_ =	swait.ge [sflag:s19], $0x4000  }
0x2ad: {  	s20 =	rddreg [dreg:$0x9]  }
0x2ae: {  	s0 =	sadd.s32 $0xFFFFFFF8, s20  }
0x2af: {  	s21 =	sadd.s32 $0x20F, s0  }
0x2b0: {  	s2 =	sshll.u32 s21, $0x9  }
0x2b1: {  	s25 =	simm.s32 $0x600;
	p0 =	slt.u32 s21, $0xC8;
	s1 =	sadd.s32 $0xFFFE7000, s2  }
0x2b2: {  	[sflag:s19] =	ssyncset.done $0x0;
	s22 =	sadd.s32 $0x208, s0;
	s1 =	smov.u32 @p0 s2  }
0x2b3: {  	[sflag:s19] =	ssyncadd.s32 $0xFFFFC000;
	s2 =	sshra.s32 s1, $0x2;
	s1 =	sshll.u32 s22, $0x9  }
0x2b4: {  	v0 =	vld [tilespmem:s25+$0x180];
	p0 =	slt.u32 s22, $0xC8;
	s4 =	sadd.s32 $0xFFFE7000, s1  }
0x2b5: {  	v1 =	vld [tilespmem:s2+$0x18400];
	s4 =	smov.u32 @p0 s1  }
0x2b6: {  	v2 =	vld [tilespmem:s25+$0xFFFFFE00];
	s4 =	sshra.s32 s4, $0x2  }
0x2b7: {  	v3 =	vld [tilespmem:s4+$0x18400];
	_ =	sdelay $0x2  }
0x2b8: {  	v0 =	vadd.f32 v1, v0  }
0x2b9: {  	s1 =	simm.s32 $0x10600  }
0x2ba: {  	[tilespmem:s1+$0x180] =	vst v0;
	v1 =	vadd.f32 v3, v2  }
0x2bb: {  	v0 =	vld [tilespmem:s25+$0x190]  }
0x2bc: {  	v2 =	vld [tilespmem:s2+$0x18410];
	[tilespmem:s1+$0xFFFFFE00] =	vst v1  }
0x2bd: {  	v1 =	vld [tilespmem:s25+$0xFFFFFE10]  }
0x2be: {  	v3 =	vld [tilespmem:s4+$0x18410];
	_ =	sdelay $0x2  }
0x2bf: {  	v0 =	vadd.f32 v2, v0  }
0x2c0: {  	s23 =	sadd.s32 $0x209, s0;
	s5 =	sadd.s32 $0x20A, s0;
	v4 =	vld [tilespmem:s25+$0xFFFFFE80]  }
0x2c1: {  	v5 =	vld [tilespmem:s25+$0xFFFFFF80];
	s24 =	sadd.s32 $0x20B, s0;
	s26 =	sadd.s32 $0x20C, s0;
	s29 =	sadd.s32 $0x20D, s0;
	[tilespmem:s1+$0x190] =	vst v0;
	v1 =	vadd.f32 v3, v1  }
0x2c2: {  	s0 =	sadd.s32 $0x20E, s0;
	s6 =	sshll.u32 s23, $0x9;
	s7 =	sshll.u32 s5, $0x9;
	v0 =	vld [tilespmem:s25+$0x1A0]  }
0x2c3: {  	p1 =	slt.u32 s5, $0xC8;
	p3 =	slt.u32 s0, $0xC8;
	s5 =	sadd.s32 $0xFFFE7000, s7;
	v2 =	vld [tilespmem:s2+$0x18420];
	[tilespmem:s1+$0xFFFFFE10] =	vst v1  }
0x2c4: {  	s3 =	sadd.s32 $0xFFFE7000, s6;
	s5 =	smov.u32 @p1 s7;
	s7 =	sshll.u32 s26, $0x9;
	v1 =	vld [tilespmem:s25+$0xFFFFFE20]  }
0x2c5: {  	s8 =	sshra.s32 s5, $0x2;
	s5 =	sshll.u32 s0, $0x9;
	p0 =	slt.u32 s23, $0xC8;
	v3 =	vld [tilespmem:s4+$0x18420]  }
0x2c6: {  	v7 =	vld [tilespmem:s25+$0x80];
	s0 =	sadd.s32 $0xFFFE7000, s7;
	s3 =	smov.u32 @p0 s6;
	p0 =	slt.u32 s26, $0xC8  }
0x2c7: {  	v54 =	vld [tilespmem:s25+$0x100];
	s0 =	smov.u32 @p0 s7  }
0x2c8: {  	v8 =	vld [tilespmem:s8+$0x18400];
	s0 =	sshra.s32 s0, $0x2;
	v0 =	vadd.f32 v2, v0  }
0x2c9: {  	v56 =	vld [tilespmem:s0+$0x18400]  }
0x2ca: {  	v2 =	vld [tilespmem:s25+$0xFFFFFF00];
	[tilespmem:s1+$0x1A0] =	vst v0;
	v0 =	vadd.f32 v3, v1  }
0x2cb: {  	s3 =	sshra.s32 s3, $0x2;
	v6 =	vld [tilespmem:s2+$0x18430]  }
0x2cc: {  	s6 =	sshll.u32 s24, $0x9;
	v3 =	vld [tilespmem:s3+$0x18400];
	[tilespmem:s1+$0xFFFFFE20] =	vst v0  }
0x2cd: {  	p2 =	slt.u32 s24, $0xC8;
	s2 =	sshll.u32 s29, $0x9;
	v0 =	vld [tilespmem:s4+$0x18430];
	s4 =	sadd.s32 $0xFFFE7000, s6  }
0x2ce: {  	p1 =	slt.u32 s29, $0xC8;
	v1 =	vld [tilespmem:s25+$0x0];
	s4 =	smov.u32 @p2 s6;
	s6 =	sadd.s32 $0xFFFE7000, s2  }
0x2cf: {  	v58 =	vld [tilespmem:s25+$0x1B0];
	v2 =	vadd.f32 v8, v2;
	s30 =	sshra.s32 s4, $0x2;
	s6 =	smov.u32 @p1 s2  }
0x2d0: {  	s2 =	sadd.s32 $0xFFFE7000, s5;
	v55 =	vld [tilespmem:s30+$0x18400];
	s4 =	sshra.s32 s6, $0x2  }
0x2d1: {  	[tilespmem:s1+$0xFFFFFF00] =	vst v2;
	v3 =	vadd.f32 v3, v4;
	s2 =	smov.u32 @p3 s5;
	v4 =	vld [tilespmem:s4+$0x18400]  }
0x2d2: {  	v8 =	vld [tilespmem:s25+$0xFFFFFF10];
	s11 =	sshra.s32 s2, $0x2  }
0x2d3: {  	v1 =	vadd.f32 v56, v1;
	[tilespmem:s1+$0xFFFFFE80] =	vst v3;
	v12 =	vld [tilespmem:s11+$0x18400]  }
0x2d4: {  	v3 =	vld [tilespmem:s25+$0xFFFFFE90]  }
0x2d5: {  	[tilespmem:s1+$0x0] =	vst v1;
	v2 =	vld [tilespmem:s3+$0x18410];
	v5 =	vadd.f32 v55, v5  }
0x2d6: {  	v4 =	vadd.f32 v4, v7;
	v7 =	vld [tilespmem:s25+$0x10]  }
0x2d7: {  	[tilespmem:s1+$0xFFFFFF80] =	vst v5;
	v5 =	vld [tilespmem:s8+$0x18410]  }
0x2d8: {  	v57 =	vld [tilespmem:s25+$0xFFFFFF90]  }
0x2d9: {  	v1 =	vld [tilespmem:s30+$0x18410]  }
0x2da: {  	v9 =	vadd.f32 v12, v54;
	[tilespmem:s1+$0x80] =	vst v4;
	v4 =	vld [tilespmem:s0+$0x18410]  }
0x2db: {  	v59 =	vld [tilespmem:s25+$0x90]  }
0x2dc: {  	v2 =	vadd.f32 v2, v3;
	[tilespmem:s1+$0x100] =	vst v9;
	v3 =	vld [tilespmem:s4+$0x18410]  }
0x2dd: {  	v9 =	vld [tilespmem:s25+$0x110]  }
0x2de: {  	[tilespmem:s1+$0xFFFFFE90] =	vst v2;
	v2 =	vadd.f32 v5, v8;
	v5 =	vld [tilespmem:s11+$0x18410]  }
0x2df: {  	v8 =	vld [tilespmem:s25+$0xFFFFFEA0]  }
0x2e0: {  	v1 =	vadd.f32 v1, v57;
	[tilespmem:s1+$0xFFFFFF10] =	vst v2;
	v2 =	vld [tilespmem:s3+$0x18420]  }
0x2e1: {  	v60 =	vld [tilespmem:s25+$0xFFFFFF20]  }
0x2e2: {  	[tilespmem:s1+$0xFFFFFF90] =	vst v1;
	v1 =	vadd.f32 v4, v7;
	v4 =	vld [tilespmem:s8+$0x18420]  }
0x2e3: {  	v7 =	vld [tilespmem:s25+$0xFFFFFFA0]  }
0x2e4: {  	[tilespmem:s1+$0x10] =	vst v1;
	v1 =	vadd.f32 v3, v59;
	v3 =	vld [tilespmem:s30+$0x18420]  }
0x2e5: {  	v61 =	vld [tilespmem:s25+$0x20]  }
0x2e6: {  	[tilespmem:s1+$0x90] =	vst v1;
	v1 =	vadd.f32 v5, v9;
	v5 =	vld [tilespmem:s0+$0x18420]  }
0x2e7: {  	v6 =	vadd.f32 v6, v58;
	v62 =	vld [tilespmem:s25+$0xA0]  }
0x2e8: {  	v63 =	vld [tilespmem:s4+$0x18420];
	[tilespmem:s1+$0x110] =	vst v1;
	v1 =	vadd.f32 v2, v8  }
0x2e9: {  	[tilespmem:s1+$0x1B0] =	vst v6;
	v2 =	vadd.f32 v4, v60;
	v8 =	vld [tilespmem:s25+$0x120]  }
0x2ea: {  	v6 =	vld [tilespmem:s11+$0x18420];
	v3 =	vadd.f32 v3, v7;
	[tilespmem:s1+$0xFFFFFEA0] =	vst v1  }
0x2eb: {  	v1 =	vld [tilespmem:s25+$0xFFFFFE30];
	[tilespmem:s1+$0xFFFFFF20] =	vst v2;
	v4 =	vadd.f32 v5, v61  }
0x2ec: {  	v2 =	vld [tilespmem:s25+$0xFFFFFEB0];
	[tilespmem:s1+$0xFFFFFFA0] =	vst v3  }
0x2ed: {  	v5 =	vld [tilespmem:s3+$0x18430];
	v7 =	vadd.f32 v63, v62;
	[tilespmem:s1+$0x20] =	vst v4  }
0x2ee: {  	s24 =	sshll.u32 s17, $0x9;
	v3 =	vld [tilespmem:s25+$0xFFFFFF30];
	s31 =	rddreg [dreg:$0xd]  }
0x2ef: {  	s28 =	simm.s32 $0x0;
	v4 =	vld [tilespmem:s8+$0x18430];
	[tilespmem:s1+$0xA0] =	vst v7;
	v6 =	vadd.f32 v6, v8;
	s9 =	sadd.s32 s31, s24  }
.LBB2_11:
0x2f0: {  	s2 =	rddreg [dreg:$0x9]  }
0x2f1: {  	[tilespmem:s1+$0x120] =	vst v6;
	v6 =	vld [tilespmem:s30+$0x18430];
	s2 =	sadd.s32 s28, s2;
	v0 =	vadd.f32 v0, v1  }
0x2f2: {  	s5 =	sadd.s32 $0x209, s2;
	v1 =	vld [tilespmem:s25+$0xFFFFFFB0]  }
0x2f3: {  	s3 =	sadd.s32 $0x20F, s2;
	s23 =	sadd.s32 $0x20B, s2;
	s10 =	sshll.u32 s5, $0x9;
	[tilespmem:s1+$0xFFFFFE30] =	vst v0;
	v0 =	vadd.f32 v5, v2;
	v2 =	vld [tilespmem:s25+$0x30]  }
0x2f4: {  	s7 =	sshll.u32 s3, $0x9;
	p6 =	slt.u32 s5, $0xC8;
	s17 =	sadd.s32 $0xFFFE7000, s10;
	v5 =	vld [tilespmem:s0+$0x18430]  }
0x2f5: {  	p0 =	slt.u32 s3, $0xC8;
	s12 =	sshll.u32 s23, $0x9;
	s17 =	smov.u32 @p6 s10;
	[tilespmem:s1+$0xFFFFFEB0] =	vst v0;
	v0 =	vadd.f32 v4, v3;
	v3 =	vld [tilespmem:s25+$0xB0]  }
0x2f6: {  	p3 =	slt.u32 s23, $0xC8;
	s3 =	sadd.s32 $0xFFFE7000, s7;
	s23 =	sshra.s32 s17, $0x2;
	v4 =	vld [tilespmem:s4+$0x18430]  }
0x2f7: {  	s31 =	sadd.s32 $0x208, s2;
	s3 =	smov.u32 @p0 s7;
	v10 =	vld [tilespmem:s23+$0x18400]  }
0x2f8: {  	s20 =	sshra.s32 s3, $0x2;
	s3 =	sshll.u32 s31, $0x9;
	[tilespmem:s1+$0xFFFFFF30] =	vst v0;
	v0 =	vadd.f32 v6, v1;
	v1 =	vld [tilespmem:s25+$0x130]  }
0x2f9: {  	p0 =	slt.u32 s31, $0xC8;
	s16 =	sadd.s32 $0xFFFE7000, s3;
	v6 =	vld [tilespmem:s11+$0x18430];
	s25 =	sadd.s32 $0x400, s25  }
0x2fa: {  	s16 =	smov.u32 @p0 s3;
	v7 =	vld [tilespmem:s25+$0x180]  }
0x2fb: {  	s6 =	sadd.s32 $0x20A, s2;
	s21 =	sadd.s32 $0xFFFE7000, s12;
	s3 =	sshra.s32 s16, $0x2;
	[tilespmem:s1+$0xFFFFFFB0] =	vst v0;
	v0 =	vadd.f32 v5, v2;
	v2 =	vld [tilespmem:s20+$0x18400]  }
0x2fc: {  	s8 =	sadd.s32 $0x20C, s2;
	s26 =	sadd.s32 $0x20D, s2;
	s21 =	smov.u32 @p3 s12;
	v9 =	vld [tilespmem:s3+$0x18400]  }
0x2fd: {  	s14 =	sshll.u32 s8, $0x9;
	s30 =	sshra.s32 s21, $0x2;
	s11 =	sshll.u32 s6, $0x9;
	v5 =	vld [tilespmem:s25+$0xFFFFFE00];
	[tilespmem:s1+$0x30] =	vst v0;
	v0 =	vadd.f32 v4, v3  }
0x2fe: {  	s15 =	sshll.u32 s26, $0x9;
	p2 =	slt.u32 s6, $0xC8;
	s19 =	sadd.s32 $0xFFFE7000, s11;
	v12 =	vld [tilespmem:s30+$0x18400]  }
0x2ff: {  	p4 =	slt.u32 s8, $0xC8;
	s22 =	sadd.s32 $0xFFFE7000, s14;
	s19 =	smov.u32 @p2 s11;
	v3 =	vld [tilespmem:s25+$0xFFFFFE80];
	[tilespmem:s1+$0xB0] =	vst v0;
	v0 =	vadd.f32 v6, v1  }
0x300: {  	p5 =	slt.u32 s26, $0xC8;
	s22 =	smov.u32 @p4 s14;
	s26 =	sshra.s32 s19, $0x2;
	v4 =	vld [tilespmem:s25+$0xFFFFFF00];
	v2 =	vadd.f32 v2, v7  }
0x301: {  	s0 =	sshra.s32 s22, $0x2;
	v11 =	vld [tilespmem:s26+$0x18400];
	[tilespmem:s1+$0x130] =	vst v0;
	s1 =	sadd.s32 $0x400, s1  }
0x302: {  	v13 =	vld [tilespmem:s0+$0x18400];
	[tilespmem:s1+$0x180] =	vst v2  }
0x303: {  	v2 =	vld [tilespmem:s25+$0x190]  }
0x304: {  	s2 =	sadd.s32 $0x20E, s2;
	v8 =	vld [tilespmem:s20+$0x18410]  }
0x305: {  	s18 =	sshll.u32 s2, $0x9;
	v1 =	vld [tilespmem:s25+$0xFFFFFF80]  }
0x306: {  	s31 =	sadd.s32 $0xFFFE7000, s18;
	p0 =	slt.u32 s2, $0xC8;
	v6 =	vld [tilespmem:s25+$0x0]  }
0x307: {  	s29 =	sadd.s32 $0xFFFE7000, s15;
	s31 =	smov.u32 @p0 s18;
	v0 =	vld [tilespmem:s25+$0x80]  }
0x308: {  	s29 =	smov.u32 @p5 s15;
	s11 =	sshra.s32 s31, $0x2;
	v5 =	vadd.f32 v9, v5;
	v7 =	vld [tilespmem:s25+$0x100]  }
0x309: {  	s4 =	sshra.s32 s29, $0x2;
	v63 =	vld [tilespmem:s11+$0x18400];
	v2 =	vadd.f32 v8, v2  }
0x30a: {  	[tilespmem:s1+$0xFFFFFE00] =	vst v5;
	v8 =	vld [tilespmem:s4+$0x18400]  }
0x30b: {  	v3 =	vadd.f32 v10, v3;
	v5 =	vld [tilespmem:s25+$0xFFFFFE10];
	[tilespmem:s1+$0x190] =	vst v2  }
0x30c: {  	v2 =	vadd.f32 v11, v4;
	v4 =	vld [tilespmem:s25+$0x1A0]  }
0x30d: {  	[tilespmem:s1+$0xFFFFFE80] =	vst v3;
	v1 =	vadd.f32 v12, v1;
	v3 =	vld [tilespmem:s20+$0x18420]  }
0x30e: {  	[tilespmem:s1+$0xFFFFFF00] =	vst v2;
	v2 =	vadd.f32 v13, v6;
	v6 =	vld [tilespmem:s3+$0x18410]  }
0x30f: {  	[tilespmem:s1+$0xFFFFFF80] =	vst v1;
	v1 =	vld [tilespmem:s25+$0xFFFFFE90];
	v0 =	vadd.f32 v8, v0  }
0x310: {  	[tilespmem:s1+$0x0] =	vst v2;
	v2 =	vadd.f32 v63, v7;
	v7 =	vld [tilespmem:s23+$0x18410]  }
0x311: {  	[tilespmem:s1+$0x80] =	vst v0;
	v0 =	vld [tilespmem:s25+$0xFFFFFF10]  }
0x312: {  	[tilespmem:s1+$0x100] =	vst v2;
	v2 =	vadd.f32 v3, v4;
	v3 =	vld [tilespmem:s26+$0x18410]  }
0x313: {  	v4 =	vadd.f32 v6, v5;
	v5 =	vld [tilespmem:s25+$0xFFFFFF90]  }
0x314: {  	v6 =	vld [tilespmem:s30+$0x18410];
	[tilespmem:s1+$0x1A0] =	vst v2  }
0x315: {  	v2 =	vld [tilespmem:s25+$0x1B0]  }
0x316: {  	[tilespmem:s1+$0xFFFFFE10] =	vst v4;
	v1 =	vadd.f32 v7, v1;
	v4 =	vld [tilespmem:s20+$0x18430]  }
0x317: {  	v7 =	vld [tilespmem:s4+$0x18410]  }
0x318: {  	[tilespmem:s1+$0xFFFFFE90] =	vst v1;
	v0 =	vadd.f32 v3, v0;
	v1 =	vld [tilespmem:s25+$0x10]  }
0x319: {  	v3 =	vld [tilespmem:s0+$0x18410]  }
0x31a: {  	[tilespmem:s1+$0xFFFFFF10] =	vst v0;
	v0 =	vld [tilespmem:s25+$0x90]  }
0x31b: {  	v2 =	vadd.f32 v4, v2;
	v4 =	vadd.f32 v6, v5;
	v5 =	vld [tilespmem:s25+$0x110]  }
0x31c: {  	v6 =	vld [tilespmem:s11+$0x18410]  }
0x31d: {  	[tilespmem:s1+$0x1B0] =	vst v2;
	v2 =	vld [tilespmem:s25+$0xFFFFFE20]  }
0x31e: {  	v1 =	vadd.f32 v3, v1;
	v3 =	vld [tilespmem:s3+$0x18420]  }
0x31f: {  	[tilespmem:s1+$0xFFFFFF90] =	vst v4;
	v4 =	vld [tilespmem:s25+$0xFFFFFEA0]  }
0x320: {  	[tilespmem:s1+$0x10] =	vst v1;
	v0 =	vadd.f32 v7, v0;
	v1 =	vld [tilespmem:s23+$0x18420]  }
0x321: {  	v7 =	vld [tilespmem:s25+$0xFFFFFF20]  }
0x322: {  	[tilespmem:s1+$0x90] =	vst v0;
	v0 =	vadd.f32 v6, v5;
	v5 =	vld [tilespmem:s26+$0x18420]  }
0x323: {  	v2 =	vadd.f32 v3, v2;
	v3 =	vld [tilespmem:s25+$0xFFFFFFA0]  }
0x324: {  	v6 =	vld [tilespmem:s4+$0x18420]  }
0x325: {  	[tilespmem:s1+$0x110] =	vst v0;
	v0 =	vld [tilespmem:s30+$0x18420]  }
0x326: {  	[tilespmem:s1+$0xFFFFFE20] =	vst v2;
	v2 =	vld [tilespmem:s25+$0x20]  }
0x327: {  	v1 =	vadd.f32 v1, v4;
	v4 =	vld [tilespmem:s0+$0x18420]  }
0x328: {  	v8 =	vld [tilespmem:s11+$0x18420]  }
0x329: {  	[tilespmem:s1+$0xFFFFFEA0] =	vst v1;
	v1 =	vadd.f32 v5, v7;
	v5 =	vld [tilespmem:s25+$0xA0]  }
0x32a: {  	s28 =	sadd.s32 $0x8, s28;
	v7 =	vld [tilespmem:s25+$0x120]  }
0x32b: {  	p1 =	slt.u32 s28, $0x78;
	[tilespmem:s1+$0xFFFFFF20] =	vst v1;
	v0 =	vadd.f32 v0, v3;
	v1 =	vld [tilespmem:s25+$0xFFFFFE30]  }
.Ltmp4:
0x32c: {  	v3 =	vadd.f32 v4, v2;
	v2 =	vld [tilespmem:s25+$0xFFFFFEB0];
	(pc) =	sbr.rel @p1 .LBB2_11-.Ltmp4, $4  }
0x32d: {  	[tilespmem:s1+$0xFFFFFFA0] =	vst v0;
	v0 =	vld [tilespmem:s3+$0x18430]  }
0x32e: {  	v4 =	vadd.f32 v6, v5;
	v5 =	vld [tilespmem:s23+$0x18430]  }
0x32f: {  	[tilespmem:s1+$0x20] =	vst v3;
	v3 =	vld [tilespmem:s25+$0xFFFFFF30]  }
0x330: {  	v6 =	vadd.f32 v8, v7;
	[tilespmem:s1+$0xA0] =	vst v4;
	v4 =	vld [tilespmem:s26+$0x18430]  }
0x331: {  	v7 =	vld [tilespmem:s25+$0xFFFFFFB0]  }
0x332: {  	v8 =	vld [tilespmem:s30+$0x18430]  }
0x333: {  	v9 =	vld [tilespmem:s25+$0x30]  }
0x334: {  	v10 =	vld [tilespmem:s0+$0x18430]  }
0x335: {  	v11 =	vld [tilespmem:s25+$0xB0]  }
0x336: {  	[tilespmem:s1+$0x120] =	vst v6;
	v6 =	vld [tilespmem:s4+$0x18430]  }
0x337: {  	v0 =	vadd.f32 v0, v1;
	v1 =	vld [tilespmem:s25+$0x130]  }
0x338: {  	v2 =	vadd.f32 v5, v2;
	v5 =	vld [tilespmem:s11+$0x18430]  }
0x339: {  	[tilespmem:s1+$0xFFFFFE30] =	vst v0;
	v0 =	vadd.f32 v4, v3  }
0x33a: {  	[tilespmem:s1+$0xFFFFFEB0] =	vst v2;
	v2 =	vadd.f32 v8, v7  }
0x33b: {  	[tilespmem:s1+$0xFFFFFF30] =	vst v0;
	v0 =	vadd.f32 v10, v9  }
0x33c: {  	[tilespmem:s1+$0xFFFFFFB0] =	vst v2;
	v2 =	vadd.f32 v6, v11  }
0x33d: {  	[tilespmem:s1+$0x30] =	vst v0;
	v0 =	vadd.f32 v5, v1  }
0x33e: {  	[tilespmem:s1+$0xB0] =	vst v2  }
0x33f: {  	[tilespmem:s1+$0x130] =	vst v0  }
0x340: {  	s1 =	rddreg [dreg:$0xe]  }
0x341: {  	s12 =	sshll.u32 s9, $0x4;
	s15 =	sld [smem:$0x7F3]  }
0x342: {  	s14 =	simm.s32 $0x0;
	s2 =	simm.s32 $0x10400;
	s0 =	sadd.s32 s1, s12  }
0x343: {  	[hbm4b:s0+s14] =	stream.linear.scatter [tilespmem:s2], [sflag:$0x7], $0x4000, $0x38;
	[tilespmem:$0x1E800] =	vst v63  }
0x344: {  	p0 =	seq.s32 s15, $0x1  }
0x345: {  	s0 =	simm.s32 @!p0 $0x1  }
0x346: {  	_ =	swait.ge @!p0 [sflag:s0], $0x200  }
0x347: {  	[sflag:s0] =	ssyncset.done @!p0 $0x0  }
0x348: {  	s16 =	simm.s32 $0x4;
	s1 =	simm.s32 @!p0 $0x0;
	[sflag:s0] =	ssyncadd.s32 @!p0 $0xFFFFFE00  }
0x349: {  	s2 =	simm.s32 @!p0 $0x400;
	s0 =	simm.s32 @!p0 $0x80;
	s3 =	rddreg [dreg:$0x1]  }
0x34a: {  	[tilespmem:s2], [sflag:$0x3] =	stream.indirect.gather @!p0 [hbm4b:s3+s0], $0x80, s1, s0, $0xb8;
	[tilespmem:$0x1E800] =	vst v63  }
0x34b: {  	_ =	swait.ge [sflag:s16], $0x4000  }
0x34c: {  	[sflag:s16] =	ssyncset.done $0x0  }
0x34d: {  	s17 =	simm.s32 $0x8;
	[sflag:s16] =	ssyncadd.s32 $0xFFFFC000  }
0x34e: {  	_ =	swait.ge [sflag:s17], $0x4000  }
0x34f: {  	s18 =	rddreg [dreg:$0xa]  }
0x350: {  	s0 =	sadd.s32 $0xFFFFFFF8, s18  }
0x351: {  	s19 =	sadd.s32 $0x28F, s0  }
0x352: {  	s25 =	simm.s32 $0x0;
	[sflag:s17] =	ssyncset.done $0x0;
	s2 =	sshll.u32 s19, $0x9  }
0x353: {  	s20 =	sadd.s32 $0x288, s0;
	p0 =	slt.u32 s19, $0xC8;
	s1 =	sadd.s32 $0xFFFE7000, s2  }
0x354: {  	[sflag:s17] =	ssyncadd.s32 $0xFFFFC000;
	s1 =	smov.u32 @p0 s2;
	s2 =	sshll.u32 s20, $0x9  }
0x355: {  	v0 =	vld [tilespmem:s25+$0x4780];
	p0 =	slt.u32 s20, $0xC8;
	s1 =	sshra.s32 s1, $0x2;
	s4 =	sadd.s32 $0xFFFE7000, s2  }
0x356: {  	v1 =	vld [tilespmem:s1+$0x18400];
	s4 =	smov.u32 @p0 s2  }
0x357: {  	v2 =	vld [tilespmem:s25+$0x4400];
	s2 =	sshra.s32 s4, $0x2  }
0x358: {  	v3 =	vld [tilespmem:s2+$0x18400];
	_ =	sdelay $0x2  }
0x359: {  	v4 =	vld [tilespmem:s25+$0x4580];
	v0 =	vadd.f32 v1, v0  }
0x35a: {  	v5 =	vld [tilespmem:s25+$0x4600]  }
0x35b: {  	v1 =	vld [tilespmem:s25+$0x4790];
	[tilespmem:s25+$0x14780] =	vst v0;
	v0 =	vadd.f32 v3, v2  }
0x35c: {  	v3 =	vld [tilespmem:s25+$0x4410]  }
0x35d: {  	v2 =	vld [tilespmem:s1+$0x18410];
	[tilespmem:s25+$0x14400] =	vst v0  }
0x35e: {  	v0 =	vld [tilespmem:s2+$0x18410]  }
0x35f: {  	v50 =	vld [tilespmem:s25+$0x4680]  }
0x360: {  	v53 =	vld [tilespmem:s25+$0x4490]  }
0x361: {  	v54 =	vld [tilespmem:s25+$0x4510]  }
0x362: {  	v55 =	vld [tilespmem:s25+$0x4610];
	v1 =	vadd.f32 v2, v1  }
0x363: {  	v56 =	vld [tilespmem:s25+$0x4690];
	v0 =	vadd.f32 v0, v3  }
0x364: {  	[tilespmem:s25+$0x14790] =	vst v1;
	v1 =	vld [tilespmem:s25+$0x47A0]  }
0x365: {  	s6 =	sadd.s32 $0x28B, s0;
	[tilespmem:s25+$0x14410] =	vst v0;
	v0 =	vld [tilespmem:s25+$0x4420]  }
0x366: {  	s21 =	sadd.s32 $0x289, s0;
	s22 =	sadd.s32 $0x28A, s0;
	s8 =	sshll.u32 s6, $0x9;
	v3 =	vld [tilespmem:s2+$0x18420]  }
0x367: {  	s5 =	sshll.u32 s21, $0x9;
	p1 =	slt.u32 s6, $0xC8;
	s9 =	sadd.s32 $0xFFFE7000, s8;
	v2 =	vld [tilespmem:s1+$0x18420]  }
0x368: {  	v57 =	vld [tilespmem:s25+$0x4710];
	s7 =	sadd.s32 $0xFFFE7000, s5;
	s9 =	smov.u32 @p1 s8;
	p0 =	slt.u32 s21, $0xC8  }
0x369: {  	v58 =	vld [tilespmem:s25+$0x4520];
	s8 =	sshra.s32 s9, $0x2;
	s7 =	smov.u32 @p0 s5;
	s4 =	sshll.u32 s22, $0x9  }
0x36a: {  	v8 =	vld [tilespmem:s8+$0x18400];
	p0 =	slt.u32 s22, $0xC8;
	s6 =	sadd.s32 $0xFFFE7000, s4;
	s28 =	sshra.s32 s7, $0x2  }
0x36b: {  	s6 =	smov.u32 @p0 s4;
	v6 =	vld [tilespmem:s28+$0x18400];
	v0 =	vadd.f32 v3, v0  }
0x36c: {  	s26 =	sadd.s32 $0x28D, s0;
	s29 =	sshra.s32 s6, $0x2;
	v1 =	vadd.f32 v2, v1;
	v2 =	vld [tilespmem:s25+$0x4480]  }
0x36d: {  	s23 =	sadd.s32 $0x28C, s0;
	s0 =	sadd.s32 $0x28E, s0;
	s4 =	sshll.u32 s26, $0x9;
	v7 =	vld [tilespmem:s29+$0x18400];
	[tilespmem:s25+$0x14420] =	vst v0  }
0x36e: {  	p1 =	slt.u32 s26, $0xC8;
	s5 =	sadd.s32 $0xFFFE7000, s4;
	v0 =	vld [tilespmem:s2+$0x18430];
	s2 =	sshll.u32 s23, $0x9  }
0x36f: {  	p0 =	slt.u32 s23, $0xC8;
	s5 =	smov.u32 @p1 s4;
	v3 =	vld [tilespmem:s25+$0x4500];
	s7 =	sadd.s32 $0xFFFE7000, s2  }
0x370: {  	v59 =	vld [tilespmem:s25+$0x45A0];
	s4 =	sshra.s32 s5, $0x2;
	s7 =	smov.u32 @p0 s2;
	s2 =	sshll.u32 s0, $0x9  }
0x371: {  	v52 =	vld [tilespmem:s4+$0x18400];
	v2 =	vadd.f32 v6, v2;
	p0 =	slt.u32 s0, $0xC8;
	s0 =	sadd.s32 $0xFFFE7000, s2;
	s30 =	sshra.s32 s7, $0x2  }
0x372: {  	s0 =	smov.u32 @p0 s2;
	v51 =	vld [tilespmem:s30+$0x18400]  }
0x373: {  	[tilespmem:s25+$0x14480] =	vst v2;
	v2 =	vadd.f32 v8, v4;
	v4 =	vld [tilespmem:s25+$0x4700];
	s0 =	sshra.s32 s0, $0x2  }
0x374: {  	v3 =	vadd.f32 v7, v3;
	v6 =	vld [tilespmem:s0+$0x18400]  }
0x375: {  	v60 =	vld [tilespmem:s25+$0x4620]  }
0x376: {  	[tilespmem:s25+$0x14500] =	vst v3;
	v3 =	vld [tilespmem:s28+$0x18410]  }
0x377: {  	[tilespmem:s25+$0x14580] =	vst v2;
	v2 =	vld [tilespmem:s29+$0x18410];
	v5 =	vadd.f32 v51, v5  }
0x378: {  	v7 =	vld [tilespmem:s8+$0x18410]  }
0x379: {  	v9 =	vadd.f32 v52, v50;
	[tilespmem:s25+$0x14600] =	vst v5;
	v4 =	vadd.f32 v6, v4;
	v6 =	vld [tilespmem:s25+$0x4590]  }
0x37a: {  	[tilespmem:s25+$0x147A0] =	vst v1;
	v8 =	vld [tilespmem:s30+$0x18410]  }
0x37b: {  	[tilespmem:s25+$0x14680] =	vst v9;
	v1 =	vld [tilespmem:s1+$0x18430];
	v3 =	vadd.f32 v3, v53  }
0x37c: {  	v2 =	vadd.f32 v2, v54;
	[tilespmem:s25+$0x14700] =	vst v4;
	v4 =	vld [tilespmem:s4+$0x18410]  }
0x37d: {  	[tilespmem:s25+$0x14490] =	vst v3;
	v12 =	vld [tilespmem:s0+$0x18410]  }
0x37e: {  	[tilespmem:s25+$0x14510] =	vst v2;
	v3 =	vadd.f32 v7, v6;
	v6 =	vld [tilespmem:s28+$0x18420]  }
0x37f: {  	v7 =	vld [tilespmem:s29+$0x18420];
	v2 =	vadd.f32 v8, v55  }
0x380: {  	v8 =	vld [tilespmem:s25+$0x44A0];
	[tilespmem:s25+$0x14590] =	vst v3  }
0x381: {  	v3 =	vld [tilespmem:s8+$0x18420];
	[tilespmem:s25+$0x14610] =	vst v2  }
0x382: {  	v4 =	vadd.f32 v4, v56;
	v2 =	vld [tilespmem:s30+$0x18420]  }
0x383: {  	v5 =	vld [tilespmem:s25+$0x47B0];
	v11 =	vadd.f32 v12, v57  }
0x384: {  	v61 =	vld [tilespmem:s25+$0x46A0];
	[tilespmem:s25+$0x14690] =	vst v4;
	v7 =	vadd.f32 v7, v58  }
0x385: {  	v13 =	vld [tilespmem:s4+$0x18420];
	[tilespmem:s25+$0x14710] =	vst v11;
	v4 =	vadd.f32 v6, v8  }
0x386: {  	v6 =	vld [tilespmem:s0+$0x18420];
	[tilespmem:s25+$0x14520] =	vst v7;
	v62 =	vadd.f32 v3, v59  }
0x387: {  	v8 =	vld [tilespmem:s25+$0x4720];
	[tilespmem:s25+$0x144A0] =	vst v4;
	v7 =	vadd.f32 v2, v60  }
0x388: {  	v1 =	vadd.f32 v1, v5;
	v5 =	vld [tilespmem:s25+$0x4430];
	[tilespmem:s25+$0x145A0] =	vst v62  }
0x389: {  	v3 =	vld [tilespmem:s29+$0x18430];
	[tilespmem:s25+$0x14620] =	vst v7  }
0x38a: {  	v4 =	vld [tilespmem:s28+$0x18430];
	v63 =	vadd.f32 v13, v61;
	s31 =	rddreg [dreg:$0xd]  }
0x38b: {  	v2 =	vld [tilespmem:s8+$0x18430];
	[tilespmem:s25+$0x147B0] =	vst v1;
	s24 =	sadd.s32 s24, s31  }
0x38c: {  	s11 =	simm.s32 $0x0;
	s9 =	simm.s32 $0x0;
	v6 =	vadd.f32 v6, v8;
	v1 =	vld [tilespmem:s30+$0x18430];
	[tilespmem:s25+$0x146A0] =	vst v63;
	s1 =	sadd.s32 $0x80, s24  }
.LBB2_13:
0x38d: {  	s2 =	rddreg [dreg:$0xa];
	s3 =	smov.u32 s11  }
0x38e: {  	s11 =	sadd.s32 $0x8, s11;
	s9 =	sadd.s32 $0x1000, s9;
	s23 =	sadd.s32 s3, s2  }
0x38f: {  	p0 =	slt.u32 s11, $0x78;
	s10 =	sshra.s32 s9, $0x2;
	s2 =	sadd.s32 $0x288, s23  }
0x390: {  	v7 =	vld [tilespmem:s25+$0x4530];
	s3 =	sadd.s32 $0x289, s23;
	s26 =	sadd.s32 $0x28F, s23;
	s5 =	sadd.s32 $0x28A, s23  }
0x391: {  	v9 =	vld [tilespmem:s25+$0x4630];
	[tilespmem:s25+$0x14720] =	vst v6;
	s6 =	sadd.s32 $0x28B, s23;
	s12 =	sadd.s32 $0x28C, s23;
	s28 =	sadd.s32 $0x28D, s23  }
0x392: {  	v6 =	vld [tilespmem:s0+$0x18430];
	s0 =	sadd.s32 $0x28E, s23;
	s7 =	sshll.u32 s26, $0x9;
	s15 =	sshll.u32 s5, $0x9  }
0x393: {  	v8 =	vld [tilespmem:s25+$0x45B0];
	s17 =	sshll.u32 s12, $0x9;
	s18 =	sshll.u32 s28, $0x9;
	p4 =	slt.u32 s5, $0xC8;
	v0 =	vadd.f32 v0, v5  }
0x394: {  	p6 =	slt.u32 s12, $0xC8;
	p1 =	slt.u32 s28, $0xC8;
	v5 =	vld [tilespmem:s4+$0x18430];
	s4 =	simm.s32 @!p0 $0x0  }
0x395: {  	s23 =	sadd.s32 $0xFFFE7000, s15;
	s30 =	sadd.s32 $0xFFFE7000, s17;
	s4 =	simm.s32 @p0 $0x1;
	v3 =	vadd.f32 v3, v7;
	[tilespmem:s25+$0x14430] =	vst v0;
	v0 =	vld [tilespmem:s25+$0x44B0]  }
0x396: {  	v10 =	vld [tilespmem:s25+$0x46B0];
	p0 =	slt.u32 s26, $0xC8;
	v1 =	vadd.f32 v1, v9;
	s23 =	smov.u32 @p4 s15;
	s30 =	smov.u32 @p6 s17  }
0x397: {  	v11 =	vld [tilespmem:s10+$0x4780];
	[smem:$0x7F2] =	sst s4;
	s4 =	sadd.s32 $0xFFFE7000, s7;
	s28 =	sshra.s32 s23, $0x2;
	[tilespmem:s25+$0x14530] =	vst v3  }
0x398: {  	s30 =	sshra.s32 s30, $0x2;
	s4 =	smov.u32 @p0 s7;
	[tilespmem:s25+$0x14630] =	vst v1;
	v53 =	vld [tilespmem:s28+$0x18400]  }
0x399: {  	s8 =	sshra.s32 s4, $0x2;
	s4 =	sshll.u32 s2, $0x9;
	v12 =	vld [tilespmem:s30+$0x18400]  }
0x39a: {  	p3 =	slt.u32 s2, $0xC8;
	v7 =	vld [tilespmem:s8+$0x18400];
	s19 =	sadd.s32 $0xFFFE7000, s4;
	v0 =	vadd.f32 v4, v0  }
0x39b: {  	s14 =	sshll.u32 s3, $0x9;
	s19 =	smov.u32 @p3 s4;
	v4 =	vld [tilespmem:s25+$0x4730]  }
0x39c: {  	s21 =	sadd.s32 $0xFFFE7000, s14;
	p0 =	slt.u32 s3, $0xC8;
	s20 =	sshra.s32 s19, $0x2;
	[tilespmem:s25+$0x144B0] =	vst v0;
	v0 =	vadd.f32 v2, v8;
	v2 =	vld [tilespmem:s10+$0x4400]  }
0x39d: {  	s21 =	smov.u32 @p0 s14;
	v8 =	vld [tilespmem:s20+$0x18400]  }
0x39e: {  	s16 =	sshll.u32 s6, $0x9;
	s26 =	sshra.s32 s21, $0x2;
	v3 =	vld [tilespmem:s10+$0x4480]  }
0x39f: {  	p5 =	slt.u32 s6, $0xC8;
	s29 =	sadd.s32 $0xFFFE7000, s16;
	v52 =	vld [tilespmem:s26+$0x18400]  }
0x3a0: {  	s29 =	smov.u32 @p5 s16;
	[tilespmem:s25+$0x145B0] =	vst v0;
	v0 =	vadd.f32 v5, v10;
	v5 =	vld [tilespmem:s10+$0x4500]  }
0x3a1: {  	s29 =	sshra.s32 s29, $0x2;
	v1 =	vadd.f32 v6, v4;
	v4 =	vld [tilespmem:s10+$0x4580];
	v6 =	vadd.f32 v7, v11  }
0x3a2: {  	v54 =	vld [tilespmem:s29+$0x18400]  }
0x3a3: {  	[tilespmem:s10+$0x14780] =	vst v6;
	v6 =	vld [tilespmem:s10+$0x4790]  }
0x3a4: {  	v7 =	vld [tilespmem:s8+$0x18410]  }
0x3a5: {  	[tilespmem:s25+$0x146B0] =	vst v0;
	v0 =	vld [tilespmem:s10+$0x4600]  }
0x3a6: {  	[tilespmem:s25+$0x14730] =	vst v1;
	v1 =	vld [tilespmem:s10+$0x4680];
	s25 =	smov.u32 s10  }
0x3a7: {  	s2 =	sadd.s32 $0xFFFE7000, s18;
	v55 =	vld [tilespmem:s25+$0x4410]  }
0x3a8: {  	s2 =	smov.u32 @p1 s18;
	v56 =	vld [tilespmem:s25+$0x4490]  }
0x3a9: {  	s4 =	sshra.s32 s2, $0x2;
	v57 =	vld [tilespmem:s25+$0x4590];
	v6 =	vadd.f32 v7, v6  }
0x3aa: {  	s22 =	sshll.u32 s0, $0x9;
	v2 =	vadd.f32 v8, v2;
	v7 =	vld [tilespmem:s4+$0x18400]  }
0x3ab: {  	p2 =	slt.u32 s0, $0xC8;
	s31 =	sadd.s32 $0xFFFE7000, s22;
	[tilespmem:s25+$0x14790] =	vst v6;
	v6 =	vld [tilespmem:s25+$0x47A0]  }
0x3ac: {  	s31 =	smov.u32 @p2 s22;
	v3 =	vadd.f32 v52, v3;
	[tilespmem:s25+$0x14400] =	vst v2;
	v2 =	vadd.f32 v53, v5;
	v5 =	vld [tilespmem:s8+$0x18420]  }
0x3ad: {  	s0 =	sshra.s32 s31, $0x2;
	v58 =	vld [tilespmem:s25+$0x4690]  }
0x3ae: {  	[tilespmem:s25+$0x14480] =	vst v3;
	v3 =	vadd.f32 v54, v4;
	v4 =	vld [tilespmem:s0+$0x18400]  }
0x3af: {  	[tilespmem:s25+$0x14500] =	vst v2;
	v2 =	vld [tilespmem:s25+$0x4700];
	v1 =	vadd.f32 v7, v1  }
0x3b0: {  	v8 =	vld [tilespmem:s20+$0x18410]  }
0x3b1: {  	v59 =	vld [tilespmem:s25+$0x4710];
	[tilespmem:s25+$0x14680] =	vst v1;
	v1 =	vadd.f32 v5, v6  }
0x3b2: {  	v60 =	vld [tilespmem:s25+$0x4620]  }
0x3b3: {  	[tilespmem:s25+$0x147A0] =	vst v1;
	v1 =	vld [tilespmem:s25+$0x47B0]  }
0x3b4: {  	v0 =	vadd.f32 v12, v0;
	v2 =	vadd.f32 v4, v2;
	v4 =	vld [tilespmem:s8+$0x18430]  }
0x3b5: {  	[tilespmem:s25+$0x14580] =	vst v3;
	v3 =	vld [tilespmem:s26+$0x18410];
	v8 =	vadd.f32 v8, v55  }
0x3b6: {  	[tilespmem:s25+$0x14600] =	vst v0;
	v0 =	vld [tilespmem:s28+$0x18410]  }
0x3b7: {  	[tilespmem:s25+$0x14410] =	vst v8;
	v8 =	vld [tilespmem:s25+$0x4420]  }
0x3b8: {  	v5 =	vld [tilespmem:s29+$0x18410]  }
0x3b9: {  	v1 =	vadd.f32 v4, v1;
	v4 =	vld [tilespmem:s25+$0x4510]  }
0x3ba: {  	v6 =	vld [tilespmem:s30+$0x18410]  }
0x3bb: {  	[tilespmem:s25+$0x147B0] =	vst v1;
	v1 =	vld [tilespmem:s25+$0x4610]  }
0x3bc: {  	[tilespmem:s25+$0x14700] =	vst v2;
	v2 =	vld [tilespmem:s4+$0x18410]  }
0x3bd: {  	v3 =	vadd.f32 v3, v56;
	v7 =	vld [tilespmem:s0+$0x18410]  }
0x3be: {  	v0 =	vadd.f32 v0, v4;
	v4 =	vld [tilespmem:s20+$0x18420]  }
0x3bf: {  	v61 =	vld [tilespmem:s25+$0x46A0];
	[tilespmem:s25+$0x14490] =	vst v3;
	v3 =	vadd.f32 v5, v57  }
0x3c0: {  	v63 =	vld [tilespmem:s25+$0x4720];
	[tilespmem:s25+$0x14510] =	vst v0;
	v0 =	vadd.f32 v6, v1  }
0x3c1: {  	v5 =	vld [tilespmem:s26+$0x18420];
	v2 =	vadd.f32 v2, v58;
	[tilespmem:s25+$0x14590] =	vst v3  }
0x3c2: {  	v3 =	vld [tilespmem:s29+$0x18420];
	[tilespmem:s25+$0x14610] =	vst v0;
	v0 =	vadd.f32 v7, v59  }
0x3c3: {  	[tilespmem:s25+$0x14690] =	vst v2;
	v1 =	vld [tilespmem:s28+$0x18420];
	v2 =	vadd.f32 v4, v8  }
0x3c4: {  	[tilespmem:s25+$0x14710] =	vst v0;
	v0 =	vld [tilespmem:s25+$0x44A0]  }
0x3c5: {  	[tilespmem:s25+$0x14420] =	vst v2;
	v2 =	vld [tilespmem:s25+$0x4520]  }
0x3c6: {  	v4 =	vld [tilespmem:s25+$0x45A0]  }
0x3c7: {  	s31 =	sld [smem:$0x7F2];
	v6 =	vld [tilespmem:s30+$0x18420]  }
0x3c8: {  	v7 =	vld [tilespmem:s4+$0x18420]  }
0x3c9: {  	v8 =	vld [tilespmem:s0+$0x18420];
	v62 =	vadd.f32 v5, v0  }
0x3ca: {  	p0 =	seq.s32 s31, $0x1;
	v0 =	vld [tilespmem:s20+$0x18430];
	v1 =	vadd.f32 v1, v2  }
.Ltmp5:
0x3cb: {  	v5 =	vld [tilespmem:s25+$0x4430];
	v2 =	vadd.f32 v3, v4;
	[tilespmem:s25+$0x144A0] =	vst v62;
	(pc) =	sbr.rel @p0 .LBB2_13-.Ltmp5, $4  }
0x3cc: {  	v4 =	vld [tilespmem:s26+$0x18430];
	[tilespmem:s25+$0x14520] =	vst v1;
	v1 =	vadd.f32 v6, v60  }
0x3cd: {  	v7 =	vadd.f32 v7, v61;
	[tilespmem:s25+$0x145A0] =	vst v2;
	v3 =	vld [tilespmem:s28+$0x18430]  }
0x3ce: {  	v2 =	vld [tilespmem:s29+$0x18430];
	[tilespmem:s25+$0x14620] =	vst v1  }
0x3cf: {  	[tilespmem:s25+$0x146A0] =	vst v7;
	v6 =	vadd.f32 v8, v63;
	v1 =	vld [tilespmem:s30+$0x18430]  }
0x3d0: {  	v7 =	vld [tilespmem:s4+$0x18430]  }
0x3d1: {  	v8 =	vld [tilespmem:s25+$0x44B0]  }
0x3d2: {  	v9 =	vld [tilespmem:s25+$0x4530]  }
0x3d3: {  	v10 =	vld [tilespmem:s25+$0x45B0]  }
0x3d4: {  	v11 =	vld [tilespmem:s25+$0x4630]  }
0x3d5: {  	v0 =	vadd.f32 v0, v5;
	v5 =	vld [tilespmem:s25+$0x46B0];
	[tilespmem:s25+$0x14720] =	vst v6  }
0x3d6: {  	v6 =	vld [tilespmem:s0+$0x18430]  }
0x3d7: {  	v4 =	vadd.f32 v4, v8;
	v8 =	vld [tilespmem:s25+$0x4730]  }
0x3d8: {  	[tilespmem:s25+$0x14430] =	vst v0;
	v0 =	vadd.f32 v3, v9  }
0x3d9: {  	v2 =	vadd.f32 v2, v10;
	[tilespmem:s25+$0x144B0] =	vst v4  }
0x3da: {  	[tilespmem:s25+$0x14530] =	vst v0;
	v0 =	vadd.f32 v1, v11  }
0x3db: {  	[tilespmem:s25+$0x145B0] =	vst v2;
	v1 =	vadd.f32 v7, v5  }
0x3dc: {  	[tilespmem:s25+$0x14630] =	vst v0;
	v0 =	vadd.f32 v6, v8  }
0x3dd: {  	[tilespmem:s25+$0x146B0] =	vst v1  }
0x3de: {  	[tilespmem:s25+$0x14730] =	vst v0  }
0x3df: {  	s17 =	rddreg [dreg:$0xe]  }
0x3e0: {  	s16 =	sshll.u32 s1, $0x4;
	s19 =	sld [smem:$0x7F3]  }
0x3e1: {  	s18 =	simm.s32 $0x0;
	s2 =	simm.s32 $0x14400;
	s0 =	sadd.s32 s17, s16  }
0x3e2: {  	[hbm4b:s0+s18] =	stream.linear.scatter [tilespmem:s2], [sflag:$0x8], $0x4000, $0x38;
	[tilespmem:$0x1E800] =	vst v63  }
0x3e3: {  	s20 =	simm.s32 $0x5;
	p0 =	seq.s32 s19, $0x1  }
0x3e4: {  	s2 =	rddreg [dreg:$0x1];
	s0 =	simm.s32 @!p0 $0x80;
	s1 =	simm.s32 @!p0 $0x4400  }
0x3e5: {  	[tilespmem:s1], [sflag:$0x4] =	stream.indirect.gather @!p0 [hbm4b:s2+s0], $0x80, s0, s0, $0xb8;
	[tilespmem:$0x1E800] =	vst v63  }
0x3e6: {  	_ =	swait.ge [sflag:s20], $0x4000  }
0x3e7: {  	[sflag:s20] =	ssyncset.done $0x0  }
0x3e8: {  	s21 =	simm.s32 $0x7;
	[sflag:s20] =	ssyncadd.s32 $0xFFFFC000  }
0x3e9: {  	_ =	swait.ge [sflag:s21], $0x4000  }
0x3ea: {  	s22 =	rddreg [dreg:$0xb]  }
0x3eb: {  	s0 =	sadd.s32 $0xFFFFFFF8, s22  }
0x3ec: {  	s23 =	sadd.s32 $0x30F, s0  }
0x3ed: {  	s1 =	simm.s32 $0x0;
	[sflag:s21] =	ssyncset.done $0x0;
	s2 =	sshll.u32 s23, $0x9  }
0x3ee: {  	s3 =	sadd.s32 $0x308, s0;
	p0 =	slt.u32 s23, $0xC8;
	s4 =	sadd.s32 $0xFFFE7000, s2  }
0x3ef: {  	[sflag:s21] =	ssyncadd.s32 $0xFFFFC000;
	s4 =	smov.u32 @p0 s2;
	s2 =	sshll.u32 s3, $0x9  }
0x3f0: {  	v0 =	vld [tilespmem:s1+$0x8780];
	p0 =	slt.u32 s3, $0xC8;
	s4 =	sshra.s32 s4, $0x2;
	s5 =	sadd.s32 $0xFFFE7000, s2  }
0x3f1: {  	v1 =	vld [tilespmem:s4+$0x18400];
	s5 =	smov.u32 @p0 s2  }
0x3f2: {  	v2 =	vld [tilespmem:s1+$0x8400];
	s2 =	sshra.s32 s5, $0x2  }
0x3f3: {  	v3 =	vld [tilespmem:s2+$0x18400];
	_ =	sdelay $0x2  }
0x3f4: {  	v4 =	vld [tilespmem:s1+$0x8580];
	v0 =	vadd.f32 v1, v0  }
0x3f5: {  	v5 =	vld [tilespmem:s1+$0x8600]  }
0x3f6: {  	v1 =	vld [tilespmem:s1+$0x8790];
	[tilespmem:s1+$0x10780] =	vst v0;
	v0 =	vadd.f32 v3, v2  }
0x3f7: {  	v2 =	vld [tilespmem:s4+$0x18410]  }
0x3f8: {  	v3 =	vld [tilespmem:s1+$0x8410];
	[tilespmem:s1+$0x10400] =	vst v0  }
0x3f9: {  	v0 =	vld [tilespmem:s2+$0x18410]  }
0x3fa: {  	v50 =	vld [tilespmem:s1+$0x8680]  }
0x3fb: {  	v53 =	vld [tilespmem:s1+$0x8490]  }
0x3fc: {  	v54 =	vld [tilespmem:s1+$0x8510];
	v1 =	vadd.f32 v2, v1  }
0x3fd: {  	v55 =	vld [tilespmem:s1+$0x8610]  }
0x3fe: {  	[tilespmem:s1+$0x10790] =	vst v1;
	v0 =	vadd.f32 v0, v3;
	v1 =	vld [tilespmem:s1+$0x87A0]  }
0x3ff: {  	v2 =	vld [tilespmem:s4+$0x18420]  }
0x400: {  	[tilespmem:s1+$0x10410] =	vst v0;
	v0 =	vld [tilespmem:s1+$0x8420]  }
0x401: {  	s25 =	sadd.s32 $0x309, s0;
	v3 =	vld [tilespmem:s2+$0x18420]  }
0x402: {  	v56 =	vld [tilespmem:s1+$0x8690];
	s6 =	sshll.u32 s25, $0x9  }
0x403: {  	v57 =	vld [tilespmem:s1+$0x8710];
	s8 =	sadd.s32 $0xFFFE7000, s6;
	p0 =	slt.u32 s25, $0xC8  }
0x404: {  	s26 =	sadd.s32 $0x30A, s0;
	v58 =	vld [tilespmem:s1+$0x8520];
	s8 =	smov.u32 @p0 s6;
	v1 =	vadd.f32 v2, v1  }
0x405: {  	s7 =	sadd.s32 $0x30B, s0;
	s28 =	sadd.s32 $0x30C, s0;
	v59 =	vld [tilespmem:s1+$0x85A0];
	s30 =	sshra.s32 s8, $0x2  }
0x406: {  	s29 =	sadd.s32 $0x30D, s0;
	p1 =	slt.u32 s7, $0xC8;
	s5 =	sshll.u32 s26, $0x9;
	v6 =	vld [tilespmem:s30+$0x18400];
	v0 =	vadd.f32 v3, v0;
	[tilespmem:s1+$0x107A0] =	vst v1  }
0x407: {  	p0 =	slt.u32 s26, $0xC8;
	v1 =	vld [tilespmem:s4+$0x18430];
	s4 =	sshll.u32 s7, $0x9;
	s7 =	sadd.s32 $0xFFFE7000, s5  }
0x408: {  	s0 =	sadd.s32 $0x30E, s0;
	v2 =	vld [tilespmem:s1+$0x8480];
	[tilespmem:s1+$0x10420] =	vst v0;
	s7 =	smov.u32 @p0 s5;
	s5 =	sshll.u32 s29, $0x9  }
0x409: {  	p0 =	slt.u32 s28, $0xC8;
	s9 =	sadd.s32 $0xFFFE7000, s4;
	v0 =	vld [tilespmem:s2+$0x18430];
	s2 =	sshll.u32 s28, $0x9  }
0x40a: {  	v3 =	vld [tilespmem:s1+$0x8500];
	s9 =	smov.u32 @p1 s4;
	s31 =	sshra.s32 s7, $0x2;
	p1 =	slt.u32 s29, $0xC8  }
0x40b: {  	s6 =	sadd.s32 $0xFFFE7000, s5;
	s4 =	sadd.s32 $0xFFFE7000, s2;
	s9 =	sshra.s32 s9, $0x2;
	v7 =	vld [tilespmem:s31+$0x18400]  }
0x40c: {  	s6 =	smov.u32 @p1 s5;
	s4 =	smov.u32 @p0 s2;
	s2 =	sshll.u32 s0, $0x9;
	v8 =	vld [tilespmem:s9+$0x18400]  }
0x40d: {  	v60 =	vld [tilespmem:s1+$0x8620];
	p0 =	slt.u32 s0, $0xC8;
	s0 =	sadd.s32 $0xFFFE7000, s2;
	s11 =	sshra.s32 s4, $0x2  }
0x40e: {  	s4 =	sshra.s32 s6, $0x2;
	s0 =	smov.u32 @p0 s2;
	v51 =	vld [tilespmem:s11+$0x18400]  }
0x40f: {  	v2 =	vadd.f32 v6, v2;
	v52 =	vld [tilespmem:s4+$0x18400];
	s0 =	sshra.s32 s0, $0x2  }
0x410: {  	v6 =	vld [tilespmem:s0+$0x18400]  }
0x411: {  	[tilespmem:s1+$0x10480] =	vst v2;
	v3 =	vadd.f32 v7, v3;
	v2 =	vadd.f32 v8, v4;
	v4 =	vld [tilespmem:s1+$0x8700]  }
0x412: {  	v61 =	vld [tilespmem:s1+$0x86A0]  }
0x413: {  	[tilespmem:s1+$0x10500] =	vst v3;
	v3 =	vld [tilespmem:s30+$0x18410]  }
0x414: {  	v5 =	vadd.f32 v51, v5;
	[tilespmem:s1+$0x10580] =	vst v2;
	v2 =	vld [tilespmem:s31+$0x18410]  }
0x415: {  	v9 =	vadd.f32 v52, v50;
	v7 =	vld [tilespmem:s9+$0x18410]  }
0x416: {  	[tilespmem:s1+$0x10600] =	vst v5;
	v4 =	vadd.f32 v6, v4;
	v6 =	vld [tilespmem:s1+$0x8590]  }
0x417: {  	[tilespmem:s1+$0x10680] =	vst v9;
	v8 =	vld [tilespmem:s11+$0x18410]  }
0x418: {  	v3 =	vadd.f32 v3, v53;
	[tilespmem:s1+$0x10700] =	vst v4;
	v4 =	vld [tilespmem:s4+$0x18410]  }
0x419: {  	v5 =	vld [tilespmem:s1+$0x87B0]  }
0x41a: {  	v2 =	vadd.f32 v2, v54;
	v12 =	vld [tilespmem:s0+$0x18410];
	[tilespmem:s1+$0x10490] =	vst v3  }
0x41b: {  	v3 =	vadd.f32 v7, v6;
	v6 =	vld [tilespmem:s30+$0x18420]  }
0x41c: {  	[tilespmem:s1+$0x10510] =	vst v2;
	v2 =	vadd.f32 v8, v55;
	v8 =	vld [tilespmem:s1+$0x84A0]  }
0x41d: {  	v7 =	vld [tilespmem:s31+$0x18420];
	[tilespmem:s1+$0x10590] =	vst v3;
	v4 =	vadd.f32 v4, v56  }
0x41e: {  	[tilespmem:s1+$0x10610] =	vst v2;
	v3 =	vld [tilespmem:s9+$0x18420]  }
0x41f: {  	v2 =	vld [tilespmem:s11+$0x18420];
	v11 =	vadd.f32 v12, v57;
	[tilespmem:s1+$0x10690] =	vst v4  }
0x420: {  	v1 =	vadd.f32 v1, v5;
	v13 =	vld [tilespmem:s4+$0x18420]  }
0x421: {  	[tilespmem:s1+$0x10710] =	vst v11;
	v4 =	vadd.f32 v6, v8;
	v8 =	vld [tilespmem:s1+$0x8720]  }
0x422: {  	[tilespmem:s1+$0x107B0] =	vst v1;
	v7 =	vadd.f32 v7, v58;
	v6 =	vld [tilespmem:s0+$0x18420]  }
0x423: {  	v5 =	vld [tilespmem:s1+$0x8430];
	[tilespmem:s1+$0x104A0] =	vst v4;
	v62 =	vadd.f32 v3, v59  }
0x424: {  	[tilespmem:s1+$0x10520] =	vst v7;
	v4 =	vld [tilespmem:s30+$0x18430];
	v7 =	vadd.f32 v2, v60  }
0x425: {  	v3 =	vld [tilespmem:s31+$0x18430];
	[tilespmem:s1+$0x105A0] =	vst v62;
	v63 =	vadd.f32 v13, v61  }
0x426: {  	[tilespmem:s1+$0x10620] =	vst v7;
	v2 =	vld [tilespmem:s9+$0x18430]  }
0x427: {  	s25 =	sadd.s32 $0x100, s24;
	v1 =	vld [tilespmem:s11+$0x18430];
	s9 =	simm.s32 $0x0;
	s11 =	simm.s32 $0x0;
	v6 =	vadd.f32 v6, v8;
	[tilespmem:s1+$0x106A0] =	vst v63  }
.LBB2_15:
0x428: {  	s2 =	rddreg [dreg:$0xb];
	s3 =	smov.u32 s11  }
0x429: {  	s11 =	sadd.s32 $0x8, s11;
	s9 =	sadd.s32 $0x1000, s9;
	s23 =	sadd.s32 s3, s2  }
0x42a: {  	p0 =	slt.u32 s11, $0x78;
	s10 =	sshra.s32 s9, $0x2;
	s2 =	sadd.s32 $0x308, s23  }
0x42b: {  	v7 =	vld [tilespmem:s1+$0x8530];
	s3 =	sadd.s32 $0x309, s23;
	s26 =	sadd.s32 $0x30F, s23;
	s5 =	sadd.s32 $0x30A, s23  }
0x42c: {  	v9 =	vld [tilespmem:s1+$0x8630];
	[tilespmem:s1+$0x10720] =	vst v6;
	s6 =	sadd.s32 $0x30B, s23;
	s12 =	sadd.s32 $0x30C, s23;
	s28 =	sadd.s32 $0x30D, s23  }
0x42d: {  	v6 =	vld [tilespmem:s0+$0x18430];
	s0 =	sadd.s32 $0x30E, s23;
	s7 =	sshll.u32 s26, $0x9;
	s15 =	sshll.u32 s5, $0x9  }
0x42e: {  	v8 =	vld [tilespmem:s1+$0x85B0];
	s17 =	sshll.u32 s12, $0x9;
	s18 =	sshll.u32 s28, $0x9;
	p3 =	slt.u32 s5, $0xC8;
	v0 =	vadd.f32 v0, v5  }
0x42f: {  	p5 =	slt.u32 s12, $0xC8;
	p6 =	slt.u32 s28, $0xC8;
	v5 =	vld [tilespmem:s4+$0x18430];
	s4 =	simm.s32 @!p0 $0x0  }
0x430: {  	s23 =	sadd.s32 $0xFFFE7000, s15;
	s30 =	sadd.s32 $0xFFFE7000, s17;
	s4 =	simm.s32 @p0 $0x1;
	v3 =	vadd.f32 v3, v7;
	[tilespmem:s1+$0x10430] =	vst v0;
	v0 =	vld [tilespmem:s1+$0x84B0]  }
0x431: {  	v10 =	vld [tilespmem:s1+$0x86B0];
	p0 =	slt.u32 s26, $0xC8;
	v1 =	vadd.f32 v1, v9;
	s23 =	smov.u32 @p3 s15;
	s30 =	smov.u32 @p5 s17  }
0x432: {  	v11 =	vld [tilespmem:s10+$0x8780];
	[smem:$0x7F1] =	sst s4;
	s4 =	sadd.s32 $0xFFFE7000, s7;
	s28 =	sshra.s32 s23, $0x2;
	[tilespmem:s1+$0x10530] =	vst v3  }
0x433: {  	s30 =	sshra.s32 s30, $0x2;
	s4 =	smov.u32 @p0 s7;
	[tilespmem:s1+$0x10630] =	vst v1;
	v53 =	vld [tilespmem:s28+$0x18400]  }
0x434: {  	s8 =	sshra.s32 s4, $0x2;
	s4 =	sshll.u32 s2, $0x9;
	v12 =	vld [tilespmem:s30+$0x18400]  }
0x435: {  	p1 =	slt.u32 s2, $0xC8;
	v7 =	vld [tilespmem:s8+$0x18400];
	s19 =	sadd.s32 $0xFFFE7000, s4;
	v0 =	vadd.f32 v4, v0  }
0x436: {  	s14 =	sshll.u32 s3, $0x9;
	s19 =	smov.u32 @p1 s4;
	v4 =	vld [tilespmem:s1+$0x8730]  }
0x437: {  	s21 =	sadd.s32 $0xFFFE7000, s14;
	p0 =	slt.u32 s3, $0xC8;
	s20 =	sshra.s32 s19, $0x2;
	[tilespmem:s1+$0x104B0] =	vst v0;
	v0 =	vadd.f32 v2, v8;
	v2 =	vld [tilespmem:s10+$0x8400]  }
0x438: {  	s21 =	smov.u32 @p0 s14;
	v8 =	vld [tilespmem:s20+$0x18400]  }
0x439: {  	s16 =	sshll.u32 s6, $0x9;
	s26 =	sshra.s32 s21, $0x2;
	v3 =	vld [tilespmem:s10+$0x8480]  }
0x43a: {  	p4 =	slt.u32 s6, $0xC8;
	s29 =	sadd.s32 $0xFFFE7000, s16;
	v52 =	vld [tilespmem:s26+$0x18400]  }
0x43b: {  	s29 =	smov.u32 @p4 s16;
	[tilespmem:s1+$0x105B0] =	vst v0;
	v0 =	vadd.f32 v5, v10;
	v5 =	vld [tilespmem:s10+$0x8500]  }
0x43c: {  	s29 =	sshra.s32 s29, $0x2;
	v1 =	vadd.f32 v6, v4;
	v4 =	vld [tilespmem:s10+$0x8580];
	v6 =	vadd.f32 v7, v11  }
0x43d: {  	v54 =	vld [tilespmem:s29+$0x18400]  }
0x43e: {  	[tilespmem:s10+$0x10780] =	vst v6;
	v6 =	vld [tilespmem:s10+$0x8790]  }
0x43f: {  	v7 =	vld [tilespmem:s8+$0x18410]  }
0x440: {  	[tilespmem:s1+$0x106B0] =	vst v0;
	v0 =	vld [tilespmem:s10+$0x8600]  }
0x441: {  	[tilespmem:s1+$0x10730] =	vst v1;
	v1 =	vld [tilespmem:s10+$0x8680];
	s1 =	smov.u32 s10  }
0x442: {  	s2 =	sadd.s32 $0xFFFE7000, s18;
	v55 =	vld [tilespmem:s1+$0x8410]  }
0x443: {  	s2 =	smov.u32 @p6 s18;
	v56 =	vld [tilespmem:s1+$0x8490]  }
0x444: {  	s4 =	sshra.s32 s2, $0x2;
	v57 =	vld [tilespmem:s1+$0x8590];
	v6 =	vadd.f32 v7, v6  }
0x445: {  	s22 =	sshll.u32 s0, $0x9;
	v2 =	vadd.f32 v8, v2;
	v7 =	vld [tilespmem:s4+$0x18400]  }
0x446: {  	p2 =	slt.u32 s0, $0xC8;
	s31 =	sadd.s32 $0xFFFE7000, s22;
	[tilespmem:s1+$0x10790] =	vst v6;
	v6 =	vld [tilespmem:s1+$0x87A0]  }
0x447: {  	s31 =	smov.u32 @p2 s22;
	v3 =	vadd.f32 v52, v3;
	[tilespmem:s1+$0x10400] =	vst v2;
	v2 =	vadd.f32 v53, v5;
	v5 =	vld [tilespmem:s8+$0x18420]  }
0x448: {  	s0 =	sshra.s32 s31, $0x2;
	v58 =	vld [tilespmem:s1+$0x8690]  }
0x449: {  	[tilespmem:s1+$0x10480] =	vst v3;
	v3 =	vadd.f32 v54, v4;
	v4 =	vld [tilespmem:s0+$0x18400]  }
0x44a: {  	[tilespmem:s1+$0x10500] =	vst v2;
	v2 =	vld [tilespmem:s1+$0x8700];
	v1 =	vadd.f32 v7, v1  }
0x44b: {  	v8 =	vld [tilespmem:s20+$0x18410]  }
0x44c: {  	v59 =	vld [tilespmem:s1+$0x8710];
	[tilespmem:s1+$0x10680] =	vst v1;
	v1 =	vadd.f32 v5, v6  }
0x44d: {  	v60 =	vld [tilespmem:s1+$0x8620]  }
0x44e: {  	[tilespmem:s1+$0x107A0] =	vst v1;
	v1 =	vld [tilespmem:s1+$0x87B0]  }
0x44f: {  	v0 =	vadd.f32 v12, v0;
	v2 =	vadd.f32 v4, v2;
	v4 =	vld [tilespmem:s8+$0x18430]  }
0x450: {  	[tilespmem:s1+$0x10580] =	vst v3;
	v3 =	vld [tilespmem:s26+$0x18410];
	v8 =	vadd.f32 v8, v55  }
0x451: {  	[tilespmem:s1+$0x10600] =	vst v0;
	v0 =	vld [tilespmem:s28+$0x18410]  }
0x452: {  	[tilespmem:s1+$0x10410] =	vst v8;
	v8 =	vld [tilespmem:s1+$0x8420]  }
0x453: {  	v5 =	vld [tilespmem:s29+$0x18410]  }
0x454: {  	v1 =	vadd.f32 v4, v1;
	v4 =	vld [tilespmem:s1+$0x8510]  }
0x455: {  	v6 =	vld [tilespmem:s30+$0x18410]  }
0x456: {  	[tilespmem:s1+$0x107B0] =	vst v1;
	v1 =	vld [tilespmem:s1+$0x8610]  }
0x457: {  	[tilespmem:s1+$0x10700] =	vst v2;
	v2 =	vld [tilespmem:s4+$0x18410]  }
0x458: {  	v3 =	vadd.f32 v3, v56;
	v7 =	vld [tilespmem:s0+$0x18410]  }
0x459: {  	v0 =	vadd.f32 v0, v4;
	v4 =	vld [tilespmem:s20+$0x18420]  }
0x45a: {  	v61 =	vld [tilespmem:s1+$0x86A0];
	[tilespmem:s1+$0x10490] =	vst v3;
	v3 =	vadd.f32 v5, v57  }
0x45b: {  	v63 =	vld [tilespmem:s1+$0x8720];
	[tilespmem:s1+$0x10510] =	vst v0;
	v0 =	vadd.f32 v6, v1  }
0x45c: {  	v5 =	vld [tilespmem:s26+$0x18420];
	v2 =	vadd.f32 v2, v58;
	[tilespmem:s1+$0x10590] =	vst v3  }
0x45d: {  	v3 =	vld [tilespmem:s29+$0x18420];
	[tilespmem:s1+$0x10610] =	vst v0;
	v0 =	vadd.f32 v7, v59  }
0x45e: {  	[tilespmem:s1+$0x10690] =	vst v2;
	v1 =	vld [tilespmem:s28+$0x18420];
	v2 =	vadd.f32 v4, v8  }
0x45f: {  	[tilespmem:s1+$0x10710] =	vst v0;
	v0 =	vld [tilespmem:s1+$0x84A0]  }
0x460: {  	[tilespmem:s1+$0x10420] =	vst v2;
	v2 =	vld [tilespmem:s1+$0x8520]  }
0x461: {  	v4 =	vld [tilespmem:s1+$0x85A0]  }
0x462: {  	s31 =	sld [smem:$0x7F1];
	v6 =	vld [tilespmem:s30+$0x18420]  }
0x463: {  	v7 =	vld [tilespmem:s4+$0x18420]  }
0x464: {  	v8 =	vld [tilespmem:s0+$0x18420];
	v62 =	vadd.f32 v5, v0  }
0x465: {  	p0 =	seq.s32 s31, $0x1;
	v0 =	vld [tilespmem:s20+$0x18430];
	v1 =	vadd.f32 v1, v2  }
.Ltmp6:
0x466: {  	v5 =	vld [tilespmem:s1+$0x8430];
	v2 =	vadd.f32 v3, v4;
	[tilespmem:s1+$0x104A0] =	vst v62;
	(pc) =	sbr.rel @p0 .LBB2_15-.Ltmp6, $4  }
0x467: {  	v4 =	vld [tilespmem:s26+$0x18430];
	[tilespmem:s1+$0x10520] =	vst v1;
	v1 =	vadd.f32 v6, v60  }
0x468: {  	v7 =	vadd.f32 v7, v61;
	[tilespmem:s1+$0x105A0] =	vst v2;
	v3 =	vld [tilespmem:s28+$0x18430]  }
0x469: {  	v2 =	vld [tilespmem:s29+$0x18430];
	[tilespmem:s1+$0x10620] =	vst v1  }
0x46a: {  	[tilespmem:s1+$0x106A0] =	vst v7;
	v6 =	vadd.f32 v8, v63;
	v1 =	vld [tilespmem:s30+$0x18430]  }
0x46b: {  	v7 =	vld [tilespmem:s4+$0x18430]  }
0x46c: {  	v8 =	vld [tilespmem:s1+$0x84B0]  }
0x46d: {  	v9 =	vld [tilespmem:s1+$0x8530]  }
0x46e: {  	v10 =	vld [tilespmem:s1+$0x85B0]  }
0x46f: {  	v11 =	vld [tilespmem:s1+$0x8630]  }
0x470: {  	v0 =	vadd.f32 v0, v5;
	v5 =	vld [tilespmem:s1+$0x86B0];
	[tilespmem:s1+$0x10720] =	vst v6  }
0x471: {  	v6 =	vld [tilespmem:s0+$0x18430]  }
0x472: {  	v4 =	vadd.f32 v4, v8;
	v8 =	vld [tilespmem:s1+$0x8730]  }
0x473: {  	[tilespmem:s1+$0x10430] =	vst v0;
	v0 =	vadd.f32 v3, v9  }
0x474: {  	v2 =	vadd.f32 v2, v10;
	[tilespmem:s1+$0x104B0] =	vst v4  }
0x475: {  	[tilespmem:s1+$0x10530] =	vst v0;
	v0 =	vadd.f32 v1, v11  }
0x476: {  	[tilespmem:s1+$0x105B0] =	vst v2;
	v1 =	vadd.f32 v7, v5  }
0x477: {  	[tilespmem:s1+$0x10630] =	vst v0;
	v0 =	vadd.f32 v6, v8  }
0x478: {  	[tilespmem:s1+$0x106B0] =	vst v1  }
0x479: {  	[tilespmem:s1+$0x10730] =	vst v0  }
0x47a: {  	s1 =	rddreg [dreg:$0xe]  }
0x47b: {  	s16 =	sshll.u32 s25, $0x4;
	s18 =	sld [smem:$0x7F3]  }
0x47c: {  	s17 =	simm.s32 $0x0;
	s2 =	simm.s32 $0x10400;
	s0 =	sadd.s32 s1, s16  }
0x47d: {  	[hbm4b:s0+s17] =	stream.linear.scatter [tilespmem:s2], [sflag:$0x7], $0x4000, $0x38;
	[tilespmem:$0x1E800] =	vst v63  }
0x47e: {  	s3 =	rddreg [dreg:$0x1];
	s19 =	simm.s32 $0x6;
	p0 =	seq.s32 s18, $0x1  }
0x47f: {  	s0 =	simm.s32 @!p0 $0x80;
	s1 =	simm.s32 @!p0 $0x100;
	s2 =	simm.s32 @!p0 $0x8400  }
0x480: {  	[tilespmem:s2], [sflag:$0x5] =	stream.indirect.gather @!p0 [hbm4b:s3+s0], $0x80, s1, s0, $0xb8;
	[tilespmem:$0x1E800] =	vst v63  }
0x481: {  	_ =	swait.ge [sflag:s19], $0x4000  }
0x482: {  	[sflag:s19] =	ssyncset.done $0x0  }
0x483: {  	s20 =	simm.s32 $0x8;
	[sflag:s19] =	ssyncadd.s32 $0xFFFFC000  }
0x484: {  	_ =	swait.ge [sflag:s20], $0x4000  }
0x485: {  	s21 =	rddreg [dreg:$0xc]  }
0x486: {  	s0 =	sadd.s32 $0xFFFFFFF8, s21  }
0x487: {  	s22 =	sadd.s32 $0x38F, s0  }
0x488: {  	s1 =	simm.s32 $0x0;
	[sflag:s20] =	ssyncset.done $0x0;
	s2 =	sshll.u32 s22, $0x9  }
0x489: {  	s23 =	sadd.s32 $0x388, s0;
	p0 =	slt.u32 s22, $0xC8;
	s4 =	sadd.s32 $0xFFFE7000, s2  }
0x48a: {  	[sflag:s20] =	ssyncadd.s32 $0xFFFFC000;
	s4 =	smov.u32 @p0 s2;
	s2 =	sshll.u32 s23, $0x9  }
0x48b: {  	v0 =	vld [tilespmem:s1+$0xC780];
	p0 =	slt.u32 s23, $0xC8;
	s4 =	sshra.s32 s4, $0x2;
	s5 =	sadd.s32 $0xFFFE7000, s2  }
0x48c: {  	v1 =	vld [tilespmem:s4+$0x18400];
	s5 =	smov.u32 @p0 s2  }
0x48d: {  	v2 =	vld [tilespmem:s1+$0xC400];
	s2 =	sshra.s32 s5, $0x2  }
0x48e: {  	v3 =	vld [tilespmem:s2+$0x18400];
	_ =	sdelay $0x2  }
0x48f: {  	v4 =	vld [tilespmem:s1+$0xC580];
	v0 =	vadd.f32 v1, v0  }
0x490: {  	v5 =	vld [tilespmem:s1+$0xC600]  }
0x491: {  	v1 =	vld [tilespmem:s1+$0xC790];
	[tilespmem:s1+$0x14780] =	vst v0;
	v0 =	vadd.f32 v3, v2  }
0x492: {  	v2 =	vld [tilespmem:s4+$0x18410]  }
0x493: {  	v3 =	vld [tilespmem:s1+$0xC410];
	[tilespmem:s1+$0x14400] =	vst v0  }
0x494: {  	v0 =	vld [tilespmem:s2+$0x18410]  }
0x495: {  	v50 =	vld [tilespmem:s1+$0xC680]  }
0x496: {  	v53 =	vld [tilespmem:s1+$0xC490]  }
0x497: {  	v54 =	vld [tilespmem:s1+$0xC510];
	v1 =	vadd.f32 v2, v1  }
0x498: {  	v55 =	vld [tilespmem:s1+$0xC610]  }
0x499: {  	[tilespmem:s1+$0x14790] =	vst v1;
	v0 =	vadd.f32 v0, v3;
	v1 =	vld [tilespmem:s1+$0xC7A0]  }
0x49a: {  	v2 =	vld [tilespmem:s4+$0x18420]  }
0x49b: {  	[tilespmem:s1+$0x14410] =	vst v0;
	v0 =	vld [tilespmem:s1+$0xC420]  }
0x49c: {  	s25 =	sadd.s32 $0x389, s0;
	v3 =	vld [tilespmem:s2+$0x18420]  }
0x49d: {  	v56 =	vld [tilespmem:s1+$0xC690];
	s6 =	sshll.u32 s25, $0x9  }
0x49e: {  	v57 =	vld [tilespmem:s1+$0xC710];
	s8 =	sadd.s32 $0xFFFE7000, s6;
	p0 =	slt.u32 s25, $0xC8  }
0x49f: {  	s26 =	sadd.s32 $0x38A, s0;
	v58 =	vld [tilespmem:s1+$0xC520];
	s8 =	smov.u32 @p0 s6;
	v1 =	vadd.f32 v2, v1  }
0x4a0: {  	s7 =	sadd.s32 $0x38B, s0;
	s28 =	sadd.s32 $0x38C, s0;
	v59 =	vld [tilespmem:s1+$0xC5A0];
	s30 =	sshra.s32 s8, $0x2  }
0x4a1: {  	s29 =	sadd.s32 $0x38D, s0;
	p1 =	slt.u32 s7, $0xC8;
	s5 =	sshll.u32 s26, $0x9;
	v6 =	vld [tilespmem:s30+$0x18400];
	v0 =	vadd.f32 v3, v0;
	[tilespmem:s1+$0x147A0] =	vst v1  }
0x4a2: {  	p0 =	slt.u32 s26, $0xC8;
	v1 =	vld [tilespmem:s4+$0x18430];
	s4 =	sshll.u32 s7, $0x9;
	s7 =	sadd.s32 $0xFFFE7000, s5  }
0x4a3: {  	s0 =	sadd.s32 $0x38E, s0;
	v2 =	vld [tilespmem:s1+$0xC480];
	[tilespmem:s1+$0x14420] =	vst v0;
	s7 =	smov.u32 @p0 s5;
	s5 =	sshll.u32 s29, $0x9  }
0x4a4: {  	p0 =	slt.u32 s28, $0xC8;
	s10 =	sadd.s32 $0xFFFE7000, s4;
	v0 =	vld [tilespmem:s2+$0x18430];
	s2 =	sshll.u32 s28, $0x9  }
0x4a5: {  	v3 =	vld [tilespmem:s1+$0xC500];
	s10 =	smov.u32 @p1 s4;
	s9 =	sshra.s32 s7, $0x2;
	p1 =	slt.u32 s29, $0xC8  }
0x4a6: {  	s6 =	sadd.s32 $0xFFFE7000, s5;
	s4 =	sadd.s32 $0xFFFE7000, s2;
	s31 =	sshra.s32 s10, $0x2;
	v7 =	vld [tilespmem:s9+$0x18400]  }
0x4a7: {  	s6 =	smov.u32 @p1 s5;
	s4 =	smov.u32 @p0 s2;
	s2 =	sshll.u32 s0, $0x9;
	v8 =	vld [tilespmem:s31+$0x18400]  }
0x4a8: {  	v60 =	vld [tilespmem:s1+$0xC620];
	p0 =	slt.u32 s0, $0xC8;
	s0 =	sadd.s32 $0xFFFE7000, s2;
	s11 =	sshra.s32 s4, $0x2  }
0x4a9: {  	s4 =	sshra.s32 s6, $0x2;
	s0 =	smov.u32 @p0 s2;
	v51 =	vld [tilespmem:s11+$0x18400]  }
0x4aa: {  	v2 =	vadd.f32 v6, v2;
	v52 =	vld [tilespmem:s4+$0x18400];
	s0 =	sshra.s32 s0, $0x2  }
0x4ab: {  	v6 =	vld [tilespmem:s0+$0x18400]  }
0x4ac: {  	[tilespmem:s1+$0x14480] =	vst v2;
	v3 =	vadd.f32 v7, v3;
	v2 =	vadd.f32 v8, v4;
	v4 =	vld [tilespmem:s1+$0xC700]  }
0x4ad: {  	v61 =	vld [tilespmem:s1+$0xC6A0]  }
0x4ae: {  	[tilespmem:s1+$0x14500] =	vst v3;
	v3 =	vld [tilespmem:s30+$0x18410]  }
0x4af: {  	v5 =	vadd.f32 v51, v5;
	[tilespmem:s1+$0x14580] =	vst v2;
	v2 =	vld [tilespmem:s9+$0x18410]  }
0x4b0: {  	v9 =	vadd.f32 v52, v50;
	v7 =	vld [tilespmem:s31+$0x18410]  }
0x4b1: {  	[tilespmem:s1+$0x14600] =	vst v5;
	v4 =	vadd.f32 v6, v4;
	v6 =	vld [tilespmem:s1+$0xC590]  }
0x4b2: {  	[tilespmem:s1+$0x14680] =	vst v9;
	v8 =	vld [tilespmem:s11+$0x18410]  }
0x4b3: {  	v3 =	vadd.f32 v3, v53;
	[tilespmem:s1+$0x14700] =	vst v4;
	v4 =	vld [tilespmem:s4+$0x18410]  }
0x4b4: {  	v5 =	vld [tilespmem:s1+$0xC7B0]  }
0x4b5: {  	v2 =	vadd.f32 v2, v54;
	v12 =	vld [tilespmem:s0+$0x18410];
	[tilespmem:s1+$0x14490] =	vst v3  }
0x4b6: {  	v3 =	vadd.f32 v7, v6;
	v6 =	vld [tilespmem:s30+$0x18420]  }
0x4b7: {  	[tilespmem:s1+$0x14510] =	vst v2;
	v2 =	vadd.f32 v8, v55;
	v8 =	vld [tilespmem:s1+$0xC4A0]  }
0x4b8: {  	v7 =	vld [tilespmem:s9+$0x18420];
	[tilespmem:s1+$0x14590] =	vst v3;
	v4 =	vadd.f32 v4, v56  }
0x4b9: {  	[tilespmem:s1+$0x14610] =	vst v2;
	v3 =	vld [tilespmem:s31+$0x18420]  }
0x4ba: {  	v2 =	vld [tilespmem:s11+$0x18420];
	v11 =	vadd.f32 v12, v57;
	[tilespmem:s1+$0x14690] =	vst v4  }
0x4bb: {  	v1 =	vadd.f32 v1, v5;
	v13 =	vld [tilespmem:s4+$0x18420]  }
0x4bc: {  	[tilespmem:s1+$0x14710] =	vst v11;
	v4 =	vadd.f32 v6, v8;
	v8 =	vld [tilespmem:s1+$0xC720]  }
0x4bd: {  	[tilespmem:s1+$0x147B0] =	vst v1;
	v7 =	vadd.f32 v7, v58;
	v6 =	vld [tilespmem:s0+$0x18420]  }
0x4be: {  	v5 =	vld [tilespmem:s1+$0xC430];
	[tilespmem:s1+$0x144A0] =	vst v4;
	v62 =	vadd.f32 v3, v59  }
0x4bf: {  	[tilespmem:s1+$0x14520] =	vst v7;
	v4 =	vld [tilespmem:s30+$0x18430];
	v7 =	vadd.f32 v2, v60  }
0x4c0: {  	v3 =	vld [tilespmem:s9+$0x18430];
	[tilespmem:s1+$0x145A0] =	vst v62;
	v63 =	vadd.f32 v13, v61  }
0x4c1: {  	[tilespmem:s1+$0x14620] =	vst v7;
	v2 =	vld [tilespmem:s31+$0x18430]  }
0x4c2: {  	s24 =	sadd.s32 $0x180, s24;
	s9 =	simm.s32 $0x0;
	v1 =	vld [tilespmem:s11+$0x18430];
	s11 =	simm.s32 $0x0;
	v6 =	vadd.f32 v6, v8;
	[tilespmem:s1+$0x146A0] =	vst v63  }
.LBB2_17:
0x4c3: {  	s2 =	rddreg [dreg:$0xc];
	s3 =	smov.u32 s11  }
0x4c4: {  	s11 =	sadd.s32 $0x8, s11;
	s9 =	sadd.s32 $0x1000, s9;
	s23 =	sadd.s32 s3, s2  }
0x4c5: {  	p0 =	slt.u32 s11, $0x78;
	s10 =	sshra.s32 s9, $0x2;
	s2 =	sadd.s32 $0x388, s23  }
0x4c6: {  	v7 =	vld [tilespmem:s1+$0xC530];
	s3 =	sadd.s32 $0x389, s23;
	s25 =	sadd.s32 $0x38F, s23;
	s5 =	sadd.s32 $0x38A, s23  }
0x4c7: {  	v9 =	vld [tilespmem:s1+$0xC630];
	[tilespmem:s1+$0x14720] =	vst v6;
	s6 =	sadd.s32 $0x38B, s23;
	s12 =	sadd.s32 $0x38C, s23;
	s26 =	sadd.s32 $0x38D, s23  }
0x4c8: {  	v6 =	vld [tilespmem:s0+$0x18430];
	s0 =	sadd.s32 $0x38E, s23;
	s7 =	sshll.u32 s25, $0x9;
	s15 =	sshll.u32 s5, $0x9  }
0x4c9: {  	v8 =	vld [tilespmem:s1+$0xC5B0];
	s17 =	sshll.u32 s12, $0x9;
	s18 =	sshll.u32 s26, $0x9;
	p3 =	slt.u32 s5, $0xC8;
	v0 =	vadd.f32 v0, v5  }
0x4ca: {  	p5 =	slt.u32 s12, $0xC8;
	p6 =	slt.u32 s26, $0xC8;
	v5 =	vld [tilespmem:s4+$0x18430];
	s4 =	simm.s32 @!p0 $0x0  }
0x4cb: {  	s23 =	sadd.s32 $0xFFFE7000, s15;
	s29 =	sadd.s32 $0xFFFE7000, s17;
	s4 =	simm.s32 @p0 $0x1;
	v3 =	vadd.f32 v3, v7;
	[tilespmem:s1+$0x14430] =	vst v0;
	v0 =	vld [tilespmem:s1+$0xC4B0]  }
0x4cc: {  	v10 =	vld [tilespmem:s1+$0xC6B0];
	p0 =	slt.u32 s25, $0xC8;
	v1 =	vadd.f32 v1, v9;
	s23 =	smov.u32 @p3 s15;
	s29 =	smov.u32 @p5 s17  }
0x4cd: {  	v11 =	vld [tilespmem:s10+$0xC780];
	[smem:$0x7F0] =	sst s4;
	s4 =	sadd.s32 $0xFFFE7000, s7;
	s26 =	sshra.s32 s23, $0x2;
	[tilespmem:s1+$0x14530] =	vst v3  }
0x4ce: {  	s29 =	sshra.s32 s29, $0x2;
	s4 =	smov.u32 @p0 s7;
	[tilespmem:s1+$0x14630] =	vst v1;
	v53 =	vld [tilespmem:s26+$0x18400]  }
0x4cf: {  	s8 =	sshra.s32 s4, $0x2;
	s4 =	sshll.u32 s2, $0x9;
	v12 =	vld [tilespmem:s29+$0x18400]  }
0x4d0: {  	p1 =	slt.u32 s2, $0xC8;
	v7 =	vld [tilespmem:s8+$0x18400];
	s19 =	sadd.s32 $0xFFFE7000, s4;
	v0 =	vadd.f32 v4, v0  }
0x4d1: {  	s14 =	sshll.u32 s3, $0x9;
	s19 =	smov.u32 @p1 s4;
	v4 =	vld [tilespmem:s1+$0xC730]  }
0x4d2: {  	s21 =	sadd.s32 $0xFFFE7000, s14;
	p0 =	slt.u32 s3, $0xC8;
	s20 =	sshra.s32 s19, $0x2;
	[tilespmem:s1+$0x144B0] =	vst v0;
	v0 =	vadd.f32 v2, v8;
	v2 =	vld [tilespmem:s10+$0xC400]  }
0x4d3: {  	s21 =	smov.u32 @p0 s14;
	v8 =	vld [tilespmem:s20+$0x18400]  }
0x4d4: {  	s16 =	sshll.u32 s6, $0x9;
	s25 =	sshra.s32 s21, $0x2;
	v3 =	vld [tilespmem:s10+$0xC480]  }
0x4d5: {  	p4 =	slt.u32 s6, $0xC8;
	s28 =	sadd.s32 $0xFFFE7000, s16;
	v52 =	vld [tilespmem:s25+$0x18400]  }
0x4d6: {  	s28 =	smov.u32 @p4 s16;
	[tilespmem:s1+$0x145B0] =	vst v0;
	v0 =	vadd.f32 v5, v10;
	v5 =	vld [tilespmem:s10+$0xC500]  }
0x4d7: {  	s28 =	sshra.s32 s28, $0x2;
	v1 =	vadd.f32 v6, v4;
	v4 =	vld [tilespmem:s10+$0xC580];
	v6 =	vadd.f32 v7, v11  }
0x4d8: {  	v54 =	vld [tilespmem:s28+$0x18400]  }
0x4d9: {  	[tilespmem:s10+$0x14780] =	vst v6;
	v6 =	vld [tilespmem:s10+$0xC790]  }
0x4da: {  	v7 =	vld [tilespmem:s8+$0x18410]  }
0x4db: {  	[tilespmem:s1+$0x146B0] =	vst v0;
	v0 =	vld [tilespmem:s10+$0xC600]  }
0x4dc: {  	[tilespmem:s1+$0x14730] =	vst v1;
	v1 =	vld [tilespmem:s10+$0xC680];
	s1 =	smov.u32 s10  }
0x4dd: {  	s2 =	sadd.s32 $0xFFFE7000, s18;
	v55 =	vld [tilespmem:s1+$0xC410]  }
0x4de: {  	s2 =	smov.u32 @p6 s18;
	v56 =	vld [tilespmem:s1+$0xC490]  }
0x4df: {  	s4 =	sshra.s32 s2, $0x2;
	v57 =	vld [tilespmem:s1+$0xC590];
	v6 =	vadd.f32 v7, v6  }
0x4e0: {  	s22 =	sshll.u32 s0, $0x9;
	v2 =	vadd.f32 v8, v2;
	v7 =	vld [tilespmem:s4+$0x18400]  }
0x4e1: {  	p2 =	slt.u32 s0, $0xC8;
	s30 =	sadd.s32 $0xFFFE7000, s22;
	[tilespmem:s1+$0x14790] =	vst v6;
	v6 =	vld [tilespmem:s1+$0xC7A0]  }
0x4e2: {  	s30 =	smov.u32 @p2 s22;
	v3 =	vadd.f32 v52, v3;
	[tilespmem:s1+$0x14400] =	vst v2;
	v2 =	vadd.f32 v53, v5;
	v5 =	vld [tilespmem:s8+$0x18420]  }
0x4e3: {  	s0 =	sshra.s32 s30, $0x2;
	v58 =	vld [tilespmem:s1+$0xC690]  }
0x4e4: {  	[tilespmem:s1+$0x14480] =	vst v3;
	v3 =	vadd.f32 v54, v4;
	v4 =	vld [tilespmem:s0+$0x18400]  }
0x4e5: {  	[tilespmem:s1+$0x14500] =	vst v2;
	v2 =	vld [tilespmem:s1+$0xC700];
	v1 =	vadd.f32 v7, v1  }
0x4e6: {  	v8 =	vld [tilespmem:s20+$0x18410]  }
0x4e7: {  	v59 =	vld [tilespmem:s1+$0xC710];
	[tilespmem:s1+$0x14680] =	vst v1;
	v1 =	vadd.f32 v5, v6  }
0x4e8: {  	v60 =	vld [tilespmem:s1+$0xC620]  }
0x4e9: {  	[tilespmem:s1+$0x147A0] =	vst v1;
	v1 =	vld [tilespmem:s1+$0xC7B0]  }
0x4ea: {  	v0 =	vadd.f32 v12, v0;
	v2 =	vadd.f32 v4, v2;
	v4 =	vld [tilespmem:s8+$0x18430]  }
0x4eb: {  	[tilespmem:s1+$0x14580] =	vst v3;
	v3 =	vld [tilespmem:s25+$0x18410];
	v8 =	vadd.f32 v8, v55  }
0x4ec: {  	[tilespmem:s1+$0x14600] =	vst v0;
	v0 =	vld [tilespmem:s26+$0x18410]  }
0x4ed: {  	[tilespmem:s1+$0x14410] =	vst v8;
	v8 =	vld [tilespmem:s1+$0xC420]  }
0x4ee: {  	v5 =	vld [tilespmem:s28+$0x18410]  }
0x4ef: {  	v1 =	vadd.f32 v4, v1;
	v4 =	vld [tilespmem:s1+$0xC510]  }
0x4f0: {  	v6 =	vld [tilespmem:s29+$0x18410]  }
0x4f1: {  	[tilespmem:s1+$0x147B0] =	vst v1;
	v1 =	vld [tilespmem:s1+$0xC610]  }
0x4f2: {  	[tilespmem:s1+$0x14700] =	vst v2;
	v2 =	vld [tilespmem:s4+$0x18410]  }
0x4f3: {  	v3 =	vadd.f32 v3, v56;
	v7 =	vld [tilespmem:s0+$0x18410]  }
0x4f4: {  	v0 =	vadd.f32 v0, v4;
	v4 =	vld [tilespmem:s20+$0x18420]  }
0x4f5: {  	v61 =	vld [tilespmem:s1+$0xC6A0];
	[tilespmem:s1+$0x14490] =	vst v3;
	v3 =	vadd.f32 v5, v57  }
0x4f6: {  	v63 =	vld [tilespmem:s1+$0xC720];
	[tilespmem:s1+$0x14510] =	vst v0;
	v0 =	vadd.f32 v6, v1  }
0x4f7: {  	v5 =	vld [tilespmem:s25+$0x18420];
	v2 =	vadd.f32 v2, v58;
	[tilespmem:s1+$0x14590] =	vst v3  }
0x4f8: {  	v3 =	vld [tilespmem:s28+$0x18420];
	[tilespmem:s1+$0x14610] =	vst v0;
	v0 =	vadd.f32 v7, v59  }
0x4f9: {  	[tilespmem:s1+$0x14690] =	vst v2;
	v1 =	vld [tilespmem:s26+$0x18420];
	v2 =	vadd.f32 v4, v8  }
0x4fa: {  	[tilespmem:s1+$0x14710] =	vst v0;
	v0 =	vld [tilespmem:s1+$0xC4A0]  }
0x4fb: {  	[tilespmem:s1+$0x14420] =	vst v2;
	v2 =	vld [tilespmem:s1+$0xC520]  }
0x4fc: {  	v4 =	vld [tilespmem:s1+$0xC5A0]  }
0x4fd: {  	s31 =	sld [smem:$0x7F0];
	v6 =	vld [tilespmem:s29+$0x18420]  }
0x4fe: {  	v7 =	vld [tilespmem:s4+$0x18420]  }
0x4ff: {  	v8 =	vld [tilespmem:s0+$0x18420];
	v62 =	vadd.f32 v5, v0  }
0x500: {  	p0 =	seq.s32 s31, $0x1;
	v0 =	vld [tilespmem:s20+$0x18430];
	v1 =	vadd.f32 v1, v2  }
.Ltmp7:
0x501: {  	v5 =	vld [tilespmem:s1+$0xC430];
	v2 =	vadd.f32 v3, v4;
	[tilespmem:s1+$0x144A0] =	vst v62;
	(pc) =	sbr.rel @p0 .LBB2_17-.Ltmp7, $4  }
0x502: {  	v4 =	vld [tilespmem:s25+$0x18430];
	[tilespmem:s1+$0x14520] =	vst v1;
	v1 =	vadd.f32 v6, v60  }
0x503: {  	v7 =	vadd.f32 v7, v61;
	[tilespmem:s1+$0x145A0] =	vst v2;
	v3 =	vld [tilespmem:s26+$0x18430]  }
0x504: {  	v2 =	vld [tilespmem:s28+$0x18430];
	[tilespmem:s1+$0x14620] =	vst v1  }
0x505: {  	[tilespmem:s1+$0x146A0] =	vst v7;
	v6 =	vadd.f32 v8, v63;
	v1 =	vld [tilespmem:s29+$0x18430]  }
0x506: {  	v7 =	vld [tilespmem:s4+$0x18430]  }
0x507: {  	v8 =	vld [tilespmem:s1+$0xC4B0]  }
0x508: {  	v9 =	vld [tilespmem:s1+$0xC530]  }
0x509: {  	v10 =	vld [tilespmem:s1+$0xC5B0]  }
0x50a: {  	v11 =	vld [tilespmem:s1+$0xC630]  }
0x50b: {  	v58 =	vld [tilespmem:s1+$0xC6B0]  }
0x50c: {  	v0 =	vadd.f32 v0, v5;
	v59 =	vld [tilespmem:s1+$0xC730];
	[tilespmem:s1+$0x14720] =	vst v6  }
0x50d: {  	v6 =	vld [tilespmem:s0+$0x18430];
	v4 =	vadd.f32 v4, v8  }
0x50e: {  	[tilespmem:s1+$0x14430] =	vst v0;
	v60 =	vadd.f32 v3, v9  }
0x50f: {  	v2 =	vadd.f32 v2, v10;
	[tilespmem:s1+$0x144B0] =	vst v4  }
0x510: {  	v61 =	vadd.f32 v1, v11;
	[tilespmem:s1+$0x14530] =	vst v60  }
0x511: {  	v62 =	vadd.f32 v7, v58;
	[tilespmem:s1+$0x145B0] =	vst v2  }
0x512: {  	[tilespmem:s1+$0x14630] =	vst v61;
	v63 =	vadd.f32 v6, v59  }
0x513: {  	[tilespmem:s1+$0x146B0] =	vst v62  }
0x514: {  	s3 =	rddreg [dreg:$0x1];
	[tilespmem:s1+$0x14730] =	vst v63  }
0x515: {  	s1 =	rddreg [dreg:$0xe]  }
0x516: {  	s26 =	sld [smem:$0x7F3]  }
0x517: {  	s10 =	sld [smem:$0x7FC]  }
0x518: {  	s24 =	sshll.u32 s24, $0x4;
	s7 =	simm.s32 $0x0;
	s9 =	sld [smem:$0x7FA]  }
0x519: {  	s25 =	simm.s32 $0x14400;
	s6 =	sld [smem:$0x7F9];
	s0 =	sadd.s32 s1, s24  }
0x51a: {  	[hbm4b:s0+s7] =	stream.linear.scatter [tilespmem:s25], [sflag:$0x8], $0x4000, $0x38;
	[tilespmem:$0x1E800] =	vst v63  }
0x51b: {  	s5 =	sld [smem:$0x7F8];
	p0 =	seq.s32 s26, $0x1;
	s10 =	sadd.s32 $0x1, s10  }
0x51c: {  	s0 =	simm.s32 @!p0 $0x80;
	s1 =	simm.s32 @!p0 $0x180;
	s2 =	simm.s32 @!p0 $0xC400  }
0x51d: {  	[tilespmem:s2], [sflag:$0x6] =	stream.indirect.gather @!p0 [hbm4b:s3+s0], $0x80, s1, s0, $0xb8;
	[tilespmem:$0x1E800] =	vst v63  }
0x51e: {  	s28 =	rddreg [dreg:$0x1f];
	p0 =	sne.s32 s10, $0x19  }
.Ltmp8:
0x51f: {  	s29 =	rddreg [dreg:$0x1e];
	(pc) =	sbr.rel @p0 .LBB2_2-.Ltmp8, $4  }
0x520: {  	s13 =	sadd.s32 $0x400, s13;
	s30 =	rddreg [dreg:$0x1d]  }
0x521: {  	s16 =	simm.s32 $0x200;
	s31 =	rddreg [dreg:$0x1c];
	s4 =	sadd.s32 $0x400, s28  }
0x522: {  	s9 =	sadd.s32 $0x400, s9;
	s6 =	sadd.s32 $0x400, s6;
	s5 =	sadd.s32 $0x400, s5  }
0x523: {  	s2 =	sadd.s32 $0x400, s29;
	s1 =	sadd.s32 $0x400, s30;
	s0 =	sadd.s32 $0x400, s31  }
0x524: {  	s0 =	simm.s32 $0x7  }
0x525: {  	_ =	swait.ge [sflag:s0], $0x4000  }
0x526: {  	[sflag:s0] =	ssyncset.done $0x0  }
0x527: {  	s1 =	simm.s32 $0x8;
	[sflag:s0] =	ssyncadd.s32 $0xFFFFC000  }
0x528: {  	_ =	swait.ge [sflag:s1], $0x4000  }
0x529: {  	s2 =	rddreg [dreg:$0x1b]  }
0x52a: {  	s31 =	rddreg [dreg:$0x13];
	s2 =	sadd.s32 $0x1, s2  }
0x52b: {  	p0 =	sne.s32 s2, s31  }
.Ltmp9:
0x52c: {  	_ = 	snop;
	(pc) =	sbr.rel @p0 .LBB2_1-.Ltmp9, $3  }
0x52d: {  	_ =	sdelay $0x1  }
0x52e: {  	[sflag:s1] =	ssyncset.done $0x0  }
0x52f: {  	[sflag:s1] =	ssyncadd.s32 $0xFFFFC000  }
0x530: {  	_ =	sfence.sel $0x180000  }
0x531: {  	[bflag:$0x0] =	sbarrier.arrive $0xFFFF  }
0x532: {  	_ =	strace $0x90000047  }
0x533: {  	s0 =	stileid.u32;
	[bflag:$0x2] =	sbarrier.arrive $0xFFFF  }
0x534: {  	p0 =	sne.s32 s0, $0x0;
	s0 =	rddreg [dreg:$0x4]  }
0x535: {  	s0 =	sadd.s32 @!p0 $0x100000, s0  }
0x536: {  	[sflag:s0] =	ssyncadd.tile.s32 @!p0 $0x1;
	_ =	shalt  }
.Lfunc_end2:
_tile_overlayer_lowered:
.L_overlay_start_2:
0x537: {  	(tag) =	ssettag $0x2  }
0x538: {  	s0 =	rddreg [dreg:$0x0];
	s2 =	stileid.u32  }
0x539: {  	s1 =	rddreg [dreg:$0x1];
	p0 =	sne.s32 s2, $0x0  }
0x53a: {  	s3 =	rddreg [dreg:$0x2];
	[bflag:$0x3] =	sbarrier.arrive $0xFFFF;
	s2 =	simm.s32 @!p0 $0x1C09  }
0x53b: {  	[timem:s3], [sflag:s2] =	dma.local @!p0 [hbm:s0], s1  }
0x53c: {  	s0 =	simm.s32 @!p0 $0x9  }
0x53d: {  	_ =	swait.ge @!p0 [sflag:s0], s1  }
0x53e: {  	s1 =	ssub.s32 @!p0 $0x0, s1;
	[sflag:s0] =	ssyncset.done @!p0 $0x0  }
0x53f: {  	[sflag:s0] =	ssyncadd.s32 @!p0 s1  }
0x540: {  	[bflag:$0x3] =	sbarrier.arrive $0xFFFF  }
0x541: {  	_ =	shalt  }

</sc_bundles>
